<compile_context>
chip_gen: v7x
topology: tpu7x:2x2x1
jax: 0.10.2.dev20260603
libtpu: 0.0.44.dev20260713+nightly
codegen_flags: <defaults>
</compile_context>

<pallas_src>
import functools

import jax
import jax.numpy as jnp
from jax import lax
from jax.experimental import pallas as pl
from jax.experimental.pallas import tpu as pltpu
from jax.experimental.pallas import tpu_sc as plsc

N = 10000
E = 320000
D = 128
H = 128
C = 16
G = 64

NC = 2
NS = 16
NPC = N // NC
ACCR = NPC + NS
EPT = E // NS
K = 80
NCH = EPT // K
DW = 32
NB = 2

WB = 312
WBT = NPC - 15 * WB
ZR = 312
ZRT = ACCR - 15 * ZR

_MESH = dict(core_axis_name="c", subcore_axis_name="s")
_F32 = jnp.float32
_HIGH = lax.Precision.HIGHEST



def _remap(dst_v, dst2_v, c, s):
    base = c * NPC
    dump = NPC + s

    def rm(j, carry):
        for l in range(K // 16):
            v = dst_v[j, pl.ds(l * 16, 16)]
            inr = (v >= base) & (v < base + NPC)
            dst2_v[j, pl.ds(l * 16, 16)] = jnp.where(inr, v - base, dump)
        return carry

    lax.fori_loop(0, NCH, rm, 0)


def _zero_init(z_hbm, acc_sh, s):
    zoff = pl.multiple_of(s * ZR, 8)

    @pl.when(s < 15)
    def _():
        pltpu.sync_copy(z_hbm.at[pl.ds(zoff, ZR)], acc_sh.at[pl.ds(zoff, ZR)])

    @pl.when(s == 15)
    def _():
        pltpu.sync_copy(z_hbm.at[pl.ds(15 * ZR, ZRT)],
                        acc_sh.at[pl.ds(15 * ZR, ZRT)])


def _writeback(acc_sh, out_hbm, c, s):
    woff = pl.multiple_of(s * WB, 8)
    base = pl.multiple_of(c * NPC, 8)

    @pl.when(s < 15)
    def _():
        pltpu.sync_copy(acc_sh.at[pl.ds(woff, WB)],
                        out_hbm.at[pl.ds(base + woff, WB)])

    @pl.when(s == 15)
    def _():
        pltpu.sync_copy(acc_sh.at[pl.ds(15 * WB, WBT)],
                        out_hbm.at[pl.ds(base + 15 * WB, WBT)])


def _sc_deg(dstr, zeros16, ones16):

    @functools.partial(
        pl.kernel,
        out_type=jax.ShapeDtypeStruct((N, DW), _F32),
        mesh=plsc.VectorSubcoreMesh(**_MESH),
        scratch_types=[
            pltpu.VMEM((NCH, K), jnp.int32),
            pltpu.VMEM((NCH, K), jnp.int32),
            pltpu.VMEM((K, DW), _F32),
            pltpu.VMEM_SHARED((ACCR, DW), _F32),
            pltpu.SemaphoreType.DMA,
        ],
    )
    def body(dst_hbm, z_hbm, ones_hbm, out_hbm, dst_v, dst2_v, ones_v,
             acc_sh, sem):
        c = lax.axis_index("c")
        s = lax.axis_index("s")
        pltpu.sync_copy(dst_hbm.at[s], dst_v)
        pltpu.sync_copy(ones_hbm, ones_v)
        _remap(dst_v, dst2_v, c, s)
        _zero_init(z_hbm, acc_sh, s)
        plsc.subcore_barrier()

        def it(j, carry):
            pltpu.sync_copy(ones_v, acc_sh.at[dst2_v.at[j]], add=True)
            return carry

        lax.fori_loop(0, NCH, it, 0)
        plsc.subcore_barrier()
        _writeback(acc_sh, out_hbm, c, s)

    return body(dstr, zeros16, ones16)


def _sc_agg(h, srcr, dstr, zeros):

    @functools.partial(
        pl.kernel,
        out_type=jax.ShapeDtypeStruct((N, H), _F32),
        mesh=plsc.VectorSubcoreMesh(**_MESH),
        scratch_types=[
            pltpu.VMEM((NCH, K), jnp.int32),
            pltpu.VMEM((NCH, K), jnp.int32),
            pltpu.VMEM((NB, K, H), _F32),
            pltpu.VMEM_SHARED((ACCR, H), _F32),
            pltpu.SemaphoreType.DMA((NB,)),
            pltpu.SemaphoreType.DMA((NB,)),
        ],
    )
    def body(h_hbm, src_hbm, dst_hbm, z_hbm, out_hbm,
             src_v, dst2_v, rows_v, acc_sh, gsems, ssems):
        c = lax.axis_index("c")
        s = lax.axis_index("s")
        pltpu.sync_copy(dst_hbm.at[s], dst2_v)
        _remap(dst2_v, dst2_v, c, s)
        pltpu.sync_copy(src_hbm.at[s], src_v)
        _zero_init(z_hbm, acc_sh, s)

        pltpu.async_copy(h_hbm.at[src_v.at[0]], rows_v.at[0], gsems.at[0])
        plsc.subcore_barrier()

        def it(j, carry):
            cur = lax.rem(j, NB)
            nxt = lax.rem(j + 1, NB)

            @pl.when(j >= NB - 1)
            def _():
                jo = j - (NB - 1)
                ko = lax.rem(jo, NB)
                pltpu.make_async_copy(rows_v.at[ko],
                                      acc_sh.at[dst2_v.at[jo]],
                                      ssems.at[ko]).wait()

            @pl.when(j + 1 < NCH)
            def _():
                pltpu.async_copy(h_hbm.at[src_v.at[j + 1]],
                                 rows_v.at[nxt], gsems.at[nxt])

            pltpu.make_async_copy(h_hbm.at[src_v.at[j]],
                                  rows_v.at[cur], gsems.at[cur]).wait()
            pltpu.async_copy(rows_v.at[cur], acc_sh.at[dst2_v.at[j]],
                             ssems.at[cur], add=True)
            return carry

        lax.fori_loop(0, NCH, it, 0)

        for t in range(NB - 1):
            jo = NCH - (NB - 1) + t
            pltpu.make_async_copy(rows_v.at[jo % NB],
                                  acc_sh.at[dst2_v.at[jo]],
                                  ssems.at[jo % NB]).wait()

        plsc.subcore_barrier()
        _writeback(acc_sh, out_hbm, c, s)

    return body(h, srcr, dstr, zeros)



BN = 1000
NBLK = N // BN


def _tc_matmul1(x, W1):

    def body(x_ref, w_ref, g_ref):
        g_ref[...] = jnp.dot(x_ref[...], w_ref[...],
                             preferred_element_type=_F32, precision=_HIGH)

    return pl.pallas_call(
        body,
        grid=(NBLK,),
        in_specs=[
            pl.BlockSpec((BN, D), lambda i: (i, 0)),
            pl.BlockSpec((D, H), lambda i: (0, 0)),
        ],
        out_specs=pl.BlockSpec((BN, H), lambda i: (i, 0)),
        out_shape=jax.ShapeDtypeStruct((N, H), _F32),
    )(x, W1)


def _tc_scale(g1, dp):

    def body(g_ref, dp_ref, h_ref, dinv_ref):
        dinv = lax.rsqrt(dp_ref[:, 0:1] + 1.0)
        dinv_ref[...] = dinv
        h_ref[...] = dinv * g_ref[...]

    return pl.pallas_call(
        body,
        grid=(NBLK,),
        in_specs=[
            pl.BlockSpec((BN, H), lambda i: (i, 0)),
            pl.BlockSpec((BN, DW), lambda i: (i, 0)),
        ],
        out_specs=[
            pl.BlockSpec((BN, H), lambda i: (i, 0)),
            pl.BlockSpec((BN, 1), lambda i: (i, 0)),
        ],
        out_shape=[
            jax.ShapeDtypeStruct((N, H), _F32),
            jax.ShapeDtypeStruct((N, 1), _F32),
        ],
    )(g1, dp)


def _onehot(batch_blk):
    return (batch_blk == lax.broadcasted_iota(jnp.int32, (BN, G), 1)
            ).astype(_F32)


def _tc_stats(agg, hp, dinv, b, batch2):

    def body(a_ref, hp_ref, dinv_ref, b_ref, bat_ref, h_ref, s1_ref,
             sq_ref, cnt_ref):
        i = pl.program_id(0)
        hblk = jnp.maximum(
            dinv_ref[...] * (a_ref[...] + hp_ref[...]) + b_ref[...], 0.0)
        h_ref[...] = hblk
        M = _onehot(bat_ref[...])
        s1 = lax.dot_general(M, hblk, (((0,), (0,)), ((), ())),
                             precision=_HIGH, preferred_element_type=_F32)
        sq = lax.dot_general(M, hblk * hblk, (((0,), (0,)), ((), ())),
                             precision=_HIGH, preferred_element_type=_F32)
        cnt = lax.dot_general(M, jnp.ones((BN, 1), _F32),
                              (((0,), (0,)), ((), ())),
                              precision=_HIGH, preferred_element_type=_F32)

        @pl.when(i == 0)
        def _():
            s1_ref[...] = s1
            sq_ref[...] = sq
            cnt_ref[...] = cnt

        @pl.when(i > 0)
        def _():
            s1_ref[...] += s1
            sq_ref[...] += sq
            cnt_ref[...] += cnt

    return pl.pallas_call(
        body,
        grid=(NBLK,),
        in_specs=[
            pl.BlockSpec((BN, H), lambda i: (i, 0)),
            pl.BlockSpec((BN, H), lambda i: (i, 0)),
            pl.BlockSpec((BN, 1), lambda i: (i, 0)),
            pl.BlockSpec((1, H), lambda i: (0, 0)),
            pl.BlockSpec((BN, 1), lambda i: (i, 0)),
        ],
        out_specs=[
            pl.BlockSpec((BN, H), lambda i: (i, 0)),
            pl.BlockSpec((G, H), lambda i: (0, 0)),
            pl.BlockSpec((G, H), lambda i: (0, 0)),
            pl.BlockSpec((G, 1), lambda i: (0, 0)),
        ],
        out_shape=[
            jax.ShapeDtypeStruct((N, H), _F32),
            jax.ShapeDtypeStruct((G, H), _F32),
            jax.ShapeDtypeStruct((G, H), _F32),
            jax.ShapeDtypeStruct((G, 1), _F32),
        ],
    )(agg, hp, dinv, b, batch2)


def _tc_norm(h, batch2, s1, sq, cnt, gna, gnw, gnb, dinv, Wn):

    def body(h_ref, bat_ref, s1_ref, sq_ref, cnt_ref, a_ref, w_ref, b_ref,
             dinv_ref, wn_ref, out_ref):
        cntc = jnp.maximum(cnt_ref[...], 1.0)
        mean = s1_ref[...] / cntc
        a = a_ref[...]
        var = sq_ref[...] / cntc - (2.0 * a - a * a) * mean * mean
        rstd = lax.rsqrt(var + 1e-5)
        M = _onehot(bat_ref[...])
        meanb = jnp.dot(M, a * mean, preferred_element_type=_F32,
                        precision=_HIGH)
        rstdb = jnp.dot(M, rstd, preferred_element_type=_F32,
                        precision=_HIGH)
        hn = (h_ref[...] - meanb) * rstdb * w_ref[...] + b_ref[...]
        out_ref[...] = dinv_ref[...] * jnp.dot(hn, wn_ref[...],
                                               preferred_element_type=_F32,
                                               precision=_HIGH)

    return pl.pallas_call(
        body,
        grid=(NBLK,),
        in_specs=[
            pl.BlockSpec((BN, H), lambda i: (i, 0)),
            pl.BlockSpec((BN, 1), lambda i: (i, 0)),
            pl.BlockSpec((G, H), lambda i: (0, 0)),
            pl.BlockSpec((G, H), lambda i: (0, 0)),
            pl.BlockSpec((G, 1), lambda i: (0, 0)),
            pl.BlockSpec((1, H), lambda i: (0, 0)),
            pl.BlockSpec((1, H), lambda i: (0, 0)),
            pl.BlockSpec((1, H), lambda i: (0, 0)),
            pl.BlockSpec((BN, 1), lambda i: (i, 0)),
            pl.BlockSpec((H, H), lambda i: (0, 0)),
        ],
        out_specs=pl.BlockSpec((BN, H), lambda i: (i, 0)),
        out_shape=jax.ShapeDtypeStruct((N, H), _F32),
    )(h, batch2, s1, sq, cnt, gna, gnw, gnb, dinv, Wn)


def _tc_final(agg, hp, dinv, b, batch1, Wl, bl):

    def body(a_ref, hp_ref, dinv_ref, b_ref, bat_ref, wl_ref, bl_ref,
             out_ref, h3_ref, bm_ref, pool_ref):
        h3 = dinv_ref[...] * (a_ref[...] + hp_ref[...]) + b_ref[...]
        h3_ref[...] = h3
        bm_ref[...] = jnp.max(h3.reshape(N // 8, 8, H), axis=1)
        pool_ref[...] = jnp.full((G, H), -1e30, _F32)

        def upd(g, row):
            pool_ref[pl.ds(g, 1), :] = jnp.maximum(pool_ref[pl.ds(g, 1), :],
                                                   row)

        def it(j, carry):
            g0 = bat_ref[8 * j]
            g1 = bat_ref[8 * j + 7]

            @pl.when(g0 == g1)
            def _():
                upd(g0, bm_ref[pl.ds(j, 1), :])

            @pl.when(g0 != g1)
            def _():
                for r in range(8):
                    upd(bat_ref[8 * j + r], h3_ref[pl.ds(8 * j + r, 1), :])

            return carry

        lax.fori_loop(0, N // 8, it, 0)
        out_ref[...] = jnp.dot(pool_ref[...], wl_ref[...],
                               preferred_element_type=_F32,
                               precision=_HIGH) + bl_ref[...]

    return pl.pallas_call(
        body,
        in_specs=[
            pl.BlockSpec(memory_space=pltpu.VMEM),
            pl.BlockSpec(memory_space=pltpu.VMEM),
            pl.BlockSpec(memory_space=pltpu.VMEM),
            pl.BlockSpec(memory_space=pltpu.VMEM),
            pl.BlockSpec(memory_space=pltpu.SMEM),
            pl.BlockSpec(memory_space=pltpu.VMEM),
            pl.BlockSpec(memory_space=pltpu.VMEM),
        ],
        out_shape=jax.ShapeDtypeStruct((G, C), _F32),
        scratch_shapes=[
            pltpu.VMEM((N, H), _F32),
            pltpu.VMEM((N // 8, H), _F32),
            pltpu.VMEM((G, H), _F32),
        ],
    )(agg, hp, dinv, b, batch1, Wl, bl)



def kernel(x, edge_index, batch, W1, b1, gn1_w, gn1_b, gn1_a,
           W2, b2, gn2_w, gn2_b, gn2_a, W3, b3, Wl, bl):
    src = edge_index[0].reshape(NS, NCH, K)
    dst = edge_index[1].reshape(NS, NCH, K)
    zeros = jnp.zeros((ACCR, H), _F32)
    zerosd = jnp.zeros((ACCR, DW), _F32)
    ones = jnp.ones((K, DW), _F32)
    batch2 = batch.reshape(N, 1)

    g1 = _tc_matmul1(x, W1)
    dp = _sc_deg(dst, zerosd, ones)
    h1p, dinv = _tc_scale(g1, dp)

    a1 = _sc_agg(h1p, src, dst, zeros)
    h1, s1, sq1, cnt = _tc_stats(a1, h1p, dinv, b1.reshape(1, H), batch2)
    h2p = _tc_norm(h1, batch2, s1, sq1, cnt, gn1_a.reshape(1, H),
                   gn1_w.reshape(1, H), gn1_b.reshape(1, H), dinv, W2)

    a2 = _sc_agg(h2p, src, dst, zeros)
    h2, s1b, sq2, cntb = _tc_stats(a2, h2p, dinv, b2.reshape(1, H), batch2)
    h3p = _tc_norm(h2, batch2, s1b, sq2, cntb, gn2_a.reshape(1, H),
                   gn2_w.reshape(1, H), gn2_b.reshape(1, H), dinv, W3)

    a3 = _sc_agg(h3p, src, dst, zeros)
    return _tc_final(a3, h3p, dinv, b3.reshape(1, H), batch,
                     Wl, bl.reshape(1, C))

# --- scband reference (transcript-rebuilt; emitter-appended) ---
"""Pipeline reference for scband-gcn-88768384074181 (READ-ONLY COPY).

The authoritative reference and input builder live on the scoring server;
editing this copy changes nothing except your own understanding.
"""

import jax, jax.numpy as jnp
import numpy as np

N = 10000
E = 320000
D = 128
H = 128
C = 16
G = 64


def setup_inputs(seed: int = 0) -> dict:
    key = jax.random.key(seed)
    ks = jax.random.split(key, 8)
    x = jax.random.normal(ks[0], (N, D), dtype=jnp.float32)
    edge_index = jax.random.randint(ks[1], (2, E), 0, N, dtype=jnp.int32)
    batch = jnp.sort(jax.random.randint(ks[2], (N,), 0, G, dtype=jnp.int32))
    W1 = jax.random.normal(ks[3], (D, H), dtype=jnp.float32) * (1.0 / np.sqrt(D))
    b1 = jnp.zeros((H,), dtype=jnp.float32)
    W2 = jax.random.normal(ks[4], (H, H), dtype=jnp.float32) * (1.0 / np.sqrt(H))
    b2 = jnp.zeros((H,), dtype=jnp.float32)
    W3 = jax.random.normal(ks[5], (H, H), dtype=jnp.float32) * (1.0 / np.sqrt(H))
    b3 = jnp.zeros((H,), dtype=jnp.float32)
    Wl = jax.random.normal(ks[6], (H, C), dtype=jnp.float32) * (1.0 / np.sqrt(H))
    bl = jnp.zeros((C,), dtype=jnp.float32)
    gn1_w = jnp.ones((H,), dtype=jnp.float32)
    gn1_b = jnp.zeros((H,), dtype=jnp.float32)
    gn1_a = jnp.ones((H,), dtype=jnp.float32)
    gn2_w = jnp.ones((H,), dtype=jnp.float32)
    gn2_b = jnp.zeros((H,), dtype=jnp.float32)
    gn2_a = jnp.ones((H,), dtype=jnp.float32)
    return {"x": x, "edge_index": edge_index, "batch": batch,
            "W1": W1, "b1": b1, "gn1_w": gn1_w, "gn1_b": gn1_b, "gn1_a": gn1_a,
            "W2": W2, "b2": b2, "gn2_w": gn2_w, "gn2_b": gn2_b, "gn2_a": gn2_a,
            "W3": W3, "b3": b3, "Wl": Wl, "bl": bl}


def _gcn_conv(x, src, dst, W, b):
    # PyG GCNConv: lin -> add self loops -> sym-normalized scatter-add at dst
    h = x @ W
    loop = jnp.arange(N, dtype=src.dtype)
    s = jnp.concatenate([src, loop])
    d = jnp.concatenate([dst, loop])
    deg = jnp.zeros((N,), h.dtype).at[d].add(1.0)
    dinv = jnp.where(deg > 0, 1.0 / jnp.sqrt(deg), 0.0)
    norm = dinv[s] * dinv[d]
    msg = h[s] * norm[:, None]
    out = jnp.zeros((N, h.shape[1]), h.dtype).at[d].add(msg)
    return out + b


def _graph_norm(x, batch, w, b, a):
    cnt = jax.ops.segment_sum(jnp.ones((x.shape[0],), x.dtype), batch, num_segments=G)
    cnt = jnp.maximum(cnt, 1.0)
    mean = jax.ops.segment_sum(x, batch, num_segments=G) / cnt[:, None]
    sub = x - a * mean[batch]
    var = jax.ops.segment_sum(sub * sub, batch, num_segments=G) / cnt[:, None]
    return sub / jnp.sqrt(var[batch] + 1e-5) * w + b


def reference(x, edge_index, batch, W1, b1, gn1_w, gn1_b, gn1_a, W2, b2, gn2_w, gn2_b, gn2_a, W3, b3, Wl, bl):
    src, dst = edge_index[0], edge_index[1]
    h = jax.nn.relu(_gcn_conv(x, src, dst, W1, b1))
    h = _graph_norm(h, batch, gn1_w, gn1_b, gn1_a)
    h = jax.nn.relu(_gcn_conv(h, src, dst, W2, b2))
    h = _graph_norm(h, batch, gn2_w, gn2_b, gn2_a)
    h = _gcn_conv(h, src, dst, W3, b3)
    pooled = jax.ops.segment_max(h, batch, num_segments=G)
    # dropout p=0.5 is identity in eval mode
    return pooled @ Wl + bl

if __name__ == "__main__":
    import jax
    _d = setup_inputs()
    print(jax.jit(kernel)(*tuple(_d.values())))

</pallas_src>

<mosaic_0001>
#map = affine_map<(d0, d1) -> (0, 0)>
#map1 = affine_map<(d0, d1) -> (0, 0, 0)>
module attributes {stable_mosaic.version = 14 : i64} {
  func.func @body(%arg0: i32, %arg1: i32, %arg2: memref<10000x128xf32, #tpu.memory_space<hbm>>, %arg3: memref<16x250x80xi32, #tpu.memory_space<hbm>>, %arg4: memref<16x250x80xi32, #tpu.memory_space<hbm>>, %arg5: memref<5016x128xf32, #tpu.memory_space<hbm>>, %arg6: memref<10000x128xf32, #tpu.memory_space<hbm>>, %arg7: memref<250x80xi32, #tpu.memory_space<vmem>>, %arg8: memref<250x80xi32, #tpu.memory_space<vmem>>, %arg9: memref<2x80x128xf32, #tpu.memory_space<vmem>>, %arg10: memref<5016x128xf32, #tpu.memory_space<vmem_shared>>, %arg11: memref<2x!tpu.dma_semaphore, #tpu.memory_space<semaphore_mem>>, %arg12: memref<2x!tpu.dma_semaphore, #tpu.memory_space<semaphore_mem>>) attributes {dimension_semantics = [#tpu.dimension_semantics<core_parallel>, #tpu.dimension_semantics<subcore_parallel>], iteration_bounds = array<i64: 2, 16>, scalar_prefetch = 0 : i64, scratch_operands = 6 : i64, tpu.core_type = #tpu.core_type<sc_vector_subcore>, window_params = [{transform_indices = #map}, {transform_indices = #map1}, {transform_indices = #map1}, {transform_indices = #map}, {transform_indices = #map}]} {
    "tpu.region"() ({
      %run_scoped3A = tpu.sem_alloc : memref<!tpu.dma_semaphore, #tpu.memory_space<semaphore_mem>>
      %dma_start3A_66 = arith.constant 0 : i32
      %dma_start3A_67 = arith.constant 0 : i32
      %dma_start3A_68 = tpu.memref_slice %arg4[%arg1, %dma_start3A_66, %dma_start3A_67] : memref<16x250x80xi32, #tpu.memory_space<hbm>> -> memref<1x250x80xi32, #tpu.memory_space<hbm>>
      %dma_start3A_69 = tpu.memref_squeeze %dma_start3A_68 : memref<1x250x80xi32, #tpu.memory_space<hbm>> -> memref<250x80xi32, #tpu.memory_space<hbm>>
      %dma_start3A_70 = arith.constant 0 : i32
      %dma_start3A_71 = arith.constant 0 : i32
      %dma_start3A_72 = tpu.memref_slice %arg4[%arg1, %dma_start3A_70, %dma_start3A_71] : memref<16x250x80xi32, #tpu.memory_space<hbm>> -> memref<1x250x80xi32, #tpu.memory_space<hbm>>
      %dma_start3A_73 = tpu.memref_squeeze %dma_start3A_72 : memref<1x250x80xi32, #tpu.memory_space<hbm>> -> memref<250x80xi32, #tpu.memory_space<hbm>>
      tpu.enqueue_dma source(%dma_start3A_73 : memref<250x80xi32, #tpu.memory_space<hbm>>) target(%arg8 : memref<250x80xi32, #tpu.memory_space<vmem>>) target_semaphore(%run_scoped3A : memref<!tpu.dma_semaphore, #tpu.memory_space<semaphore_mem>>)
      %dma_wait3A_74 = arith.constant 0 : i32
      %dma_wait3A_75 = arith.constant 0 : i32
      %dma_wait3A_76 = tpu.memref_slice %arg4[%arg1, %dma_wait3A_74, %dma_wait3A_75] : memref<16x250x80xi32, #tpu.memory_space<hbm>> -> memref<1x250x80xi32, #tpu.memory_space<hbm>>
      %dma_wait3A_77 = tpu.memref_squeeze %dma_wait3A_76 : memref<1x250x80xi32, #tpu.memory_space<hbm>> -> memref<250x80xi32, #tpu.memory_space<hbm>>
      %dma_wait3A_78 = arith.constant 0 : i32
      %dma_wait3A_79 = arith.constant 0 : i32
      %dma_wait3A_80 = tpu.memref_slice %arg4[%arg1, %dma_wait3A_78, %dma_wait3A_79] : memref<16x250x80xi32, #tpu.memory_space<hbm>> -> memref<1x250x80xi32, #tpu.memory_space<hbm>>
      %dma_wait3A_81 = tpu.memref_squeeze %dma_wait3A_80 : memref<1x250x80xi32, #tpu.memory_space<hbm>> -> memref<250x80xi32, #tpu.memory_space<hbm>>
      tpu.wait_dma2 semaphore(%run_scoped3A : memref<!tpu.dma_semaphore, #tpu.memory_space<semaphore_mem>>) src(%dma_wait3A_81 : memref<250x80xi32, #tpu.memory_space<hbm>>) dst(%arg8 : memref<250x80xi32, #tpu.memory_space<vmem>>)
      tpu.yield
    }) : () -> ()
    %mul3A = arith.constant 5000 : i32
    %mul3A_0 = arith.muli %arg0, %mul3A : i32
    %add3A = arith.constant 5000 : i32
    %add3A_1 = arith.addi %add3A, %arg1 : i32
    %scan3A = arith.constant 0 : i32
    %scan3A_2 = arith.constant 0 : i32
    %scan3A_3 = arith.constant 250 : i32
    %scan3A_4 = arith.addi %scan3A_2, %scan3A_3 : i32
    %scan3A_5 = arith.constant 1 : i32
    scf.for %scan3A_66 = %scan3A_2 to %scan3A_4 step %scan3A_5  : i32 {
      %get3A = arith.index_cast %scan3A_66 : i32 to index
      %get3A_67 = arith.constant 0 : index
      %get3A_68 = tpu.vector_load %arg8[%get3A, %get3A_67] {strides = array<i32>} : memref<250x80xi32, #tpu.memory_space<vmem>>, vector<1x16xi32>,
      %get3A_69 = vector.shape_cast %get3A_68 : vector<1x16xi32> to vector<16xi32>
      %ge3A = vector.broadcast %mul3A_0 : i32 to vector<16xi32>
      %ge3A_70 = arith.cmpi sge, %get3A_69, %ge3A : vector<16xi32>
      %add3A_71 = arith.constant 5000 : i32
      %add3A_72 = arith.addi %mul3A_0, %add3A_71 : i32
      %lt3A_73 = vector.broadcast %add3A_72 : i32 to vector<16xi32>
      %lt3A_74 = arith.cmpi slt, %get3A_69, %lt3A_73 : vector<16xi32>
      %and3A = arith.andi %ge3A_70, %lt3A_74 : vector<16xi1>
      %sub3A = vector.broadcast %mul3A_0 : i32 to vector<16xi32>
      %sub3A_75 = arith.subi %get3A_69, %sub3A : vector<16xi32>
      %broadcast_in_dim3A = vector.broadcast %add3A_1 : i32 to vector<16xi32>
      %select_n3A = arith.select %and3A, %sub3A_75, %broadcast_in_dim3A : vector<16xi1>, vector<16xi32>
      %swap3A = arith.index_cast %scan3A_66 : i32 to index
      %swap3A_76 = arith.constant 0 : index
      %swap3A_77 = tpu.vector_load %arg8[%swap3A, %swap3A_76] {strides = array<i32>} : memref<250x80xi32, #tpu.memory_space<vmem>>, vector<1x16xi32>,
      %swap3A_78 = vector.shape_cast %swap3A_77 : vector<1x16xi32> to vector<16xi32>
      %swap3A_79 = vector.shape_cast %select_n3A : vector<16xi32> to vector<1x16xi32>
      tpu.vector_store %arg8[%swap3A, %swap3A_76], %swap3A_79 {strides = array<i32>} : memref<250x80xi32, #tpu.memory_space<vmem>>, vector<1x16xi32>,
      %get3A_80 = arith.index_cast %scan3A_66 : i32 to index
      %get3A_81 = arith.constant 16 : index
      %get3A_82 = tpu.vector_load %arg8[%get3A_80, %get3A_81] {strides = array<i32>} : memref<250x80xi32, #tpu.memory_space<vmem>>, vector<1x16xi32>,
      %get3A_83 = vector.shape_cast %get3A_82 : vector<1x16xi32> to vector<16xi32>
      %ge3A_84 = vector.broadcast %mul3A_0 : i32 to vector<16xi32>
      %ge3A_85 = arith.cmpi sge, %get3A_83, %ge3A_84 : vector<16xi32>
      %add3A_86 = arith.constant 5000 : i32
      %add3A_87 = arith.addi %mul3A_0, %add3A_86 : i32
      %lt3A_88 = vector.broadcast %add3A_87 : i32 to vector<16xi32>
      %lt3A_89 = arith.cmpi slt, %get3A_83, %lt3A_88 : vector<16xi32>
      %and3A_90 = arith.andi %ge3A_85, %lt3A_89 : vector<16xi1>
      %sub3A_91 = vector.broadcast %mul3A_0 : i32 to vector<16xi32>
      %sub3A_92 = arith.subi %get3A_83, %sub3A_91 : vector<16xi32>
      %broadcast_in_dim3A_93 = vector.broadcast %add3A_1 : i32 to vector<16xi32>
      %select_n3A_94 = arith.select %and3A_90, %sub3A_92, %broadcast_in_dim3A_93 : vector<16xi1>, vector<16xi32>
      %swap3A_95 = arith.index_cast %scan3A_66 : i32 to index
      %swap3A_96 = arith.constant 16 : index
      %swap3A_97 = tpu.vector_load %arg8[%swap3A_95, %swap3A_96] {strides = array<i32>} : memref<250x80xi32, #tpu.memory_space<vmem>>, vector<1x16xi32>,
      %swap3A_98 = vector.shape_cast %swap3A_97 : vector<1x16xi32> to vector<16xi32>
      %swap3A_99 = vector.shape_cast %select_n3A_94 : vector<16xi32> to vector<1x16xi32>
      tpu.vector_store %arg8[%swap3A_95, %swap3A_96], %swap3A_99 {strides = array<i32>} : memref<250x80xi32, #tpu.memory_space<vmem>>, vector<1x16xi32>,
      %get3A_100 = arith.index_cast %scan3A_66 : i32 to index
      %get3A_101 = arith.constant 32 : index
      %get3A_102 = tpu.vector_load %arg8[%get3A_100, %get3A_101] {strides = array<i32>} : memref<250x80xi32, #tpu.memory_space<vmem>>, vector<1x16xi32>,
      %get3A_103 = vector.shape_cast %get3A_102 : vector<1x16xi32> to vector<16xi32>
      %ge3A_104 = vector.broadcast %mul3A_0 : i32 to vector<16xi32>
      %ge3A_105 = arith.cmpi sge, %get3A_103, %ge3A_104 : vector<16xi32>
      %add3A_106 = arith.constant 5000 : i32
      %add3A_107 = arith.addi %mul3A_0, %add3A_106 : i32
      %lt3A_108 = vector.broadcast %add3A_107 : i32 to vector<16xi32>
      %lt3A_109 = arith.cmpi slt, %get3A_103, %lt3A_108 : vector<16xi32>
      %and3A_110 = arith.andi %ge3A_105, %lt3A_109 : vector<16xi1>
      %sub3A_111 = vector.broadcast %mul3A_0 : i32 to vector<16xi32>
      %sub3A_112 = arith.subi %get3A_103, %sub3A_111 : vector<16xi32>
      %broadcast_in_dim3A_113 = vector.broadcast %add3A_1 : i32 to vector<16xi32>
      %select_n3A_114 = arith.select %and3A_110, %sub3A_112, %broadcast_in_dim3A_113 : vector<16xi1>, vector<16xi32>
      %swap3A_115 = arith.index_cast %scan3A_66 : i32 to index
      %swap3A_116 = arith.constant 32 : index
      %swap3A_117 = tpu.vector_load %arg8[%swap3A_115, %swap3A_116] {strides = array<i32>} : memref<250x80xi32, #tpu.memory_space<vmem>>, vector<1x16xi32>,
      %swap3A_118 = vector.shape_cast %swap3A_117 : vector<1x16xi32> to vector<16xi32>
      %swap3A_119 = vector.shape_cast %select_n3A_114 : vector<16xi32> to vector<1x16xi32>
      tpu.vector_store %arg8[%swap3A_115, %swap3A_116], %swap3A_119 {strides = array<i32>} : memref<250x80xi32, #tpu.memory_space<vmem>>, vector<1x16xi32>,
      %get3A_120 = arith.index_cast %scan3A_66 : i32 to index
      %get3A_121 = arith.constant 48 : index
      %get3A_122 = tpu.vector_load %arg8[%get3A_120, %get3A_121] {strides = array<i32>} : memref<250x80xi32, #tpu.memory_space<vmem>>, vector<1x16xi32>,
      %get3A_123 = vector.shape_cast %get3A_122 : vector<1x16xi32> to vector<16xi32>
      %ge3A_124 = vector.broadcast %mul3A_0 : i32 to vector<16xi32>
      %ge3A_125 = arith.cmpi sge, %get3A_123, %ge3A_124 : vector<16xi32>
      %add3A_126 = arith.constant 5000 : i32
      %add3A_127 = arith.addi %mul3A_0, %add3A_126 : i32
      %lt3A_128 = vector.broadcast %add3A_127 : i32 to vector<16xi32>
      %lt3A_129 = arith.cmpi slt, %get3A_123, %lt3A_128 : vector<16xi32>
      %and3A_130 = arith.andi %ge3A_125, %lt3A_129 : vector<16xi1>
      %sub3A_131 = vector.broadcast %mul3A_0 : i32 to vector<16xi32>
      %sub3A_132 = arith.subi %get3A_123, %sub3A_131 : vector<16xi32>
      %broadcast_in_dim3A_133 = vector.broadcast %add3A_1 : i32 to vector<16xi32>
      %select_n3A_134 = arith.select %and3A_130, %sub3A_132, %broadcast_in_dim3A_133 : vector<16xi1>, vector<16xi32>
      %swap3A_135 = arith.index_cast %scan3A_66 : i32 to index
      %swap3A_136 = arith.constant 48 : index
      %swap3A_137 = tpu.vector_load %arg8[%swap3A_135, %swap3A_136] {strides = array<i32>} : memref<250x80xi32, #tpu.memory_space<vmem>>, vector<1x16xi32>,
      %swap3A_138 = vector.shape_cast %swap3A_137 : vector<1x16xi32> to vector<16xi32>
      %swap3A_139 = vector.shape_cast %select_n3A_134 : vector<16xi32> to vector<1x16xi32>
      tpu.vector_store %arg8[%swap3A_135, %swap3A_136], %swap3A_139 {strides = array<i32>} : memref<250x80xi32, #tpu.memory_space<vmem>>, vector<1x16xi32>,
      %get3A_140 = arith.index_cast %scan3A_66 : i32 to index
      %get3A_141 = arith.constant 64 : index
      %get3A_142 = tpu.vector_load %arg8[%get3A_140, %get3A_141] {strides = array<i32>} : memref<250x80xi32, #tpu.memory_space<vmem>>, vector<1x16xi32>,
      %get3A_143 = vector.shape_cast %get3A_142 : vector<1x16xi32> to vector<16xi32>
      %ge3A_144 = vector.broadcast %mul3A_0 : i32 to vector<16xi32>
      %ge3A_145 = arith.cmpi sge, %get3A_143, %ge3A_144 : vector<16xi32>
      %add3A_146 = arith.constant 5000 : i32
      %add3A_147 = arith.addi %mul3A_0, %add3A_146 : i32
      %lt3A_148 = vector.broadcast %add3A_147 : i32 to vector<16xi32>
      %lt3A_149 = arith.cmpi slt, %get3A_143, %lt3A_148 : vector<16xi32>
      %and3A_150 = arith.andi %ge3A_145, %lt3A_149 : vector<16xi1>
      %sub3A_151 = vector.broadcast %mul3A_0 : i32 to vector<16xi32>
      %sub3A_152 = arith.subi %get3A_143, %sub3A_151 : vector<16xi32>
      %broadcast_in_dim3A_153 = vector.broadcast %add3A_1 : i32 to vector<16xi32>
      %select_n3A_154 = arith.select %and3A_150, %sub3A_152, %broadcast_in_dim3A_153 : vector<16xi1>, vector<16xi32>
      %swap3A_155 = arith.index_cast %scan3A_66 : i32 to index
      %swap3A_156 = arith.constant 64 : index
      %swap3A_157 = tpu.vector_load %arg8[%swap3A_155, %swap3A_156] {strides = array<i32>} : memref<250x80xi32, #tpu.memory_space<vmem>>, vector<1x16xi32>,
      %swap3A_158 = vector.shape_cast %swap3A_157 : vector<1x16xi32> to vector<16xi32>
      %swap3A_159 = vector.shape_cast %select_n3A_154 : vector<16xi32> to vector<1x16xi32>
      tpu.vector_store %arg8[%swap3A_155, %swap3A_156], %swap3A_159 {strides = array<i32>} : memref<250x80xi32, #tpu.memory_space<vmem>>, vector<1x16xi32>,
    }
    %scan3A_6 = arith.constant 250 : i32
    "tpu.region"() ({
      %run_scoped3A = tpu.sem_alloc : memref<!tpu.dma_semaphore, #tpu.memory_space<semaphore_mem>>
      %dma_start3A_66 = arith.constant 0 : i32
      %dma_start3A_67 = arith.constant 0 : i32
      %dma_start3A_68 = tpu.memref_slice %arg3[%arg1, %dma_start3A_66, %dma_start3A_67] : memref<16x250x80xi32, #tpu.memory_space<hbm>> -> memref<1x250x80xi32, #tpu.memory_space<hbm>>
      %dma_start3A_69 = tpu.memref_squeeze %dma_start3A_68 : memref<1x250x80xi32, #tpu.memory_space<hbm>> -> memref<250x80xi32, #tpu.memory_space<hbm>>
      %dma_start3A_70 = arith.constant 0 : i32
      %dma_start3A_71 = arith.constant 0 : i32
      %dma_start3A_72 = tpu.memref_slice %arg3[%arg1, %dma_start3A_70, %dma_start3A_71] : memref<16x250x80xi32, #tpu.memory_space<hbm>> -> memref<1x250x80xi32, #tpu.memory_space<hbm>>
      %dma_start3A_73 = tpu.memref_squeeze %dma_start3A_72 : memref<1x250x80xi32, #tpu.memory_space<hbm>> -> memref<250x80xi32, #tpu.memory_space<hbm>>
      tpu.enqueue_dma source(%dma_start3A_73 : memref<250x80xi32, #tpu.memory_space<hbm>>) target(%arg7 : memref<250x80xi32, #tpu.memory_space<vmem>>) target_semaphore(%run_scoped3A : memref<!tpu.dma_semaphore, #tpu.memory_space<semaphore_mem>>)
      %dma_wait3A_74 = arith.constant 0 : i32
      %dma_wait3A_75 = arith.constant 0 : i32
      %dma_wait3A_76 = tpu.memref_slice %arg3[%arg1, %dma_wait3A_74, %dma_wait3A_75] : memref<16x250x80xi32, #tpu.memory_space<hbm>> -> memref<1x250x80xi32, #tpu.memory_space<hbm>>
      %dma_wait3A_77 = tpu.memref_squeeze %dma_wait3A_76 : memref<1x250x80xi32, #tpu.memory_space<hbm>> -> memref<250x80xi32, #tpu.memory_space<hbm>>
      %dma_wait3A_78 = arith.constant 0 : i32
      %dma_wait3A_79 = arith.constant 0 : i32
      %dma_wait3A_80 = tpu.memref_slice %arg3[%arg1, %dma_wait3A_78, %dma_wait3A_79] : memref<16x250x80xi32, #tpu.memory_space<hbm>> -> memref<1x250x80xi32, #tpu.memory_space<hbm>>
      %dma_wait3A_81 = tpu.memref_squeeze %dma_wait3A_80 : memref<1x250x80xi32, #tpu.memory_space<hbm>> -> memref<250x80xi32, #tpu.memory_space<hbm>>
      tpu.wait_dma2 semaphore(%run_scoped3A : memref<!tpu.dma_semaphore, #tpu.memory_space<semaphore_mem>>) src(%dma_wait3A_81 : memref<250x80xi32, #tpu.memory_space<hbm>>) dst(%arg7 : memref<250x80xi32, #tpu.memory_space<vmem>>)
      tpu.yield
    }) : () -> ()
    %mul3A_7 = arith.constant 312 : i32
    %mul3A_8 = arith.muli %arg1, %mul3A_7 : i32
    %multiple_of3A = tpu.assume_multiple %mul3A_8, 8 : i32
    %lt3A = arith.constant 15 : i32
    %lt3A_9 = arith.cmpi slt, %arg1, %lt3A : i32
    %convert_element_type3A = arith.extui %lt3A_9 : i1 to i32
    %cond3A = arith.constant 0 : i32
    %cond3A_10 = arith.cmpi ne, %convert_element_type3A, %cond3A : i32
    scf.if %cond3A_10 {
      "tpu.region"() ({
        %run_scoped3A = tpu.sem_alloc : memref<!tpu.dma_semaphore, #tpu.memory_space<semaphore_mem>>
        %dma_start3A_66 = arith.constant 0 : i32
        %dma_start3A_67 = tpu.memref_slice %arg10[%multiple_of3A, %dma_start3A_66] : memref<5016x128xf32, #tpu.memory_space<vmem_shared>> -> memref<312x128xf32, #tpu.memory_space<vmem_shared>>
        %dma_start3A_68 = arith.constant 0 : i32
        %dma_start3A_69 = tpu.memref_slice %arg5[%multiple_of3A, %dma_start3A_68] : memref<5016x128xf32, #tpu.memory_space<hbm>> -> memref<312x128xf32, #tpu.memory_space<hbm>>
        tpu.enqueue_dma source(%dma_start3A_69 : memref<312x128xf32, #tpu.memory_space<hbm>>) target(%dma_start3A_67 : memref<312x128xf32, #tpu.memory_space<vmem_shared>>) target_semaphore(%run_scoped3A : memref<!tpu.dma_semaphore, #tpu.memory_space<semaphore_mem>>)
        %dma_wait3A_70 = arith.constant 0 : i32
        %dma_wait3A_71 = tpu.memref_slice %arg10[%multiple_of3A, %dma_wait3A_70] : memref<5016x128xf32, #tpu.memory_space<vmem_shared>> -> memref<312x128xf32, #tpu.memory_space<vmem_shared>>
        %dma_wait3A_72 = arith.constant 0 : i32
        %dma_wait3A_73 = tpu.memref_slice %arg5[%multiple_of3A, %dma_wait3A_72] : memref<5016x128xf32, #tpu.memory_space<hbm>> -> memref<312x128xf32, #tpu.memory_space<hbm>>
        tpu.wait_dma2 semaphore(%run_scoped3A : memref<!tpu.dma_semaphore, #tpu.memory_space<semaphore_mem>>) src(%dma_wait3A_73 : memref<312x128xf32, #tpu.memory_space<hbm>>) dst(%dma_wait3A_71 : memref<312x128xf32, #tpu.memory_space<vmem_shared>>)
        tpu.yield
      }) : () -> ()
    } else {
    }
    %eq3A = arith.constant 15 : i32
    %eq3A_11 = arith.cmpi eq, %arg1, %eq3A : i32
    %convert_element_type3A_12 = arith.extui %eq3A_11 : i1 to i32
    %cond3A_13 = arith.constant 0 : i32
    %cond3A_14 = arith.cmpi ne, %convert_element_type3A_12, %cond3A_13 : i32
    scf.if %cond3A_14 {
      "tpu.region"() ({
        %run_scoped3A = tpu.sem_alloc : memref<!tpu.dma_semaphore, #tpu.memory_space<semaphore_mem>>
        %dma_start3A_66 = arith.constant 4680 : i32
        %dma_start3A_67 = arith.constant 0 : i32
        %dma_start3A_68 = tpu.memref_slice %arg10[%dma_start3A_66, %dma_start3A_67] : memref<5016x128xf32, #tpu.memory_space<vmem_shared>> -> memref<336x128xf32, #tpu.memory_space<vmem_shared>>
        %dma_start3A_69 = arith.constant 4680 : i32
        %dma_start3A_70 = arith.constant 0 : i32
        %dma_start3A_71 = tpu.memref_slice %arg5[%dma_start3A_69, %dma_start3A_70] : memref<5016x128xf32, #tpu.memory_space<hbm>> -> memref<336x128xf32, #tpu.memory_space<hbm>>
        tpu.enqueue_dma source(%dma_start3A_71 : memref<336x128xf32, #tpu.memory_space<hbm>>) target(%dma_start3A_68 : memref<336x128xf32, #tpu.memory_space<vmem_shared>>) target_semaphore(%run_scoped3A : memref<!tpu.dma_semaphore, #tpu.memory_space<semaphore_mem>>)
        %dma_wait3A_72 = arith.constant 4680 : i32
        %dma_wait3A_73 = arith.constant 0 : i32
        %dma_wait3A_74 = tpu.memref_slice %arg10[%dma_wait3A_72, %dma_wait3A_73] : memref<5016x128xf32, #tpu.memory_space<vmem_shared>> -> memref<336x128xf32, #tpu.memory_space<vmem_shared>>
        %dma_wait3A_75 = arith.constant 4680 : i32
        %dma_wait3A_76 = arith.constant 0 : i32
        %dma_wait3A_77 = tpu.memref_slice %arg5[%dma_wait3A_75, %dma_wait3A_76] : memref<5016x128xf32, #tpu.memory_space<hbm>> -> memref<336x128xf32, #tpu.memory_space<hbm>>
        tpu.wait_dma2 semaphore(%run_scoped3A : memref<!tpu.dma_semaphore, #tpu.memory_space<semaphore_mem>>) src(%dma_wait3A_77 : memref<336x128xf32, #tpu.memory_space<hbm>>) dst(%dma_wait3A_74 : memref<336x128xf32, #tpu.memory_space<vmem_shared>>)
        tpu.yield
      }) : () -> ()
    } else {
    }
    %dma_start3A = arith.constant 0 : i32
    %dma_start3A_15 = arith.constant 0 : i32
    %dma_start3A_16 = arith.constant 0 : i32
    %dma_start3A_17 = arith.constant 0 : i32
    %dma_start3A_18 = arith.constant 0 : i32
    %dma_start3A_19 = tpu.memref_slice %arg9[%dma_start3A_15, %dma_start3A_17, %dma_start3A_18] : memref<2x80x128xf32, #tpu.memory_space<vmem>> -> memref<1x80x128xf32, #tpu.memory_space<vmem>>
    %dma_start3A_20 = tpu.memref_squeeze %dma_start3A_19 : memref<1x80x128xf32, #tpu.memory_space<vmem>> -> memref<80x128xf32, #tpu.memory_space<vmem>>
    %dma_start3A_21 = arith.constant 0 : i32
    %dma_start3A_22 = tpu.memref_slice %arg7[%dma_start3A, %dma_start3A_21] : memref<250x80xi32, #tpu.memory_space<vmem>> -> memref<1x80xi32, #tpu.memory_space<vmem>>
    %dma_start3A_23 = tpu.memref_squeeze %dma_start3A_22 : memref<1x80xi32, #tpu.memory_space<vmem>> -> memref<80xi32, #tpu.memory_space<vmem>>
    %dma_start3A_24 = arith.constant 0 : i32
    %dma_start3A_25 = arith.constant 0 : i32
    %dma_start3A_26 = tpu.memref_slice %arg2[%dma_start3A_24, %dma_start3A_25] : memref<10000x128xf32, #tpu.memory_space<hbm>> -> memref<10000x128xf32, #tpu.memory_space<hbm>>
    %dma_start3A_27 = tpu.memref_slice %arg11[%dma_start3A_16] : memref<2x!tpu.dma_semaphore, #tpu.memory_space<semaphore_mem>> -> memref<1x!tpu.dma_semaphore, #tpu.memory_space<semaphore_mem>>
    %dma_start3A_28 = tpu.memref_squeeze %dma_start3A_27 : memref<1x!tpu.dma_semaphore, #tpu.memory_space<semaphore_mem>> -> memref<!tpu.dma_semaphore, #tpu.memory_space<semaphore_mem>>
    tpu.enqueue_indirect_dma source(%dma_start3A_26 : memref<10000x128xf32, #tpu.memory_space<hbm>>) target(%dma_start3A_20 : memref<80x128xf32, #tpu.memory_space<vmem>>) offsets(%dma_start3A_23 : memref<80xi32, #tpu.memory_space<vmem>>) semaphore(%dma_start3A_28 : memref<!tpu.dma_semaphore, #tpu.memory_space<semaphore_mem>>)
    %barrier3A = arith.constant 0 : index
    tpu.barrier barrier_id(%barrier3A)
    %scan3A_29 = arith.constant 0 : i32
    %scan3A_30 = arith.constant 0 : i32
    %scan3A_31 = arith.constant 250 : i32
    %scan3A_32 = arith.addi %scan3A_30, %scan3A_31 : i32
    %scan3A_33 = arith.constant 1 : i32
    scf.for %scan3A_66 = %scan3A_30 to %scan3A_32 step %scan3A_33  : i32 {
      %rem3A = arith.constant 2 : i32
      %rem3A_67 = arith.remsi %scan3A_66, %rem3A : i32
      %add3A_68 = arith.constant 1 : i32
      %add3A_69 = arith.addi %scan3A_66, %add3A_68 : i32
      %rem3A_70 = arith.constant 2 : i32
      %rem3A_71 = arith.remsi %add3A_69, %rem3A_70 : i32
      %ge3A = arith.constant 1 : i32
      %ge3A_72 = arith.cmpi sge, %scan3A_66, %ge3A : i32
      %convert_element_type3A_73 = arith.extui %ge3A_72 : i1 to i32
      %cond3A_74 = arith.constant 0 : i32
      %cond3A_75 = arith.cmpi ne, %convert_element_type3A_73, %cond3A_74 : i32
      scf.if %cond3A_75 {
        %sub3A = arith.constant 1 : i32
        %sub3A_107 = arith.subi %scan3A_66, %sub3A : i32
        %rem3A_108 = arith.constant 2 : i32
        %rem3A_109 = arith.remsi %sub3A_107, %rem3A_108 : i32
        %dma_wait3A_110 = arith.constant 0 : i32
        %dma_wait3A_111 = arith.constant 0 : i32
        %dma_wait3A_112 = tpu.memref_slice %arg9[%rem3A_109, %dma_wait3A_110, %dma_wait3A_111] : memref<2x80x128xf32, #tpu.memory_space<vmem>> -> memref<1x80x128xf32, #tpu.memory_space<vmem>>
        %dma_wait3A_113 = tpu.memref_squeeze %dma_wait3A_112 : memref<1x80x128xf32, #tpu.memory_space<vmem>> -> memref<80x128xf32, #tpu.memory_space<vmem>>
        %dma_wait3A_114 = arith.constant 0 : i32
        %dma_wait3A_115 = tpu.memref_slice %arg8[%sub3A_107, %dma_wait3A_114] : memref<250x80xi32, #tpu.memory_space<vmem>> -> memref<1x80xi32, #tpu.memory_space<vmem>>
        %dma_wait3A_116 = tpu.memref_squeeze %dma_wait3A_115 : memref<1x80xi32, #tpu.memory_space<vmem>> -> memref<80xi32, #tpu.memory_space<vmem>>
        %dma_wait3A_117 = arith.constant 0 : i32
        %dma_wait3A_118 = arith.constant 0 : i32
        %dma_wait3A_119 = tpu.memref_slice %arg10[%dma_wait3A_117, %dma_wait3A_118] : memref<5016x128xf32, #tpu.memory_space<vmem_shared>> -> memref<5016x128xf32, #tpu.memory_space<vmem_shared>>
        %dma_wait3A_120 = tpu.memref_slice %arg12[%rem3A_109] : memref<2x!tpu.dma_semaphore, #tpu.memory_space<semaphore_mem>> -> memref<1x!tpu.dma_semaphore, #tpu.memory_space<semaphore_mem>>
        %dma_wait3A_121 = tpu.memref_squeeze %dma_wait3A_120 : memref<1x!tpu.dma_semaphore, #tpu.memory_space<semaphore_mem>> -> memref<!tpu.dma_semaphore, #tpu.memory_space<semaphore_mem>>
        tpu.wait_indirect_dma semaphore(%dma_wait3A_121 : memref<!tpu.dma_semaphore, #tpu.memory_space<semaphore_mem>>) src(%dma_wait3A_113 : memref<80x128xf32, #tpu.memory_space<vmem>>) dst(%dma_wait3A_119 : memref<5016x128xf32, #tpu.memory_space<vmem_shared>>)
      } else {
      }
      %add3A_76 = arith.constant 1 : i32
      %add3A_77 = arith.addi %scan3A_66, %add3A_76 : i32
      %lt3A_78 = arith.constant 250 : i32
      %lt3A_79 = arith.cmpi slt, %add3A_77, %lt3A_78 : i32
      %convert_element_type3A_80 = arith.extui %lt3A_79 : i1 to i32
      %cond3A_81 = arith.constant 0 : i32
      %cond3A_82 = arith.cmpi ne, %convert_element_type3A_80, %cond3A_81 : i32
      scf.if %cond3A_82 {
        %add3A_107 = arith.constant 1 : i32
        %add3A_108 = arith.addi %scan3A_66, %add3A_107 : i32
        %dma_start3A_109 = arith.constant 0 : i32
        %dma_start3A_110 = arith.constant 0 : i32
        %dma_start3A_111 = tpu.memref_slice %arg9[%rem3A_71, %dma_start3A_109, %dma_start3A_110] : memref<2x80x128xf32, #tpu.memory_space<vmem>> -> memref<1x80x128xf32, #tpu.memory_space<vmem>>
        %dma_start3A_112 = tpu.memref_squeeze %dma_start3A_111 : memref<1x80x128xf32, #tpu.memory_space<vmem>> -> memref<80x128xf32, #tpu.memory_space<vmem>>
        %dma_start3A_113 = arith.constant 0 : i32
        %dma_start3A_114 = tpu.memref_slice %arg7[%add3A_108, %dma_start3A_113] : memref<250x80xi32, #tpu.memory_space<vmem>> -> memref<1x80xi32, #tpu.memory_space<vmem>>
        %dma_start3A_115 = tpu.memref_squeeze %dma_start3A_114 : memref<1x80xi32, #tpu.memory_space<vmem>> -> memref<80xi32, #tpu.memory_space<vmem>>
        %dma_start3A_116 = arith.constant 0 : i32
        %dma_start3A_117 = arith.constant 0 : i32
        %dma_start3A_118 = tpu.memref_slice %arg2[%dma_start3A_116, %dma_start3A_117] : memref<10000x128xf32, #tpu.memory_space<hbm>> -> memref<10000x128xf32, #tpu.memory_space<hbm>>
        %dma_start3A_119 = tpu.memref_slice %arg11[%rem3A_71] : memref<2x!tpu.dma_semaphore, #tpu.memory_space<semaphore_mem>> -> memref<1x!tpu.dma_semaphore, #tpu.memory_space<semaphore_mem>>
        %dma_start3A_120 = tpu.memref_squeeze %dma_start3A_119 : memref<1x!tpu.dma_semaphore, #tpu.memory_space<semaphore_mem>> -> memref<!tpu.dma_semaphore, #tpu.memory_space<semaphore_mem>>
        tpu.enqueue_indirect_dma source(%dma_start3A_118 : memref<10000x128xf32, #tpu.memory_space<hbm>>) target(%dma_start3A_112 : memref<80x128xf32, #tpu.memory_space<vmem>>) offsets(%dma_start3A_115 : memref<80xi32, #tpu.memory_space<vmem>>) semaphore(%dma_start3A_120 : memref<!tpu.dma_semaphore, #tpu.memory_space<semaphore_mem>>)
      } else {
      }
      %dma_wait3A_83 = arith.constant 0 : i32
      %dma_wait3A_84 = arith.constant 0 : i32
      %dma_wait3A_85 = tpu.memref_slice %arg9[%rem3A_67, %dma_wait3A_83, %dma_wait3A_84] : memref<2x80x128xf32, #tpu.memory_space<vmem>> -> memref<1x80x128xf32, #tpu.memory_space<vmem>>
      %dma_wait3A_86 = tpu.memref_squeeze %dma_wait3A_85 : memref<1x80x128xf32, #tpu.memory_space<vmem>> -> memref<80x128xf32, #tpu.memory_space<vmem>>
      %dma_wait3A_87 = arith.constant 0 : i32
      %dma_wait3A_88 = tpu.memref_slice %arg7[%scan3A_66, %dma_wait3A_87] : memref<250x80xi32, #tpu.memory_space<vmem>> -> memref<1x80xi32, #tpu.memory_space<vmem>>
      %dma_wait3A_89 = tpu.memref_squeeze %dma_wait3A_88 : memref<1x80xi32, #tpu.memory_space<vmem>> -> memref<80xi32, #tpu.memory_space<vmem>>
      %dma_wait3A_90 = arith.constant 0 : i32
      %dma_wait3A_91 = arith.constant 0 : i32
      %dma_wait3A_92 = tpu.memref_slice %arg2[%dma_wait3A_90, %dma_wait3A_91] : memref<10000x128xf32, #tpu.memory_space<hbm>> -> memref<10000x128xf32, #tpu.memory_space<hbm>>
      %dma_wait3A_93 = tpu.memref_slice %arg11[%rem3A_67] : memref<2x!tpu.dma_semaphore, #tpu.memory_space<semaphore_mem>> -> memref<1x!tpu.dma_semaphore, #tpu.memory_space<semaphore_mem>>
      %dma_wait3A_94 = tpu.memref_squeeze %dma_wait3A_93 : memref<1x!tpu.dma_semaphore, #tpu.memory_space<semaphore_mem>> -> memref<!tpu.dma_semaphore, #tpu.memory_space<semaphore_mem>>
      tpu.wait_indirect_dma semaphore(%dma_wait3A_94 : memref<!tpu.dma_semaphore, #tpu.memory_space<semaphore_mem>>) src(%dma_wait3A_92 : memref<10000x128xf32, #tpu.memory_space<hbm>>) dst(%dma_wait3A_86 : memref<80x128xf32, #tpu.memory_space<vmem>>)
      %dma_start3A_95 = arith.constant 0 : i32
      %dma_start3A_96 = arith.constant 0 : i32
      %dma_start3A_97 = tpu.memref_slice %arg9[%rem3A_67, %dma_start3A_95, %dma_start3A_96] : memref<2x80x128xf32, #tpu.memory_space<vmem>> -> memref<1x80x128xf32, #tpu.memory_space<vmem>>
      %dma_start3A_98 = tpu.memref_squeeze %dma_start3A_97 : memref<1x80x128xf32, #tpu.memory_space<vmem>> -> memref<80x128xf32, #tpu.memory_space<vmem>>
      %dma_start3A_99 = arith.constant 0 : i32
      %dma_start3A_100 = tpu.memref_slice %arg8[%scan3A_66, %dma_start3A_99] : memref<250x80xi32, #tpu.memory_space<vmem>> -> memref<1x80xi32, #tpu.memory_space<vmem>>
      %dma_start3A_101 = tpu.memref_squeeze %dma_start3A_100 : memref<1x80xi32, #tpu.memory_space<vmem>> -> memref<80xi32, #tpu.memory_space<vmem>>
      %dma_start3A_102 = arith.constant 0 : i32
      %dma_start3A_103 = arith.constant 0 : i32
      %dma_start3A_104 = tpu.memref_slice %arg10[%dma_start3A_102, %dma_start3A_103] : memref<5016x128xf32, #tpu.memory_space<vmem_shared>> -> memref<5016x128xf32, #tpu.memory_space<vmem_shared>>
      %dma_start3A_105 = tpu.memref_slice %arg12[%rem3A_67] : memref<2x!tpu.dma_semaphore, #tpu.memory_space<semaphore_mem>> -> memref<1x!tpu.dma_semaphore, #tpu.memory_space<semaphore_mem>>
      %dma_start3A_106 = tpu.memref_squeeze %dma_start3A_105 : memref<1x!tpu.dma_semaphore, #tpu.memory_space<semaphore_mem>> -> memref<!tpu.dma_semaphore, #tpu.memory_space<semaphore_mem>>
      tpu.enqueue_indirect_dma source(%dma_start3A_98 : memref<80x128xf32, #tpu.memory_space<vmem>>) target(%dma_start3A_104 : memref<5016x128xf32, #tpu.memory_space<vmem_shared>>) offsets(%dma_start3A_101 : memref<80xi32, #tpu.memory_space<vmem>>) semaphore(%dma_start3A_106 : memref<!tpu.dma_semaphore, #tpu.memory_space<semaphore_mem>>) {add = true}
    }
    %scan3A_34 = arith.constant 250 : i32
    %dma_wait3A = arith.constant 1 : i32
    %dma_wait3A_35 = arith.constant 249 : i32
    %dma_wait3A_36 = arith.constant 1 : i32
    %dma_wait3A_37 = arith.constant 0 : i32
    %dma_wait3A_38 = arith.constant 0 : i32
    %dma_wait3A_39 = tpu.memref_slice %arg9[%dma_wait3A, %dma_wait3A_37, %dma_wait3A_38] : memref<2x80x128xf32, #tpu.memory_space<vmem>> -> memref<1x80x128xf32, #tpu.memory_space<vmem>>
    %dma_wait3A_40 = tpu.memref_squeeze %dma_wait3A_39 : memref<1x80x128xf32, #tpu.memory_space<vmem>> -> memref<80x128xf32, #tpu.memory_space<vmem>>
    %dma_wait3A_41 = arith.constant 0 : i32
    %dma_wait3A_42 = tpu.memref_slice %arg8[%dma_wait3A_35, %dma_wait3A_41] : memref<250x80xi32, #tpu.memory_space<vmem>> -> memref<1x80xi32, #tpu.memory_space<vmem>>
    %dma_wait3A_43 = tpu.memref_squeeze %dma_wait3A_42 : memref<1x80xi32, #tpu.memory_space<vmem>> -> memref<80xi32, #tpu.memory_space<vmem>>
    %dma_wait3A_44 = arith.constant 0 : i32
    %dma_wait3A_45 = arith.constant 0 : i32
    %dma_wait3A_46 = tpu.memref_slice %arg10[%dma_wait3A_44, %dma_wait3A_45] : memref<5016x128xf32, #tpu.memory_space<vmem_shared>> -> memref<5016x128xf32, #tpu.memory_space<vmem_shared>>
    %dma_wait3A_47 = tpu.memref_slice %arg12[%dma_wait3A_36] : memref<2x!tpu.dma_semaphore, #tpu.memory_space<semaphore_mem>> -> memref<1x!tpu.dma_semaphore, #tpu.memory_space<semaphore_mem>>
    %dma_wait3A_48 = tpu.memref_squeeze %dma_wait3A_47 : memref<1x!tpu.dma_semaphore, #tpu.memory_space<semaphore_mem>> -> memref<!tpu.dma_semaphore, #tpu.memory_space<semaphore_mem>>
    tpu.wait_indirect_dma semaphore(%dma_wait3A_48 : memref<!tpu.dma_semaphore, #tpu.memory_space<semaphore_mem>>) src(%dma_wait3A_40 : memref<80x128xf32, #tpu.memory_space<vmem>>) dst(%dma_wait3A_46 : memref<5016x128xf32, #tpu.memory_space<vmem_shared>>)
    %barrier3A_49 = arith.constant 0 : index
    tpu.barrier barrier_id(%barrier3A_49)
    %mul3A_50 = arith.constant 312 : i32
    %mul3A_51 = arith.muli %arg1, %mul3A_50 : i32
    %multiple_of3A_52 = tpu.assume_multiple %mul3A_51, 8 : i32
    %mul3A_53 = arith.constant 5000 : i32
    %mul3A_54 = arith.muli %arg0, %mul3A_53 : i32
    %multiple_of3A_55 = tpu.assume_multiple %mul3A_54, 8 : i32
    %lt3A_56 = arith.constant 15 : i32
    %lt3A_57 = arith.cmpi slt, %arg1, %lt3A_56 : i32
    %convert_element_type3A_58 = arith.extui %lt3A_57 : i1 to i32
    %cond3A_59 = arith.constant 0 : i32
    %cond3A_60 = arith.cmpi ne, %convert_element_type3A_58, %cond3A_59 : i32
    scf.if %cond3A_60 {
      %add3A_66 = arith.addi %multiple_of3A_55, %multiple_of3A_52 : i32
      "tpu.region"() ({
        %run_scoped3A = tpu.sem_alloc : memref<!tpu.dma_semaphore, #tpu.memory_space<semaphore_mem>>
        %dma_start3A_67 = arith.constant 0 : i32
        %dma_start3A_68 = tpu.memref_slice %arg6[%add3A_66, %dma_start3A_67] : memref<10000x128xf32, #tpu.memory_space<hbm>> -> memref<312x128xf32, #tpu.memory_space<hbm>>
        %dma_start3A_69 = arith.constant 0 : i32
        %dma_start3A_70 = tpu.memref_slice %arg10[%multiple_of3A_52, %dma_start3A_69] : memref<5016x128xf32, #tpu.memory_space<vmem_shared>> -> memref<312x128xf32, #tpu.memory_space<vmem_shared>>
        tpu.enqueue_dma source(%dma_start3A_70 : memref<312x128xf32, #tpu.memory_space<vmem_shared>>) target(%dma_start3A_68 : memref<312x128xf32, #tpu.memory_space<hbm>>) target_semaphore(%run_scoped3A : memref<!tpu.dma_semaphore, #tpu.memory_space<semaphore_mem>>)
        %dma_wait3A_71 = arith.constant 0 : i32
        %dma_wait3A_72 = tpu.memref_slice %arg6[%add3A_66, %dma_wait3A_71] : memref<10000x128xf32, #tpu.memory_space<hbm>> -> memref<312x128xf32, #tpu.memory_space<hbm>>
        %dma_wait3A_73 = arith.constant 0 : i32
        %dma_wait3A_74 = tpu.memref_slice %arg10[%multiple_of3A_52, %dma_wait3A_73] : memref<5016x128xf32, #tpu.memory_space<vmem_shared>> -> memref<312x128xf32, #tpu.memory_space<vmem_shared>>
        tpu.wait_dma2 semaphore(%run_scoped3A : memref<!tpu.dma_semaphore, #tpu.memory_space<semaphore_mem>>) src(%dma_wait3A_74 : memref<312x128xf32, #tpu.memory_space<vmem_shared>>) dst(%dma_wait3A_72 : memref<312x128xf32, #tpu.memory_space<hbm>>)
        tpu.yield
      }) : () -> ()
    } else {
    }
    %eq3A_61 = arith.constant 15 : i32
    %eq3A_62 = arith.cmpi eq, %arg1, %eq3A_61 : i32
    %convert_element_type3A_63 = arith.extui %eq3A_62 : i1 to i32
    %cond3A_64 = arith.constant 0 : i32
    %cond3A_65 = arith.cmpi ne, %convert_element_type3A_63, %cond3A_64 : i32
    scf.if %cond3A_65 {
      %add3A_66 = arith.constant 4680 : i32
      %add3A_67 = arith.addi %multiple_of3A_55, %add3A_66 : i32
      "tpu.region"() ({
        %run_scoped3A = tpu.sem_alloc : memref<!tpu.dma_semaphore, #tpu.memory_space<semaphore_mem>>
        %dma_start3A_68 = arith.constant 0 : i32
        %dma_start3A_69 = tpu.memref_slice %arg6[%add3A_67, %dma_start3A_68] : memref<10000x128xf32, #tpu.memory_space<hbm>> -> memref<320x128xf32, #tpu.memory_space<hbm>>
        %dma_start3A_70 = arith.constant 4680 : i32
        %dma_start3A_71 = arith.constant 0 : i32
        %dma_start3A_72 = tpu.memref_slice %arg10[%dma_start3A_70, %dma_start3A_71] : memref<5016x128xf32, #tpu.memory_space<vmem_shared>> -> memref<320x128xf32, #tpu.memory_space<vmem_shared>>
        tpu.enqueue_dma source(%dma_start3A_72 : memref<320x128xf32, #tpu.memory_space<vmem_shared>>) target(%dma_start3A_69 : memref<320x128xf32, #tpu.memory_space<hbm>>) target_semaphore(%run_scoped3A : memref<!tpu.dma_semaphore, #tpu.memory_space<semaphore_mem>>)
        %dma_wait3A_73 = arith.constant 0 : i32
        %dma_wait3A_74 = tpu.memref_slice %arg6[%add3A_67, %dma_wait3A_73] : memref<10000x128xf32, #tpu.memory_space<hbm>> -> memref<320x128xf32, #tpu.memory_space<hbm>>
        %dma_wait3A_75 = arith.constant 4680 : i32
        %dma_wait3A_76 = arith.constant 0 : i32
        %dma_wait3A_77 = tpu.memref_slice %arg10[%dma_wait3A_75, %dma_wait3A_76] : memref<5016x128xf32, #tpu.memory_space<vmem_shared>> -> memref<320x128xf32, #tpu.memory_space<vmem_shared>>
        tpu.wait_dma2 semaphore(%run_scoped3A : memref<!tpu.dma_semaphore, #tpu.memory_space<semaphore_mem>>) src(%dma_wait3A_77 : memref<320x128xf32, #tpu.memory_space<vmem_shared>>) dst(%dma_wait3A_74 : memref<320x128xf32, #tpu.memory_space<hbm>>)
        tpu.yield
      }) : () -> ()
    } else {
    }
    return
  }
}

#map = affine_map<(d0, d1) -> (0, 0, 0)>
#map1 = affine_map<(d0, d1) -> (0, 0)>
module attributes {stable_mosaic.version = 14 : i64} {
  func.func @body(%arg0: i32, %arg1: i32, %arg2: memref<16x250x80xi32, #tpu.memory_space<hbm>>, %arg3: memref<5016x32xf32, #tpu.memory_space<hbm>>, %arg4: memref<80x32xf32, #tpu.memory_space<hbm>>, %arg5: memref<10000x32xf32, #tpu.memory_space<hbm>>, %arg6: memref<250x80xi32, #tpu.memory_space<vmem>>, %arg7: memref<250x80xi32, #tpu.memory_space<vmem>>, %arg8: memref<80x32xf32, #tpu.memory_space<vmem>>, %arg9: memref<5016x32xf32, #tpu.memory_space<vmem_shared>>, %arg10: memref<!tpu.dma_semaphore, #tpu.memory_space<semaphore_mem>>) attributes {dimension_semantics = [#tpu.dimension_semantics<core_parallel>, #tpu.dimension_semantics<subcore_parallel>], iteration_bounds = array<i64: 2, 16>, scalar_prefetch = 0 : i64, scratch_operands = 5 : i64, tpu.core_type = #tpu.core_type<sc_vector_subcore>, window_params = [{transform_indices = #map}, {transform_indices = #map1}, {transform_indices = #map1}, {transform_indices = #map1}]} {
    "tpu.region"() ({
      %run_scoped3A = tpu.sem_alloc : memref<!tpu.dma_semaphore, #tpu.memory_space<semaphore_mem>>
      %dma_start3A = arith.constant 0 : i32
      %dma_start3A_38 = arith.constant 0 : i32
      %dma_start3A_39 = tpu.memref_slice %arg2[%arg1, %dma_start3A, %dma_start3A_38] : memref<16x250x80xi32, #tpu.memory_space<hbm>> -> memref<1x250x80xi32, #tpu.memory_space<hbm>>
      %dma_start3A_40 = tpu.memref_squeeze %dma_start3A_39 : memref<1x250x80xi32, #tpu.memory_space<hbm>> -> memref<250x80xi32, #tpu.memory_space<hbm>>
      %dma_start3A_41 = arith.constant 0 : i32
      %dma_start3A_42 = arith.constant 0 : i32
      %dma_start3A_43 = tpu.memref_slice %arg2[%arg1, %dma_start3A_41, %dma_start3A_42] : memref<16x250x80xi32, #tpu.memory_space<hbm>> -> memref<1x250x80xi32, #tpu.memory_space<hbm>>
      %dma_start3A_44 = tpu.memref_squeeze %dma_start3A_43 : memref<1x250x80xi32, #tpu.memory_space<hbm>> -> memref<250x80xi32, #tpu.memory_space<hbm>>
      tpu.enqueue_dma source(%dma_start3A_44 : memref<250x80xi32, #tpu.memory_space<hbm>>) target(%arg6 : memref<250x80xi32, #tpu.memory_space<vmem>>) target_semaphore(%run_scoped3A : memref<!tpu.dma_semaphore, #tpu.memory_space<semaphore_mem>>)
      %dma_wait3A = arith.constant 0 : i32
      %dma_wait3A_45 = arith.constant 0 : i32
      %dma_wait3A_46 = tpu.memref_slice %arg2[%arg1, %dma_wait3A, %dma_wait3A_45] : memref<16x250x80xi32, #tpu.memory_space<hbm>> -> memref<1x250x80xi32, #tpu.memory_space<hbm>>
      %dma_wait3A_47 = tpu.memref_squeeze %dma_wait3A_46 : memref<1x250x80xi32, #tpu.memory_space<hbm>> -> memref<250x80xi32, #tpu.memory_space<hbm>>
      %dma_wait3A_48 = arith.constant 0 : i32
      %dma_wait3A_49 = arith.constant 0 : i32
      %dma_wait3A_50 = tpu.memref_slice %arg2[%arg1, %dma_wait3A_48, %dma_wait3A_49] : memref<16x250x80xi32, #tpu.memory_space<hbm>> -> memref<1x250x80xi32, #tpu.memory_space<hbm>>
      %dma_wait3A_51 = tpu.memref_squeeze %dma_wait3A_50 : memref<1x250x80xi32, #tpu.memory_space<hbm>> -> memref<250x80xi32, #tpu.memory_space<hbm>>
      tpu.wait_dma2 semaphore(%run_scoped3A : memref<!tpu.dma_semaphore, #tpu.memory_space<semaphore_mem>>) src(%dma_wait3A_51 : memref<250x80xi32, #tpu.memory_space<hbm>>) dst(%arg6 : memref<250x80xi32, #tpu.memory_space<vmem>>)
      tpu.yield
    }) : () -> ()
    "tpu.region"() ({
      %run_scoped3A = tpu.sem_alloc : memref<!tpu.dma_semaphore, #tpu.memory_space<semaphore_mem>>
      tpu.enqueue_dma source(%arg4 : memref<80x32xf32, #tpu.memory_space<hbm>>) target(%arg8 : memref<80x32xf32, #tpu.memory_space<vmem>>) target_semaphore(%run_scoped3A : memref<!tpu.dma_semaphore, #tpu.memory_space<semaphore_mem>>)
      tpu.wait_dma2 semaphore(%run_scoped3A : memref<!tpu.dma_semaphore, #tpu.memory_space<semaphore_mem>>) src(%arg4 : memref<80x32xf32, #tpu.memory_space<hbm>>) dst(%arg8 : memref<80x32xf32, #tpu.memory_space<vmem>>)
      tpu.yield
    }) : () -> ()
    %mul3A = arith.constant 5000 : i32
    %mul3A_0 = arith.muli %arg0, %mul3A : i32
    %add3A = arith.constant 5000 : i32
    %add3A_1 = arith.addi %add3A, %arg1 : i32
    %scan3A = arith.constant 0 : i32
    %scan3A_2 = arith.constant 0 : i32
    %scan3A_3 = arith.constant 250 : i32
    %scan3A_4 = arith.addi %scan3A_2, %scan3A_3 : i32
    %scan3A_5 = arith.constant 1 : i32
    scf.for %scan3A_38 = %scan3A_2 to %scan3A_4 step %scan3A_5  : i32 {
      %get3A = arith.index_cast %scan3A_38 : i32 to index
      %get3A_39 = arith.constant 0 : index
      %get3A_40 = tpu.vector_load %arg6[%get3A, %get3A_39] {strides = array<i32>} : memref<250x80xi32, #tpu.memory_space<vmem>>, vector<1x16xi32>,
      %get3A_41 = vector.shape_cast %get3A_40 : vector<1x16xi32> to vector<16xi32>
      %ge3A = vector.broadcast %mul3A_0 : i32 to vector<16xi32>
      %ge3A_42 = arith.cmpi sge, %get3A_41, %ge3A : vector<16xi32>
      %add3A_43 = arith.constant 5000 : i32
      %add3A_44 = arith.addi %mul3A_0, %add3A_43 : i32
      %lt3A_45 = vector.broadcast %add3A_44 : i32 to vector<16xi32>
      %lt3A_46 = arith.cmpi slt, %get3A_41, %lt3A_45 : vector<16xi32>
      %and3A = arith.andi %ge3A_42, %lt3A_46 : vector<16xi1>
      %sub3A = vector.broadcast %mul3A_0 : i32 to vector<16xi32>
      %sub3A_47 = arith.subi %get3A_41, %sub3A : vector<16xi32>
      %broadcast_in_dim3A = vector.broadcast %add3A_1 : i32 to vector<16xi32>
      %select_n3A = arith.select %and3A, %sub3A_47, %broadcast_in_dim3A : vector<16xi1>, vector<16xi32>
      %swap3A = arith.index_cast %scan3A_38 : i32 to index
      %swap3A_48 = arith.constant 0 : index
      %swap3A_49 = tpu.vector_load %arg7[%swap3A, %swap3A_48] {strides = array<i32>} : memref<250x80xi32, #tpu.memory_space<vmem>>, vector<1x16xi32>,
      %swap3A_50 = vector.shape_cast %swap3A_49 : vector<1x16xi32> to vector<16xi32>
      %swap3A_51 = vector.shape_cast %select_n3A : vector<16xi32> to vector<1x16xi32>
      tpu.vector_store %arg7[%swap3A, %swap3A_48], %swap3A_51 {strides = array<i32>} : memref<250x80xi32, #tpu.memory_space<vmem>>, vector<1x16xi32>,
      %get3A_52 = arith.index_cast %scan3A_38 : i32 to index
      %get3A_53 = arith.constant 16 : index
      %get3A_54 = tpu.vector_load %arg6[%get3A_52, %get3A_53] {strides = array<i32>} : memref<250x80xi32, #tpu.memory_space<vmem>>, vector<1x16xi32>,
      %get3A_55 = vector.shape_cast %get3A_54 : vector<1x16xi32> to vector<16xi32>
      %ge3A_56 = vector.broadcast %mul3A_0 : i32 to vector<16xi32>
      %ge3A_57 = arith.cmpi sge, %get3A_55, %ge3A_56 : vector<16xi32>
      %add3A_58 = arith.constant 5000 : i32
      %add3A_59 = arith.addi %mul3A_0, %add3A_58 : i32
      %lt3A_60 = vector.broadcast %add3A_59 : i32 to vector<16xi32>
      %lt3A_61 = arith.cmpi slt, %get3A_55, %lt3A_60 : vector<16xi32>
      %and3A_62 = arith.andi %ge3A_57, %lt3A_61 : vector<16xi1>
      %sub3A_63 = vector.broadcast %mul3A_0 : i32 to vector<16xi32>
      %sub3A_64 = arith.subi %get3A_55, %sub3A_63 : vector<16xi32>
      %broadcast_in_dim3A_65 = vector.broadcast %add3A_1 : i32 to vector<16xi32>
      %select_n3A_66 = arith.select %and3A_62, %sub3A_64, %broadcast_in_dim3A_65 : vector<16xi1>, vector<16xi32>
      %swap3A_67 = arith.index_cast %scan3A_38 : i32 to index
      %swap3A_68 = arith.constant 16 : index
      %swap3A_69 = tpu.vector_load %arg7[%swap3A_67, %swap3A_68] {strides = array<i32>} : memref<250x80xi32, #tpu.memory_space<vmem>>, vector<1x16xi32>,
      %swap3A_70 = vector.shape_cast %swap3A_69 : vector<1x16xi32> to vector<16xi32>
      %swap3A_71 = vector.shape_cast %select_n3A_66 : vector<16xi32> to vector<1x16xi32>
      tpu.vector_store %arg7[%swap3A_67, %swap3A_68], %swap3A_71 {strides = array<i32>} : memref<250x80xi32, #tpu.memory_space<vmem>>, vector<1x16xi32>,
      %get3A_72 = arith.index_cast %scan3A_38 : i32 to index
      %get3A_73 = arith.constant 32 : index
      %get3A_74 = tpu.vector_load %arg6[%get3A_72, %get3A_73] {strides = array<i32>} : memref<250x80xi32, #tpu.memory_space<vmem>>, vector<1x16xi32>,
      %get3A_75 = vector.shape_cast %get3A_74 : vector<1x16xi32> to vector<16xi32>
      %ge3A_76 = vector.broadcast %mul3A_0 : i32 to vector<16xi32>
      %ge3A_77 = arith.cmpi sge, %get3A_75, %ge3A_76 : vector<16xi32>
      %add3A_78 = arith.constant 5000 : i32
      %add3A_79 = arith.addi %mul3A_0, %add3A_78 : i32
      %lt3A_80 = vector.broadcast %add3A_79 : i32 to vector<16xi32>
      %lt3A_81 = arith.cmpi slt, %get3A_75, %lt3A_80 : vector<16xi32>
      %and3A_82 = arith.andi %ge3A_77, %lt3A_81 : vector<16xi1>
      %sub3A_83 = vector.broadcast %mul3A_0 : i32 to vector<16xi32>
      %sub3A_84 = arith.subi %get3A_75, %sub3A_83 : vector<16xi32>
      %broadcast_in_dim3A_85 = vector.broadcast %add3A_1 : i32 to vector<16xi32>
      %select_n3A_86 = arith.select %and3A_82, %sub3A_84, %broadcast_in_dim3A_85 : vector<16xi1>, vector<16xi32>
      %swap3A_87 = arith.index_cast %scan3A_38 : i32 to index
      %swap3A_88 = arith.constant 32 : index
      %swap3A_89 = tpu.vector_load %arg7[%swap3A_87, %swap3A_88] {strides = array<i32>} : memref<250x80xi32, #tpu.memory_space<vmem>>, vector<1x16xi32>,
      %swap3A_90 = vector.shape_cast %swap3A_89 : vector<1x16xi32> to vector<16xi32>
      %swap3A_91 = vector.shape_cast %select_n3A_86 : vector<16xi32> to vector<1x16xi32>
      tpu.vector_store %arg7[%swap3A_87, %swap3A_88], %swap3A_91 {strides = array<i32>} : memref<250x80xi32, #tpu.memory_space<vmem>>, vector<1x16xi32>,
      %get3A_92 = arith.index_cast %scan3A_38 : i32 to index
      %get3A_93 = arith.constant 48 : index
      %get3A_94 = tpu.vector_load %arg6[%get3A_92, %get3A_93] {strides = array<i32>} : memref<250x80xi32, #tpu.memory_space<vmem>>, vector<1x16xi32>,
      %get3A_95 = vector.shape_cast %get3A_94 : vector<1x16xi32> to vector<16xi32>
      %ge3A_96 = vector.broadcast %mul3A_0 : i32 to vector<16xi32>
      %ge3A_97 = arith.cmpi sge, %get3A_95, %ge3A_96 : vector<16xi32>
      %add3A_98 = arith.constant 5000 : i32
      %add3A_99 = arith.addi %mul3A_0, %add3A_98 : i32
      %lt3A_100 = vector.broadcast %add3A_99 : i32 to vector<16xi32>
      %lt3A_101 = arith.cmpi slt, %get3A_95, %lt3A_100 : vector<16xi32>
      %and3A_102 = arith.andi %ge3A_97, %lt3A_101 : vector<16xi1>
      %sub3A_103 = vector.broadcast %mul3A_0 : i32 to vector<16xi32>
      %sub3A_104 = arith.subi %get3A_95, %sub3A_103 : vector<16xi32>
      %broadcast_in_dim3A_105 = vector.broadcast %add3A_1 : i32 to vector<16xi32>
      %select_n3A_106 = arith.select %and3A_102, %sub3A_104, %broadcast_in_dim3A_105 : vector<16xi1>, vector<16xi32>
      %swap3A_107 = arith.index_cast %scan3A_38 : i32 to index
      %swap3A_108 = arith.constant 48 : index
      %swap3A_109 = tpu.vector_load %arg7[%swap3A_107, %swap3A_108] {strides = array<i32>} : memref<250x80xi32, #tpu.memory_space<vmem>>, vector<1x16xi32>,
      %swap3A_110 = vector.shape_cast %swap3A_109 : vector<1x16xi32> to vector<16xi32>
      %swap3A_111 = vector.shape_cast %select_n3A_106 : vector<16xi32> to vector<1x16xi32>
      tpu.vector_store %arg7[%swap3A_107, %swap3A_108], %swap3A_111 {strides = array<i32>} : memref<250x80xi32, #tpu.memory_space<vmem>>, vector<1x16xi32>,
      %get3A_112 = arith.index_cast %scan3A_38 : i32 to index
      %get3A_113 = arith.constant 64 : index
      %get3A_114 = tpu.vector_load %arg6[%get3A_112, %get3A_113] {strides = array<i32>} : memref<250x80xi32, #tpu.memory_space<vmem>>, vector<1x16xi32>,
      %get3A_115 = vector.shape_cast %get3A_114 : vector<1x16xi32> to vector<16xi32>
      %ge3A_116 = vector.broadcast %mul3A_0 : i32 to vector<16xi32>
      %ge3A_117 = arith.cmpi sge, %get3A_115, %ge3A_116 : vector<16xi32>
      %add3A_118 = arith.constant 5000 : i32
      %add3A_119 = arith.addi %mul3A_0, %add3A_118 : i32
      %lt3A_120 = vector.broadcast %add3A_119 : i32 to vector<16xi32>
      %lt3A_121 = arith.cmpi slt, %get3A_115, %lt3A_120 : vector<16xi32>
      %and3A_122 = arith.andi %ge3A_117, %lt3A_121 : vector<16xi1>
      %sub3A_123 = vector.broadcast %mul3A_0 : i32 to vector<16xi32>
      %sub3A_124 = arith.subi %get3A_115, %sub3A_123 : vector<16xi32>
      %broadcast_in_dim3A_125 = vector.broadcast %add3A_1 : i32 to vector<16xi32>
      %select_n3A_126 = arith.select %and3A_122, %sub3A_124, %broadcast_in_dim3A_125 : vector<16xi1>, vector<16xi32>
      %swap3A_127 = arith.index_cast %scan3A_38 : i32 to index
      %swap3A_128 = arith.constant 64 : index
      %swap3A_129 = tpu.vector_load %arg7[%swap3A_127, %swap3A_128] {strides = array<i32>} : memref<250x80xi32, #tpu.memory_space<vmem>>, vector<1x16xi32>,
      %swap3A_130 = vector.shape_cast %swap3A_129 : vector<1x16xi32> to vector<16xi32>
      %swap3A_131 = vector.shape_cast %select_n3A_126 : vector<16xi32> to vector<1x16xi32>
      tpu.vector_store %arg7[%swap3A_127, %swap3A_128], %swap3A_131 {strides = array<i32>} : memref<250x80xi32, #tpu.memory_space<vmem>>, vector<1x16xi32>,
    }
    %scan3A_6 = arith.constant 250 : i32
    %mul3A_7 = arith.constant 312 : i32
    %mul3A_8 = arith.muli %arg1, %mul3A_7 : i32
    %multiple_of3A = tpu.assume_multiple %mul3A_8, 8 : i32
    %lt3A = arith.constant 15 : i32
    %lt3A_9 = arith.cmpi slt, %arg1, %lt3A : i32
    %convert_element_type3A = arith.extui %lt3A_9 : i1 to i32
    %cond3A = arith.constant 0 : i32
    %cond3A_10 = arith.cmpi ne, %convert_element_type3A, %cond3A : i32
    scf.if %cond3A_10 {
      "tpu.region"() ({
        %run_scoped3A = tpu.sem_alloc : memref<!tpu.dma_semaphore, #tpu.memory_space<semaphore_mem>>
        %dma_start3A = arith.constant 0 : i32
        %dma_start3A_38 = tpu.memref_slice %arg9[%multiple_of3A, %dma_start3A] : memref<5016x32xf32, #tpu.memory_space<vmem_shared>> -> memref<312x32xf32, #tpu.memory_space<vmem_shared>>
        %dma_start3A_39 = arith.constant 0 : i32
        %dma_start3A_40 = tpu.memref_slice %arg3[%multiple_of3A, %dma_start3A_39] : memref<5016x32xf32, #tpu.memory_space<hbm>> -> memref<312x32xf32, #tpu.memory_space<hbm>>
        tpu.enqueue_dma source(%dma_start3A_40 : memref<312x32xf32, #tpu.memory_space<hbm>>) target(%dma_start3A_38 : memref<312x32xf32, #tpu.memory_space<vmem_shared>>) target_semaphore(%run_scoped3A : memref<!tpu.dma_semaphore, #tpu.memory_space<semaphore_mem>>)
        %dma_wait3A = arith.constant 0 : i32
        %dma_wait3A_41 = tpu.memref_slice %arg9[%multiple_of3A, %dma_wait3A] : memref<5016x32xf32, #tpu.memory_space<vmem_shared>> -> memref<312x32xf32, #tpu.memory_space<vmem_shared>>
        %dma_wait3A_42 = arith.constant 0 : i32
        %dma_wait3A_43 = tpu.memref_slice %arg3[%multiple_of3A, %dma_wait3A_42] : memref<5016x32xf32, #tpu.memory_space<hbm>> -> memref<312x32xf32, #tpu.memory_space<hbm>>
        tpu.wait_dma2 semaphore(%run_scoped3A : memref<!tpu.dma_semaphore, #tpu.memory_space<semaphore_mem>>) src(%dma_wait3A_43 : memref<312x32xf32, #tpu.memory_space<hbm>>) dst(%dma_wait3A_41 : memref<312x32xf32, #tpu.memory_space<vmem_shared>>)
        tpu.yield
      }) : () -> ()
    } else {
    }
    %eq3A = arith.constant 15 : i32
    %eq3A_11 = arith.cmpi eq, %arg1, %eq3A : i32
    %convert_element_type3A_12 = arith.extui %eq3A_11 : i1 to i32
    %cond3A_13 = arith.constant 0 : i32
    %cond3A_14 = arith.cmpi ne, %convert_element_type3A_12, %cond3A_13 : i32
    scf.if %cond3A_14 {
      "tpu.region"() ({
        %run_scoped3A = tpu.sem_alloc : memref<!tpu.dma_semaphore, #tpu.memory_space<semaphore_mem>>
        %dma_start3A = arith.constant 4680 : i32
        %dma_start3A_38 = arith.constant 0 : i32
        %dma_start3A_39 = tpu.memref_slice %arg9[%dma_start3A, %dma_start3A_38] : memref<5016x32xf32, #tpu.memory_space<vmem_shared>> -> memref<336x32xf32, #tpu.memory_space<vmem_shared>>
        %dma_start3A_40 = arith.constant 4680 : i32
        %dma_start3A_41 = arith.constant 0 : i32
        %dma_start3A_42 = tpu.memref_slice %arg3[%dma_start3A_40, %dma_start3A_41] : memref<5016x32xf32, #tpu.memory_space<hbm>> -> memref<336x32xf32, #tpu.memory_space<hbm>>
        tpu.enqueue_dma source(%dma_start3A_42 : memref<336x32xf32, #tpu.memory_space<hbm>>) target(%dma_start3A_39 : memref<336x32xf32, #tpu.memory_space<vmem_shared>>) target_semaphore(%run_scoped3A : memref<!tpu.dma_semaphore, #tpu.memory_space<semaphore_mem>>)
        %dma_wait3A = arith.constant 4680 : i32
        %dma_wait3A_43 = arith.constant 0 : i32
        %dma_wait3A_44 = tpu.memref_slice %arg9[%dma_wait3A, %dma_wait3A_43] : memref<5016x32xf32, #tpu.memory_space<vmem_shared>> -> memref<336x32xf32, #tpu.memory_space<vmem_shared>>
        %dma_wait3A_45 = arith.constant 4680 : i32
        %dma_wait3A_46 = arith.constant 0 : i32
        %dma_wait3A_47 = tpu.memref_slice %arg3[%dma_wait3A_45, %dma_wait3A_46] : memref<5016x32xf32, #tpu.memory_space<hbm>> -> memref<336x32xf32, #tpu.memory_space<hbm>>
        tpu.wait_dma2 semaphore(%run_scoped3A : memref<!tpu.dma_semaphore, #tpu.memory_space<semaphore_mem>>) src(%dma_wait3A_47 : memref<336x32xf32, #tpu.memory_space<hbm>>) dst(%dma_wait3A_44 : memref<336x32xf32, #tpu.memory_space<vmem_shared>>)
        tpu.yield
      }) : () -> ()
    } else {
    }
    %barrier3A = arith.constant 0 : index
    tpu.barrier barrier_id(%barrier3A)
    %scan3A_15 = arith.constant 0 : i32
    %scan3A_16 = arith.constant 0 : i32
    %scan3A_17 = arith.constant 250 : i32
    %scan3A_18 = arith.addi %scan3A_16, %scan3A_17 : i32
    %scan3A_19 = arith.constant 1 : i32
    scf.for %scan3A_38 = %scan3A_16 to %scan3A_18 step %scan3A_19  : i32 {
      "tpu.region"() ({
        %run_scoped3A = tpu.sem_alloc : memref<!tpu.dma_semaphore, #tpu.memory_space<semaphore_mem>>
        %dma_start3A = arith.constant 0 : i32
        %dma_start3A_39 = tpu.memref_slice %arg7[%scan3A_38, %dma_start3A] : memref<250x80xi32, #tpu.memory_space<vmem>> -> memref<1x80xi32, #tpu.memory_space<vmem>>
        %dma_start3A_40 = tpu.memref_squeeze %dma_start3A_39 : memref<1x80xi32, #tpu.memory_space<vmem>> -> memref<80xi32, #tpu.memory_space<vmem>>
        %dma_start3A_41 = arith.constant 0 : i32
        %dma_start3A_42 = arith.constant 0 : i32
        %dma_start3A_43 = tpu.memref_slice %arg9[%dma_start3A_41, %dma_start3A_42] : memref<5016x32xf32, #tpu.memory_space<vmem_shared>> -> memref<5016x32xf32, #tpu.memory_space<vmem_shared>>
        tpu.enqueue_indirect_dma source(%arg8 : memref<80x32xf32, #tpu.memory_space<vmem>>) target(%dma_start3A_43 : memref<5016x32xf32, #tpu.memory_space<vmem_shared>>) offsets(%dma_start3A_40 : memref<80xi32, #tpu.memory_space<vmem>>) semaphore(%run_scoped3A : memref<!tpu.dma_semaphore, #tpu.memory_space<semaphore_mem>>) {add = true}
        %dma_wait3A = arith.constant 0 : i32
        %dma_wait3A_44 = tpu.memref_slice %arg7[%scan3A_38, %dma_wait3A] : memref<250x80xi32, #tpu.memory_space<vmem>> -> memref<1x80xi32, #tpu.memory_space<vmem>>
        %dma_wait3A_45 = tpu.memref_squeeze %dma_wait3A_44 : memref<1x80xi32, #tpu.memory_space<vmem>> -> memref<80xi32, #tpu.memory_space<vmem>>
        %dma_wait3A_46 = arith.constant 0 : i32
        %dma_wait3A_47 = arith.constant 0 : i32
        %dma_wait3A_48 = tpu.memref_slice %arg9[%dma_wait3A_46, %dma_wait3A_47] : memref<5016x32xf32, #tpu.memory_space<vmem_shared>> -> memref<5016x32xf32, #tpu.memory_space<vmem_shared>>
        tpu.wait_indirect_dma semaphore(%run_scoped3A : memref<!tpu.dma_semaphore, #tpu.memory_space<semaphore_mem>>) src(%arg8 : memref<80x32xf32, #tpu.memory_space<vmem>>) dst(%dma_wait3A_48 : memref<5016x32xf32, #tpu.memory_space<vmem_shared>>)
        tpu.yield
      }) : () -> ()
    }
    %scan3A_20 = arith.constant 250 : i32
    %barrier3A_21 = arith.constant 0 : index
    tpu.barrier barrier_id(%barrier3A_21)
    %mul3A_22 = arith.constant 312 : i32
    %mul3A_23 = arith.muli %arg1, %mul3A_22 : i32
    %multiple_of3A_24 = tpu.assume_multiple %mul3A_23, 8 : i32
    %mul3A_25 = arith.constant 5000 : i32
    %mul3A_26 = arith.muli %arg0, %mul3A_25 : i32
    %multiple_of3A_27 = tpu.assume_multiple %mul3A_26, 8 : i32
    %lt3A_28 = arith.constant 15 : i32
    %lt3A_29 = arith.cmpi slt, %arg1, %lt3A_28 : i32
    %convert_element_type3A_30 = arith.extui %lt3A_29 : i1 to i32
    %cond3A_31 = arith.constant 0 : i32
    %cond3A_32 = arith.cmpi ne, %convert_element_type3A_30, %cond3A_31 : i32
    scf.if %cond3A_32 {
      %add3A_38 = arith.addi %multiple_of3A_27, %multiple_of3A_24 : i32
      "tpu.region"() ({
        %run_scoped3A = tpu.sem_alloc : memref<!tpu.dma_semaphore, #tpu.memory_space<semaphore_mem>>
        %dma_start3A = arith.constant 0 : i32
        %dma_start3A_39 = tpu.memref_slice %arg5[%add3A_38, %dma_start3A] : memref<10000x32xf32, #tpu.memory_space<hbm>> -> memref<312x32xf32, #tpu.memory_space<hbm>>
        %dma_start3A_40 = arith.constant 0 : i32
        %dma_start3A_41 = tpu.memref_slice %arg9[%multiple_of3A_24, %dma_start3A_40] : memref<5016x32xf32, #tpu.memory_space<vmem_shared>> -> memref<312x32xf32, #tpu.memory_space<vmem_shared>>
        tpu.enqueue_dma source(%dma_start3A_41 : memref<312x32xf32, #tpu.memory_space<vmem_shared>>) target(%dma_start3A_39 : memref<312x32xf32, #tpu.memory_space<hbm>>) target_semaphore(%run_scoped3A : memref<!tpu.dma_semaphore, #tpu.memory_space<semaphore_mem>>)
        %dma_wait3A = arith.constant 0 : i32
        %dma_wait3A_42 = tpu.memref_slice %arg5[%add3A_38, %dma_wait3A] : memref<10000x32xf32, #tpu.memory_space<hbm>> -> memref<312x32xf32, #tpu.memory_space<hbm>>
        %dma_wait3A_43 = arith.constant 0 : i32
        %dma_wait3A_44 = tpu.memref_slice %arg9[%multiple_of3A_24, %dma_wait3A_43] : memref<5016x32xf32, #tpu.memory_space<vmem_shared>> -> memref<312x32xf32, #tpu.memory_space<vmem_shared>>
        tpu.wait_dma2 semaphore(%run_scoped3A : memref<!tpu.dma_semaphore, #tpu.memory_space<semaphore_mem>>) src(%dma_wait3A_44 : memref<312x32xf32, #tpu.memory_space<vmem_shared>>) dst(%dma_wait3A_42 : memref<312x32xf32, #tpu.memory_space<hbm>>)
        tpu.yield
      }) : () -> ()
    } else {
    }
    %eq3A_33 = arith.constant 15 : i32
    %eq3A_34 = arith.cmpi eq, %arg1, %eq3A_33 : i32
    %convert_element_type3A_35 = arith.extui %eq3A_34 : i1 to i32
    %cond3A_36 = arith.constant 0 : i32
    %cond3A_37 = arith.cmpi ne, %convert_element_type3A_35, %cond3A_36 : i32
    scf.if %cond3A_37 {
      %add3A_38 = arith.constant 4680 : i32
      %add3A_39 = arith.addi %multiple_of3A_27, %add3A_38 : i32
      "tpu.region"() ({
        %run_scoped3A = tpu.sem_alloc : memref<!tpu.dma_semaphore, #tpu.memory_space<semaphore_mem>>
        %dma_start3A = arith.constant 0 : i32
        %dma_start3A_40 = tpu.memref_slice %arg5[%add3A_39, %dma_start3A] : memref<10000x32xf32, #tpu.memory_space<hbm>> -> memref<320x32xf32, #tpu.memory_space<hbm>>
        %dma_start3A_41 = arith.constant 4680 : i32
        %dma_start3A_42 = arith.constant 0 : i32
        %dma_start3A_43 = tpu.memref_slice %arg9[%dma_start3A_41, %dma_start3A_42] : memref<5016x32xf32, #tpu.memory_space<vmem_shared>> -> memref<320x32xf32, #tpu.memory_space<vmem_shared>>
        tpu.enqueue_dma source(%dma_start3A_43 : memref<320x32xf32, #tpu.memory_space<vmem_shared>>) target(%dma_start3A_40 : memref<320x32xf32, #tpu.memory_space<hbm>>) target_semaphore(%run_scoped3A : memref<!tpu.dma_semaphore, #tpu.memory_space<semaphore_mem>>)
        %dma_wait3A = arith.constant 0 : i32
        %dma_wait3A_44 = tpu.memref_slice %arg5[%add3A_39, %dma_wait3A] : memref<10000x32xf32, #tpu.memory_space<hbm>> -> memref<320x32xf32, #tpu.memory_space<hbm>>
        %dma_wait3A_45 = arith.constant 4680 : i32
        %dma_wait3A_46 = arith.constant 0 : i32
        %dma_wait3A_47 = tpu.memref_slice %arg9[%dma_wait3A_45, %dma_wait3A_46] : memref<5016x32xf32, #tpu.memory_space<vmem_shared>> -> memref<320x32xf32, #tpu.memory_space<vmem_shared>>
        tpu.wait_dma2 semaphore(%run_scoped3A : memref<!tpu.dma_semaphore, #tpu.memory_space<semaphore_mem>>) src(%dma_wait3A_47 : memref<320x32xf32, #tpu.memory_space<vmem_shared>>) dst(%dma_wait3A_44 : memref<320x32xf32, #tpu.memory_space<hbm>>)
        tpu.yield
      }) : () -> ()
    } else {
    }
    return
  }
}

#map = affine_map<(d0, d1) -> (0, 0)>
#map1 = affine_map<(d0, d1) -> (0, 0, 0)>
module attributes {stable_mosaic.version = 14 : i64} {
  func.func @body(%arg0: i32, %arg1: i32, %arg2: memref<10000x128xf32, #tpu.memory_space<hbm>>, %arg3: memref<16x250x80xi32, #tpu.memory_space<hbm>>, %arg4: memref<16x250x80xi32, #tpu.memory_space<hbm>>, %arg5: memref<5016x128xf32, #tpu.memory_space<hbm>>, %arg6: memref<10000x128xf32, #tpu.memory_space<hbm>>, %arg7: memref<250x80xi32, #tpu.memory_space<vmem>>, %arg8: memref<250x80xi32, #tpu.memory_space<vmem>>, %arg9: memref<2x80x128xf32, #tpu.memory_space<vmem>>, %arg10: memref<5016x128xf32, #tpu.memory_space<vmem_shared>>, %arg11: memref<2x!tpu.dma_semaphore, #tpu.memory_space<semaphore_mem>>, %arg12: memref<2x!tpu.dma_semaphore, #tpu.memory_space<semaphore_mem>>) attributes {dimension_semantics = [#tpu.dimension_semantics<core_parallel>, #tpu.dimension_semantics<subcore_parallel>], iteration_bounds = array<i64: 2, 16>, scalar_prefetch = 0 : i64, scratch_operands = 6 : i64, tpu.core_type = #tpu.core_type<sc_vector_subcore>, window_params = [{transform_indices = #map}, {transform_indices = #map1}, {transform_indices = #map1}, {transform_indices = #map}, {transform_indices = #map}]} {
    "tpu.region"() ({
      %run_scoped3A = tpu.sem_alloc : memref<!tpu.dma_semaphore, #tpu.memory_space<semaphore_mem>>
      %dma_start3A_66 = arith.constant 0 : i32
      %dma_start3A_67 = arith.constant 0 : i32
      %dma_start3A_68 = tpu.memref_slice %arg4[%arg1, %dma_start3A_66, %dma_start3A_67] : memref<16x250x80xi32, #tpu.memory_space<hbm>> -> memref<1x250x80xi32, #tpu.memory_space<hbm>>
      %dma_start3A_69 = tpu.memref_squeeze %dma_start3A_68 : memref<1x250x80xi32, #tpu.memory_space<hbm>> -> memref<250x80xi32, #tpu.memory_space<hbm>>
      %dma_start3A_70 = arith.constant 0 : i32
      %dma_start3A_71 = arith.constant 0 : i32
      %dma_start3A_72 = tpu.memref_slice %arg4[%arg1, %dma_start3A_70, %dma_start3A_71] : memref<16x250x80xi32, #tpu.memory_space<hbm>> -> memref<1x250x80xi32, #tpu.memory_space<hbm>>
      %dma_start3A_73 = tpu.memref_squeeze %dma_start3A_72 : memref<1x250x80xi32, #tpu.memory_space<hbm>> -> memref<250x80xi32, #tpu.memory_space<hbm>>
      tpu.enqueue_dma source(%dma_start3A_73 : memref<250x80xi32, #tpu.memory_space<hbm>>) target(%arg8 : memref<250x80xi32, #tpu.memory_space<vmem>>) target_semaphore(%run_scoped3A : memref<!tpu.dma_semaphore, #tpu.memory_space<semaphore_mem>>)
      %dma_wait3A_74 = arith.constant 0 : i32
      %dma_wait3A_75 = arith.constant 0 : i32
      %dma_wait3A_76 = tpu.memref_slice %arg4[%arg1, %dma_wait3A_74, %dma_wait3A_75] : memref<16x250x80xi32, #tpu.memory_space<hbm>> -> memref<1x250x80xi32, #tpu.memory_space<hbm>>
      %dma_wait3A_77 = tpu.memref_squeeze %dma_wait3A_76 : memref<1x250x80xi32, #tpu.memory_space<hbm>> -> memref<250x80xi32, #tpu.memory_space<hbm>>
      %dma_wait3A_78 = arith.constant 0 : i32
      %dma_wait3A_79 = arith.constant 0 : i32
      %dma_wait3A_80 = tpu.memref_slice %arg4[%arg1, %dma_wait3A_78, %dma_wait3A_79] : memref<16x250x80xi32, #tpu.memory_space<hbm>> -> memref<1x250x80xi32, #tpu.memory_space<hbm>>
      %dma_wait3A_81 = tpu.memref_squeeze %dma_wait3A_80 : memref<1x250x80xi32, #tpu.memory_space<hbm>> -> memref<250x80xi32, #tpu.memory_space<hbm>>
      tpu.wait_dma2 semaphore(%run_scoped3A : memref<!tpu.dma_semaphore, #tpu.memory_space<semaphore_mem>>) src(%dma_wait3A_81 : memref<250x80xi32, #tpu.memory_space<hbm>>) dst(%arg8 : memref<250x80xi32, #tpu.memory_space<vmem>>)
      tpu.yield
    }) : () -> ()
    %mul3A = arith.constant 5000 : i32
    %mul3A_0 = arith.muli %arg0, %mul3A : i32
    %add3A = arith.constant 5000 : i32
    %add3A_1 = arith.addi %add3A, %arg1 : i32
    %scan3A = arith.constant 0 : i32
    %scan3A_2 = arith.constant 0 : i32
    %scan3A_3 = arith.constant 250 : i32
    %scan3A_4 = arith.addi %scan3A_2, %scan3A_3 : i32
    %scan3A_5 = arith.constant 1 : i32
    scf.for %scan3A_66 = %scan3A_2 to %scan3A_4 step %scan3A_5  : i32 {
      %get3A = arith.index_cast %scan3A_66 : i32 to index
      %get3A_67 = arith.constant 0 : index
      %get3A_68 = tpu.vector_load %arg8[%get3A, %get3A_67] {strides = array<i32>} : memref<250x80xi32, #tpu.memory_space<vmem>>, vector<1x16xi32>,
      %get3A_69 = vector.shape_cast %get3A_68 : vector<1x16xi32> to vector<16xi32>
      %ge3A = vector.broadcast %mul3A_0 : i32 to vector<16xi32>
      %ge3A_70 = arith.cmpi sge, %get3A_69, %ge3A : vector<16xi32>
      %add3A_71 = arith.constant 5000 : i32
      %add3A_72 = arith.addi %mul3A_0, %add3A_71 : i32
      %lt3A_73 = vector.broadcast %add3A_72 : i32 to vector<16xi32>
      %lt3A_74 = arith.cmpi slt, %get3A_69, %lt3A_73 : vector<16xi32>
      %and3A = arith.andi %ge3A_70, %lt3A_74 : vector<16xi1>
      %sub3A = vector.broadcast %mul3A_0 : i32 to vector<16xi32>
      %sub3A_75 = arith.subi %get3A_69, %sub3A : vector<16xi32>
      %broadcast_in_dim3A = vector.broadcast %add3A_1 : i32 to vector<16xi32>
      %select_n3A = arith.select %and3A, %sub3A_75, %broadcast_in_dim3A : vector<16xi1>, vector<16xi32>
      %swap3A = arith.index_cast %scan3A_66 : i32 to index
      %swap3A_76 = arith.constant 0 : index
      %swap3A_77 = tpu.vector_load %arg8[%swap3A, %swap3A_76] {strides = array<i32>} : memref<250x80xi32, #tpu.memory_space<vmem>>, vector<1x16xi32>,
      %swap3A_78 = vector.shape_cast %swap3A_77 : vector<1x16xi32> to vector<16xi32>
      %swap3A_79 = vector.shape_cast %select_n3A : vector<16xi32> to vector<1x16xi32>
      tpu.vector_store %arg8[%swap3A, %swap3A_76], %swap3A_79 {strides = array<i32>} : memref<250x80xi32, #tpu.memory_space<vmem>>, vector<1x16xi32>,
      %get3A_80 = arith.index_cast %scan3A_66 : i32 to index
      %get3A_81 = arith.constant 16 : index
      %get3A_82 = tpu.vector_load %arg8[%get3A_80, %get3A_81] {strides = array<i32>} : memref<250x80xi32, #tpu.memory_space<vmem>>, vector<1x16xi32>,
      %get3A_83 = vector.shape_cast %get3A_82 : vector<1x16xi32> to vector<16xi32>
      %ge3A_84 = vector.broadcast %mul3A_0 : i32 to vector<16xi32>
      %ge3A_85 = arith.cmpi sge, %get3A_83, %ge3A_84 : vector<16xi32>
      %add3A_86 = arith.constant 5000 : i32
      %add3A_87 = arith.addi %mul3A_0, %add3A_86 : i32
      %lt3A_88 = vector.broadcast %add3A_87 : i32 to vector<16xi32>
      %lt3A_89 = arith.cmpi slt, %get3A_83, %lt3A_88 : vector<16xi32>
      %and3A_90 = arith.andi %ge3A_85, %lt3A_89 : vector<16xi1>
      %sub3A_91 = vector.broadcast %mul3A_0 : i32 to vector<16xi32>
      %sub3A_92 = arith.subi %get3A_83, %sub3A_91 : vector<16xi32>
      %broadcast_in_dim3A_93 = vector.broadcast %add3A_1 : i32 to vector<16xi32>
      %select_n3A_94 = arith.select %and3A_90, %sub3A_92, %broadcast_in_dim3A_93 : vector<16xi1>, vector<16xi32>
      %swap3A_95 = arith.index_cast %scan3A_66 : i32 to index
      %swap3A_96 = arith.constant 16 : index
      %swap3A_97 = tpu.vector_load %arg8[%swap3A_95, %swap3A_96] {strides = array<i32>} : memref<250x80xi32, #tpu.memory_space<vmem>>, vector<1x16xi32>,
      %swap3A_98 = vector.shape_cast %swap3A_97 : vector<1x16xi32> to vector<16xi32>
      %swap3A_99 = vector.shape_cast %select_n3A_94 : vector<16xi32> to vector<1x16xi32>
      tpu.vector_store %arg8[%swap3A_95, %swap3A_96], %swap3A_99 {strides = array<i32>} : memref<250x80xi32, #tpu.memory_space<vmem>>, vector<1x16xi32>,
      %get3A_100 = arith.index_cast %scan3A_66 : i32 to index
      %get3A_101 = arith.constant 32 : index
      %get3A_102 = tpu.vector_load %arg8[%get3A_100, %get3A_101] {strides = array<i32>} : memref<250x80xi32, #tpu.memory_space<vmem>>, vector<1x16xi32>,
      %get3A_103 = vector.shape_cast %get3A_102 : vector<1x16xi32> to vector<16xi32>
      %ge3A_104 = vector.broadcast %mul3A_0 : i32 to vector<16xi32>
      %ge3A_105 = arith.cmpi sge, %get3A_103, %ge3A_104 : vector<16xi32>
      %add3A_106 = arith.constant 5000 : i32
      %add3A_107 = arith.addi %mul3A_0, %add3A_106 : i32
      %lt3A_108 = vector.broadcast %add3A_107 : i32 to vector<16xi32>
      %lt3A_109 = arith.cmpi slt, %get3A_103, %lt3A_108 : vector<16xi32>
      %and3A_110 = arith.andi %ge3A_105, %lt3A_109 : vector<16xi1>
      %sub3A_111 = vector.broadcast %mul3A_0 : i32 to vector<16xi32>
      %sub3A_112 = arith.subi %get3A_103, %sub3A_111 : vector<16xi32>
      %broadcast_in_dim3A_113 = vector.broadcast %add3A_1 : i32 to vector<16xi32>
      %select_n3A_114 = arith.select %and3A_110, %sub3A_112, %broadcast_in_dim3A_113 : vector<16xi1>, vector<16xi32>
      %swap3A_115 = arith.index_cast %scan3A_66 : i32 to index
      %swap3A_116 = arith.constant 32 : index
      %swap3A_117 = tpu.vector_load %arg8[%swap3A_115, %swap3A_116] {strides = array<i32>} : memref<250x80xi32, #tpu.memory_space<vmem>>, vector<1x16xi32>,
      %swap3A_118 = vector.shape_cast %swap3A_117 : vector<1x16xi32> to vector<16xi32>
      %swap3A_119 = vector.shape_cast %select_n3A_114 : vector<16xi32> to vector<1x16xi32>
      tpu.vector_store %arg8[%swap3A_115, %swap3A_116], %swap3A_119 {strides = array<i32>} : memref<250x80xi32, #tpu.memory_space<vmem>>, vector<1x16xi32>,
      %get3A_120 = arith.index_cast %scan3A_66 : i32 to index
      %get3A_121 = arith.constant 48 : index
      %get3A_122 = tpu.vector_load %arg8[%get3A_120, %get3A_121] {strides = array<i32>} : memref<250x80xi32, #tpu.memory_space<vmem>>, vector<1x16xi32>,
      %get3A_123 = vector.shape_cast %get3A_122 : vector<1x16xi32> to vector<16xi32>
      %ge3A_124 = vector.broadcast %mul3A_0 : i32 to vector<16xi32>
      %ge3A_125 = arith.cmpi sge, %get3A_123, %ge3A_124 : vector<16xi32>
      %add3A_126 = arith.constant 5000 : i32
      %add3A_127 = arith.addi %mul3A_0, %add3A_126 : i32
      %lt3A_128 = vector.broadcast %add3A_127 : i32 to vector<16xi32>
      %lt3A_129 = arith.cmpi slt, %get3A_123, %lt3A_128 : vector<16xi32>
      %and3A_130 = arith.andi %ge3A_125, %lt3A_129 : vector<16xi1>
      %sub3A_131 = vector.broadcast %mul3A_0 : i32 to vector<16xi32>
      %sub3A_132 = arith.subi %get3A_123, %sub3A_131 : vector<16xi32>
      %broadcast_in_dim3A_133 = vector.broadcast %add3A_1 : i32 to vector<16xi32>
      %select_n3A_134 = arith.select %and3A_130, %sub3A_132, %broadcast_in_dim3A_133 : vector<16xi1>, vector<16xi32>
      %swap3A_135 = arith.index_cast %scan3A_66 : i32 to index
      %swap3A_136 = arith.constant 48 : index
      %swap3A_137 = tpu.vector_load %arg8[%swap3A_135, %swap3A_136] {strides = array<i32>} : memref<250x80xi32, #tpu.memory_space<vmem>>, vector<1x16xi32>,
      %swap3A_138 = vector.shape_cast %swap3A_137 : vector<1x16xi32> to vector<16xi32>
      %swap3A_139 = vector.shape_cast %select_n3A_134 : vector<16xi32> to vector<1x16xi32>
      tpu.vector_store %arg8[%swap3A_135, %swap3A_136], %swap3A_139 {strides = array<i32>} : memref<250x80xi32, #tpu.memory_space<vmem>>, vector<1x16xi32>,
      %get3A_140 = arith.index_cast %scan3A_66 : i32 to index
      %get3A_141 = arith.constant 64 : index
      %get3A_142 = tpu.vector_load %arg8[%get3A_140, %get3A_141] {strides = array<i32>} : memref<250x80xi32, #tpu.memory_space<vmem>>, vector<1x16xi32>,
      %get3A_143 = vector.shape_cast %get3A_142 : vector<1x16xi32> to vector<16xi32>
      %ge3A_144 = vector.broadcast %mul3A_0 : i32 to vector<16xi32>
      %ge3A_145 = arith.cmpi sge, %get3A_143, %ge3A_144 : vector<16xi32>
      %add3A_146 = arith.constant 5000 : i32
      %add3A_147 = arith.addi %mul3A_0, %add3A_146 : i32
      %lt3A_148 = vector.broadcast %add3A_147 : i32 to vector<16xi32>
      %lt3A_149 = arith.cmpi slt, %get3A_143, %lt3A_148 : vector<16xi32>
      %and3A_150 = arith.andi %ge3A_145, %lt3A_149 : vector<16xi1>
      %sub3A_151 = vector.broadcast %mul3A_0 : i32 to vector<16xi32>
      %sub3A_152 = arith.subi %get3A_143, %sub3A_151 : vector<16xi32>
      %broadcast_in_dim3A_153 = vector.broadcast %add3A_1 : i32 to vector<16xi32>
      %select_n3A_154 = arith.select %and3A_150, %sub3A_152, %broadcast_in_dim3A_153 : vector<16xi1>, vector<16xi32>
      %swap3A_155 = arith.index_cast %scan3A_66 : i32 to index
      %swap3A_156 = arith.constant 64 : index
      %swap3A_157 = tpu.vector_load %arg8[%swap3A_155, %swap3A_156] {strides = array<i32>} : memref<250x80xi32, #tpu.memory_space<vmem>>, vector<1x16xi32>,
      %swap3A_158 = vector.shape_cast %swap3A_157 : vector<1x16xi32> to vector<16xi32>
      %swap3A_159 = vector.shape_cast %select_n3A_154 : vector<16xi32> to vector<1x16xi32>
      tpu.vector_store %arg8[%swap3A_155, %swap3A_156], %swap3A_159 {strides = array<i32>} : memref<250x80xi32, #tpu.memory_space<vmem>>, vector<1x16xi32>,
    }
    %scan3A_6 = arith.constant 250 : i32
    "tpu.region"() ({
      %run_scoped3A = tpu.sem_alloc : memref<!tpu.dma_semaphore, #tpu.memory_space<semaphore_mem>>
      %dma_start3A_66 = arith.constant 0 : i32
      %dma_start3A_67 = arith.constant 0 : i32
      %dma_start3A_68 = tpu.memref_slice %arg3[%arg1, %dma_start3A_66, %dma_start3A_67] : memref<16x250x80xi32, #tpu.memory_space<hbm>> -> memref<1x250x80xi32, #tpu.memory_space<hbm>>
      %dma_start3A_69 = tpu.memref_squeeze %dma_start3A_68 : memref<1x250x80xi32, #tpu.memory_space<hbm>> -> memref<250x80xi32, #tpu.memory_space<hbm>>
      %dma_start3A_70 = arith.constant 0 : i32
      %dma_start3A_71 = arith.constant 0 : i32
      %dma_start3A_72 = tpu.memref_slice %arg3[%arg1, %dma_start3A_70, %dma_start3A_71] : memref<16x250x80xi32, #tpu.memory_space<hbm>> -> memref<1x250x80xi32, #tpu.memory_space<hbm>>
      %dma_start3A_73 = tpu.memref_squeeze %dma_start3A_72 : memref<1x250x80xi32, #tpu.memory_space<hbm>> -> memref<250x80xi32, #tpu.memory_space<hbm>>
      tpu.enqueue_dma source(%dma_start3A_73 : memref<250x80xi32, #tpu.memory_space<hbm>>) target(%arg7 : memref<250x80xi32, #tpu.memory_space<vmem>>) target_semaphore(%run_scoped3A : memref<!tpu.dma_semaphore, #tpu.memory_space<semaphore_mem>>)
      %dma_wait3A_74 = arith.constant 0 : i32
      %dma_wait3A_75 = arith.constant 0 : i32
      %dma_wait3A_76 = tpu.memref_slice %arg3[%arg1, %dma_wait3A_74, %dma_wait3A_75] : memref<16x250x80xi32, #tpu.memory_space<hbm>> -> memref<1x250x80xi32, #tpu.memory_space<hbm>>
      %dma_wait3A_77 = tpu.memref_squeeze %dma_wait3A_76 : memref<1x250x80xi32, #tpu.memory_space<hbm>> -> memref<250x80xi32, #tpu.memory_space<hbm>>
      %dma_wait3A_78 = arith.constant 0 : i32
      %dma_wait3A_79 = arith.constant 0 : i32
      %dma_wait3A_80 = tpu.memref_slice %arg3[%arg1, %dma_wait3A_78, %dma_wait3A_79] : memref<16x250x80xi32, #tpu.memory_space<hbm>> -> memref<1x250x80xi32, #tpu.memory_space<hbm>>
      %dma_wait3A_81 = tpu.memref_squeeze %dma_wait3A_80 : memref<1x250x80xi32, #tpu.memory_space<hbm>> -> memref<250x80xi32, #tpu.memory_space<hbm>>
      tpu.wait_dma2 semaphore(%run_scoped3A : memref<!tpu.dma_semaphore, #tpu.memory_space<semaphore_mem>>) src(%dma_wait3A_81 : memref<250x80xi32, #tpu.memory_space<hbm>>) dst(%arg7 : memref<250x80xi32, #tpu.memory_space<vmem>>)
      tpu.yield
    }) : () -> ()
    %mul3A_7 = arith.constant 312 : i32
    %mul3A_8 = arith.muli %arg1, %mul3A_7 : i32
    %multiple_of3A = tpu.assume_multiple %mul3A_8, 8 : i32
    %lt3A = arith.constant 15 : i32
    %lt3A_9 = arith.cmpi slt, %arg1, %lt3A : i32
    %convert_element_type3A = arith.extui %lt3A_9 : i1 to i32
    %cond3A = arith.constant 0 : i32
    %cond3A_10 = arith.cmpi ne, %convert_element_type3A, %cond3A : i32
    scf.if %cond3A_10 {
      "tpu.region"() ({
        %run_scoped3A = tpu.sem_alloc : memref<!tpu.dma_semaphore, #tpu.memory_space<semaphore_mem>>
        %dma_start3A_66 = arith.constant 0 : i32
        %dma_start3A_67 = tpu.memref_slice %arg10[%multiple_of3A, %dma_start3A_66] : memref<5016x128xf32, #tpu.memory_space<vmem_shared>> -> memref<312x128xf32, #tpu.memory_space<vmem_shared>>
        %dma_start3A_68 = arith.constant 0 : i32
        %dma_start3A_69 = tpu.memref_slice %arg5[%multiple_of3A, %dma_start3A_68] : memref<5016x128xf32, #tpu.memory_space<hbm>> -> memref<312x128xf32, #tpu.memory_space<hbm>>
        tpu.enqueue_dma source(%dma_start3A_69 : memref<312x128xf32, #tpu.memory_space<hbm>>) target(%dma_start3A_67 : memref<312x128xf32, #tpu.memory_space<vmem_shared>>) target_semaphore(%run_scoped3A : memref<!tpu.dma_semaphore, #tpu.memory_space<semaphore_mem>>)
        %dma_wait3A_70 = arith.constant 0 : i32
        %dma_wait3A_71 = tpu.memref_slice %arg10[%multiple_of3A, %dma_wait3A_70] : memref<5016x128xf32, #tpu.memory_space<vmem_shared>> -> memref<312x128xf32, #tpu.memory_space<vmem_shared>>
        %dma_wait3A_72 = arith.constant 0 : i32
        %dma_wait3A_73 = tpu.memref_slice %arg5[%multiple_of3A, %dma_wait3A_72] : memref<5016x128xf32, #tpu.memory_space<hbm>> -> memref<312x128xf32, #tpu.memory_space<hbm>>
        tpu.wait_dma2 semaphore(%run_scoped3A : memref<!tpu.dma_semaphore, #tpu.memory_space<semaphore_mem>>) src(%dma_wait3A_73 : memref<312x128xf32, #tpu.memory_space<hbm>>) dst(%dma_wait3A_71 : memref<312x128xf32, #tpu.memory_space<vmem_shared>>)
        tpu.yield
      }) : () -> ()
    } else {
    }
    %eq3A = arith.constant 15 : i32
    %eq3A_11 = arith.cmpi eq, %arg1, %eq3A : i32
    %convert_element_type3A_12 = arith.extui %eq3A_11 : i1 to i32
    %cond3A_13 = arith.constant 0 : i32
    %cond3A_14 = arith.cmpi ne, %convert_element_type3A_12, %cond3A_13 : i32
    scf.if %cond3A_14 {
      "tpu.region"() ({
        %run_scoped3A = tpu.sem_alloc : memref<!tpu.dma_semaphore, #tpu.memory_space<semaphore_mem>>
        %dma_start3A_66 = arith.constant 4680 : i32
        %dma_start3A_67 = arith.constant 0 : i32
        %dma_start3A_68 = tpu.memref_slice %arg10[%dma_start3A_66, %dma_start3A_67] : memref<5016x128xf32, #tpu.memory_space<vmem_shared>> -> memref<336x128xf32, #tpu.memory_space<vmem_shared>>
        %dma_start3A_69 = arith.constant 4680 : i32
        %dma_start3A_70 = arith.constant 0 : i32
        %dma_start3A_71 = tpu.memref_slice %arg5[%dma_start3A_69, %dma_start3A_70] : memref<5016x128xf32, #tpu.memory_space<hbm>> -> memref<336x128xf32, #tpu.memory_space<hbm>>
        tpu.enqueue_dma source(%dma_start3A_71 : memref<336x128xf32, #tpu.memory_space<hbm>>) target(%dma_start3A_68 : memref<336x128xf32, #tpu.memory_space<vmem_shared>>) target_semaphore(%run_scoped3A : memref<!tpu.dma_semaphore, #tpu.memory_space<semaphore_mem>>)
        %dma_wait3A_72 = arith.constant 4680 : i32
        %dma_wait3A_73 = arith.constant 0 : i32
        %dma_wait3A_74 = tpu.memref_slice %arg10[%dma_wait3A_72, %dma_wait3A_73] : memref<5016x128xf32, #tpu.memory_space<vmem_shared>> -> memref<336x128xf32, #tpu.memory_space<vmem_shared>>
        %dma_wait3A_75 = arith.constant 4680 : i32
        %dma_wait3A_76 = arith.constant 0 : i32
        %dma_wait3A_77 = tpu.memref_slice %arg5[%dma_wait3A_75, %dma_wait3A_76] : memref<5016x128xf32, #tpu.memory_space<hbm>> -> memref<336x128xf32, #tpu.memory_space<hbm>>
        tpu.wait_dma2 semaphore(%run_scoped3A : memref<!tpu.dma_semaphore, #tpu.memory_space<semaphore_mem>>) src(%dma_wait3A_77 : memref<336x128xf32, #tpu.memory_space<hbm>>) dst(%dma_wait3A_74 : memref<336x128xf32, #tpu.memory_space<vmem_shared>>)
        tpu.yield
      }) : () -> ()
    } else {
    }
    %dma_start3A = arith.constant 0 : i32
    %dma_start3A_15 = arith.constant 0 : i32
    %dma_start3A_16 = arith.constant 0 : i32
    %dma_start3A_17 = arith.constant 0 : i32
    %dma_start3A_18 = arith.constant 0 : i32
    %dma_start3A_19 = tpu.memref_slice %arg9[%dma_start3A_15, %dma_start3A_17, %dma_start3A_18] : memref<2x80x128xf32, #tpu.memory_space<vmem>> -> memref<1x80x128xf32, #tpu.memory_space<vmem>>
    %dma_start3A_20 = tpu.memref_squeeze %dma_start3A_19 : memref<1x80x128xf32, #tpu.memory_space<vmem>> -> memref<80x128xf32, #tpu.memory_space<vmem>>
    %dma_start3A_21 = arith.constant 0 : i32
    %dma_start3A_22 = tpu.memref_slice %arg7[%dma_start3A, %dma_start3A_21] : memref<250x80xi32, #tpu.memory_space<vmem>> -> memref<1x80xi32, #tpu.memory_space<vmem>>
    %dma_start3A_23 = tpu.memref_squeeze %dma_start3A_22 : memref<1x80xi32, #tpu.memory_space<vmem>> -> memref<80xi32, #tpu.memory_space<vmem>>
    %dma_start3A_24 = arith.constant 0 : i32
    %dma_start3A_25 = arith.constant 0 : i32
    %dma_start3A_26 = tpu.memref_slice %arg2[%dma_start3A_24, %dma_start3A_25] : memref<10000x128xf32, #tpu.memory_space<hbm>> -> memref<10000x128xf32, #tpu.memory_space<hbm>>
    %dma_start3A_27 = tpu.memref_slice %arg11[%dma_start3A_16] : memref<2x!tpu.dma_semaphore, #tpu.memory_space<semaphore_mem>> -> memref<1x!tpu.dma_semaphore, #tpu.memory_space<semaphore_mem>>
    %dma_start3A_28 = tpu.memref_squeeze %dma_start3A_27 : memref<1x!tpu.dma_semaphore, #tpu.memory_space<semaphore_mem>> -> memref<!tpu.dma_semaphore, #tpu.memory_space<semaphore_mem>>
    tpu.enqueue_indirect_dma source(%dma_start3A_26 : memref<10000x128xf32, #tpu.memory_space<hbm>>) target(%dma_start3A_20 : memref<80x128xf32, #tpu.memory_space<vmem>>) offsets(%dma_start3A_23 : memref<80xi32, #tpu.memory_space<vmem>>) semaphore(%dma_start3A_28 : memref<!tpu.dma_semaphore, #tpu.memory_space<semaphore_mem>>)
    %barrier3A = arith.constant 0 : index
    tpu.barrier barrier_id(%barrier3A)
    %scan3A_29 = arith.constant 0 : i32
    %scan3A_30 = arith.constant 0 : i32
    %scan3A_31 = arith.constant 250 : i32
    %scan3A_32 = arith.addi %scan3A_30, %scan3A_31 : i32
    %scan3A_33 = arith.constant 1 : i32
    scf.for %scan3A_66 = %scan3A_30 to %scan3A_32 step %scan3A_33  : i32 {
      %rem3A = arith.constant 2 : i32
      %rem3A_67 = arith.remsi %scan3A_66, %rem3A : i32
      %add3A_68 = arith.constant 1 : i32
      %add3A_69 = arith.addi %scan3A_66, %add3A_68 : i32
      %rem3A_70 = arith.constant 2 : i32
      %rem3A_71 = arith.remsi %add3A_69, %rem3A_70 : i32
      %ge3A = arith.constant 1 : i32
      %ge3A_72 = arith.cmpi sge, %scan3A_66, %ge3A : i32
      %convert_element_type3A_73 = arith.extui %ge3A_72 : i1 to i32
      %cond3A_74 = arith.constant 0 : i32
      %cond3A_75 = arith.cmpi ne, %convert_element_type3A_73, %cond3A_74 : i32
      scf.if %cond3A_75 {
        %sub3A = arith.constant 1 : i32
        %sub3A_107 = arith.subi %scan3A_66, %sub3A : i32
        %rem3A_108 = arith.constant 2 : i32
        %rem3A_109 = arith.remsi %sub3A_107, %rem3A_108 : i32
        %dma_wait3A_110 = arith.constant 0 : i32
        %dma_wait3A_111 = arith.constant 0 : i32
        %dma_wait3A_112 = tpu.memref_slice %arg9[%rem3A_109, %dma_wait3A_110, %dma_wait3A_111] : memref<2x80x128xf32, #tpu.memory_space<vmem>> -> memref<1x80x128xf32, #tpu.memory_space<vmem>>
        %dma_wait3A_113 = tpu.memref_squeeze %dma_wait3A_112 : memref<1x80x128xf32, #tpu.memory_space<vmem>> -> memref<80x128xf32, #tpu.memory_space<vmem>>
        %dma_wait3A_114 = arith.constant 0 : i32
        %dma_wait3A_115 = tpu.memref_slice %arg8[%sub3A_107, %dma_wait3A_114] : memref<250x80xi32, #tpu.memory_space<vmem>> -> memref<1x80xi32, #tpu.memory_space<vmem>>
        %dma_wait3A_116 = tpu.memref_squeeze %dma_wait3A_115 : memref<1x80xi32, #tpu.memory_space<vmem>> -> memref<80xi32, #tpu.memory_space<vmem>>
        %dma_wait3A_117 = arith.constant 0 : i32
        %dma_wait3A_118 = arith.constant 0 : i32
        %dma_wait3A_119 = tpu.memref_slice %arg10[%dma_wait3A_117, %dma_wait3A_118] : memref<5016x128xf32, #tpu.memory_space<vmem_shared>> -> memref<5016x128xf32, #tpu.memory_space<vmem_shared>>
        %dma_wait3A_120 = tpu.memref_slice %arg12[%rem3A_109] : memref<2x!tpu.dma_semaphore, #tpu.memory_space<semaphore_mem>> -> memref<1x!tpu.dma_semaphore, #tpu.memory_space<semaphore_mem>>
        %dma_wait3A_121 = tpu.memref_squeeze %dma_wait3A_120 : memref<1x!tpu.dma_semaphore, #tpu.memory_space<semaphore_mem>> -> memref<!tpu.dma_semaphore, #tpu.memory_space<semaphore_mem>>
        tpu.wait_indirect_dma semaphore(%dma_wait3A_121 : memref<!tpu.dma_semaphore, #tpu.memory_space<semaphore_mem>>) src(%dma_wait3A_113 : memref<80x128xf32, #tpu.memory_space<vmem>>) dst(%dma_wait3A_119 : memref<5016x128xf32, #tpu.memory_space<vmem_shared>>)
      } else {
      }
      %add3A_76 = arith.constant 1 : i32
      %add3A_77 = arith.addi %scan3A_66, %add3A_76 : i32
      %lt3A_78 = arith.constant 250 : i32
      %lt3A_79 = arith.cmpi slt, %add3A_77, %lt3A_78 : i32
      %convert_element_type3A_80 = arith.extui %lt3A_79 : i1 to i32
      %cond3A_81 = arith.constant 0 : i32
      %cond3A_82 = arith.cmpi ne, %convert_element_type3A_80, %cond3A_81 : i32
      scf.if %cond3A_82 {
        %add3A_107 = arith.constant 1 : i32
        %add3A_108 = arith.addi %scan3A_66, %add3A_107 : i32
        %dma_start3A_109 = arith.constant 0 : i32
        %dma_start3A_110 = arith.constant 0 : i32
        %dma_start3A_111 = tpu.memref_slice %arg9[%rem3A_71, %dma_start3A_109, %dma_start3A_110] : memref<2x80x128xf32, #tpu.memory_space<vmem>> -> memref<1x80x128xf32, #tpu.memory_space<vmem>>
        %dma_start3A_112 = tpu.memref_squeeze %dma_start3A_111 : memref<1x80x128xf32, #tpu.memory_space<vmem>> -> memref<80x128xf32, #tpu.memory_space<vmem>>
        %dma_start3A_113 = arith.constant 0 : i32
        %dma_start3A_114 = tpu.memref_slice %arg7[%add3A_108, %dma_start3A_113] : memref<250x80xi32, #tpu.memory_space<vmem>> -> memref<1x80xi32, #tpu.memory_space<vmem>>
        %dma_start3A_115 = tpu.memref_squeeze %dma_start3A_114 : memref<1x80xi32, #tpu.memory_space<vmem>> -> memref<80xi32, #tpu.memory_space<vmem>>
        %dma_start3A_116 = arith.constant 0 : i32
        %dma_start3A_117 = arith.constant 0 : i32
        %dma_start3A_118 = tpu.memref_slice %arg2[%dma_start3A_116, %dma_start3A_117] : memref<10000x128xf32, #tpu.memory_space<hbm>> -> memref<10000x128xf32, #tpu.memory_space<hbm>>
        %dma_start3A_119 = tpu.memref_slice %arg11[%rem3A_71] : memref<2x!tpu.dma_semaphore, #tpu.memory_space<semaphore_mem>> -> memref<1x!tpu.dma_semaphore, #tpu.memory_space<semaphore_mem>>
        %dma_start3A_120 = tpu.memref_squeeze %dma_start3A_119 : memref<1x!tpu.dma_semaphore, #tpu.memory_space<semaphore_mem>> -> memref<!tpu.dma_semaphore, #tpu.memory_space<semaphore_mem>>
        tpu.enqueue_indirect_dma source(%dma_start3A_118 : memref<10000x128xf32, #tpu.memory_space<hbm>>) target(%dma_start3A_112 : memref<80x128xf32, #tpu.memory_space<vmem>>) offsets(%dma_start3A_115 : memref<80xi32, #tpu.memory_space<vmem>>) semaphore(%dma_start3A_120 : memref<!tpu.dma_semaphore, #tpu.memory_space<semaphore_mem>>)
      } else {
      }
      %dma_wait3A_83 = arith.constant 0 : i32
      %dma_wait3A_84 = arith.constant 0 : i32
      %dma_wait3A_85 = tpu.memref_slice %arg9[%rem3A_67, %dma_wait3A_83, %dma_wait3A_84] : memref<2x80x128xf32, #tpu.memory_space<vmem>> -> memref<1x80x128xf32, #tpu.memory_space<vmem>>
      %dma_wait3A_86 = tpu.memref_squeeze %dma_wait3A_85 : memref<1x80x128xf32, #tpu.memory_space<vmem>> -> memref<80x128xf32, #tpu.memory_space<vmem>>
      %dma_wait3A_87 = arith.constant 0 : i32
      %dma_wait3A_88 = tpu.memref_slice %arg7[%scan3A_66, %dma_wait3A_87] : memref<250x80xi32, #tpu.memory_space<vmem>> -> memref<1x80xi32, #tpu.memory_space<vmem>>
      %dma_wait3A_89 = tpu.memref_squeeze %dma_wait3A_88 : memref<1x80xi32, #tpu.memory_space<vmem>> -> memref<80xi32, #tpu.memory_space<vmem>>
      %dma_wait3A_90 = arith.constant 0 : i32
      %dma_wait3A_91 = arith.constant 0 : i32
      %dma_wait3A_92 = tpu.memref_slice %arg2[%dma_wait3A_90, %dma_wait3A_91] : memref<10000x128xf32, #tpu.memory_space<hbm>> -> memref<10000x128xf32, #tpu.memory_space<hbm>>
      %dma_wait3A_93 = tpu.memref_slice %arg11[%rem3A_67] : memref<2x!tpu.dma_semaphore, #tpu.memory_space<semaphore_mem>> -> memref<1x!tpu.dma_semaphore, #tpu.memory_space<semaphore_mem>>
      %dma_wait3A_94 = tpu.memref_squeeze %dma_wait3A_93 : memref<1x!tpu.dma_semaphore, #tpu.memory_space<semaphore_mem>> -> memref<!tpu.dma_semaphore, #tpu.memory_space<semaphore_mem>>
      tpu.wait_indirect_dma semaphore(%dma_wait3A_94 : memref<!tpu.dma_semaphore, #tpu.memory_space<semaphore_mem>>) src(%dma_wait3A_92 : memref<10000x128xf32, #tpu.memory_space<hbm>>) dst(%dma_wait3A_86 : memref<80x128xf32, #tpu.memory_space<vmem>>)
      %dma_start3A_95 = arith.constant 0 : i32
      %dma_start3A_96 = arith.constant 0 : i32
      %dma_start3A_97 = tpu.memref_slice %arg9[%rem3A_67, %dma_start3A_95, %dma_start3A_96] : memref<2x80x128xf32, #tpu.memory_space<vmem>> -> memref<1x80x128xf32, #tpu.memory_space<vmem>>
      %dma_start3A_98 = tpu.memref_squeeze %dma_start3A_97 : memref<1x80x128xf32, #tpu.memory_space<vmem>> -> memref<80x128xf32, #tpu.memory_space<vmem>>
      %dma_start3A_99 = arith.constant 0 : i32
      %dma_start3A_100 = tpu.memref_slice %arg8[%scan3A_66, %dma_start3A_99] : memref<250x80xi32, #tpu.memory_space<vmem>> -> memref<1x80xi32, #tpu.memory_space<vmem>>
      %dma_start3A_101 = tpu.memref_squeeze %dma_start3A_100 : memref<1x80xi32, #tpu.memory_space<vmem>> -> memref<80xi32, #tpu.memory_space<vmem>>
      %dma_start3A_102 = arith.constant 0 : i32
      %dma_start3A_103 = arith.constant 0 : i32
      %dma_start3A_104 = tpu.memref_slice %arg10[%dma_start3A_102, %dma_start3A_103] : memref<5016x128xf32, #tpu.memory_space<vmem_shared>> -> memref<5016x128xf32, #tpu.memory_space<vmem_shared>>
      %dma_start3A_105 = tpu.memref_slice %arg12[%rem3A_67] : memref<2x!tpu.dma_semaphore, #tpu.memory_space<semaphore_mem>> -> memref<1x!tpu.dma_semaphore, #tpu.memory_space<semaphore_mem>>
      %dma_start3A_106 = tpu.memref_squeeze %dma_start3A_105 : memref<1x!tpu.dma_semaphore, #tpu.memory_space<semaphore_mem>> -> memref<!tpu.dma_semaphore, #tpu.memory_space<semaphore_mem>>
      tpu.enqueue_indirect_dma source(%dma_start3A_98 : memref<80x128xf32, #tpu.memory_space<vmem>>) target(%dma_start3A_104 : memref<5016x128xf32, #tpu.memory_space<vmem_shared>>) offsets(%dma_start3A_101 : memref<80xi32, #tpu.memory_space<vmem>>) semaphore(%dma_start3A_106 : memref<!tpu.dma_semaphore, #tpu.memory_space<semaphore_mem>>) {add = true}
    }
    %scan3A_34 = arith.constant 250 : i32
    %dma_wait3A = arith.constant 1 : i32
    %dma_wait3A_35 = arith.constant 249 : i32
    %dma_wait3A_36 = arith.constant 1 : i32
    %dma_wait3A_37 = arith.constant 0 : i32
    %dma_wait3A_38 = arith.constant 0 : i32
    %dma_wait3A_39 = tpu.memref_slice %arg9[%dma_wait3A, %dma_wait3A_37, %dma_wait3A_38] : memref<2x80x128xf32, #tpu.memory_space<vmem>> -> memref<1x80x128xf32, #tpu.memory_space<vmem>>
    %dma_wait3A_40 = tpu.memref_squeeze %dma_wait3A_39 : memref<1x80x128xf32, #tpu.memory_space<vmem>> -> memref<80x128xf32, #tpu.memory_space<vmem>>
    %dma_wait3A_41 = arith.constant 0 : i32
    %dma_wait3A_42 = tpu.memref_slice %arg8[%dma_wait3A_35, %dma_wait3A_41] : memref<250x80xi32, #tpu.memory_space<vmem>> -> memref<1x80xi32, #tpu.memory_space<vmem>>
    %dma_wait3A_43 = tpu.memref_squeeze %dma_wait3A_42 : memref<1x80xi32, #tpu.memory_space<vmem>> -> memref<80xi32, #tpu.memory_space<vmem>>
    %dma_wait3A_44 = arith.constant 0 : i32
    %dma_wait3A_45 = arith.constant 0 : i32
    %dma_wait3A_46 = tpu.memref_slice %arg10[%dma_wait3A_44, %dma_wait3A_45] : memref<5016x128xf32, #tpu.memory_space<vmem_shared>> -> memref<5016x128xf32, #tpu.memory_space<vmem_shared>>
    %dma_wait3A_47 = tpu.memref_slice %arg12[%dma_wait3A_36] : memref<2x!tpu.dma_semaphore, #tpu.memory_space<semaphore_mem>> -> memref<1x!tpu.dma_semaphore, #tpu.memory_space<semaphore_mem>>
    %dma_wait3A_48 = tpu.memref_squeeze %dma_wait3A_47 : memref<1x!tpu.dma_semaphore, #tpu.memory_space<semaphore_mem>> -> memref<!tpu.dma_semaphore, #tpu.memory_space<semaphore_mem>>
    tpu.wait_indirect_dma semaphore(%dma_wait3A_48 : memref<!tpu.dma_semaphore, #tpu.memory_space<semaphore_mem>>) src(%dma_wait3A_40 : memref<80x128xf32, #tpu.memory_space<vmem>>) dst(%dma_wait3A_46 : memref<5016x128xf32, #tpu.memory_space<vmem_shared>>)
    %barrier3A_49 = arith.constant 0 : index
    tpu.barrier barrier_id(%barrier3A_49)
    %mul3A_50 = arith.constant 312 : i32
    %mul3A_51 = arith.muli %arg1, %mul3A_50 : i32
    %multiple_of3A_52 = tpu.assume_multiple %mul3A_51, 8 : i32
    %mul3A_53 = arith.constant 5000 : i32
    %mul3A_54 = arith.muli %arg0, %mul3A_53 : i32
    %multiple_of3A_55 = tpu.assume_multiple %mul3A_54, 8 : i32
    %lt3A_56 = arith.constant 15 : i32
    %lt3A_57 = arith.cmpi slt, %arg1, %lt3A_56 : i32
    %convert_element_type3A_58 = arith.extui %lt3A_57 : i1 to i32
    %cond3A_59 = arith.constant 0 : i32
    %cond3A_60 = arith.cmpi ne, %convert_element_type3A_58, %cond3A_59 : i32
    scf.if %cond3A_60 {
      %add3A_66 = arith.addi %multiple_of3A_55, %multiple_of3A_52 : i32
      "tpu.region"() ({
        %run_scoped3A = tpu.sem_alloc : memref<!tpu.dma_semaphore, #tpu.memory_space<semaphore_mem>>
        %dma_start3A_67 = arith.constant 0 : i32
        %dma_start3A_68 = tpu.memref_slice %arg6[%add3A_66, %dma_start3A_67] : memref<10000x128xf32, #tpu.memory_space<hbm>> -> memref<312x128xf32, #tpu.memory_space<hbm>>
        %dma_start3A_69 = arith.constant 0 : i32
        %dma_start3A_70 = tpu.memref_slice %arg10[%multiple_of3A_52, %dma_start3A_69] : memref<5016x128xf32, #tpu.memory_space<vmem_shared>> -> memref<312x128xf32, #tpu.memory_space<vmem_shared>>
        tpu.enqueue_dma source(%dma_start3A_70 : memref<312x128xf32, #tpu.memory_space<vmem_shared>>) target(%dma_start3A_68 : memref<312x128xf32, #tpu.memory_space<hbm>>) target_semaphore(%run_scoped3A : memref<!tpu.dma_semaphore, #tpu.memory_space<semaphore_mem>>)
        %dma_wait3A_71 = arith.constant 0 : i32
        %dma_wait3A_72 = tpu.memref_slice %arg6[%add3A_66, %dma_wait3A_71] : memref<10000x128xf32, #tpu.memory_space<hbm>> -> memref<312x128xf32, #tpu.memory_space<hbm>>
        %dma_wait3A_73 = arith.constant 0 : i32
        %dma_wait3A_74 = tpu.memref_slice %arg10[%multiple_of3A_52, %dma_wait3A_73] : memref<5016x128xf32, #tpu.memory_space<vmem_shared>> -> memref<312x128xf32, #tpu.memory_space<vmem_shared>>
        tpu.wait_dma2 semaphore(%run_scoped3A : memref<!tpu.dma_semaphore, #tpu.memory_space<semaphore_mem>>) src(%dma_wait3A_74 : memref<312x128xf32, #tpu.memory_space<vmem_shared>>) dst(%dma_wait3A_72 : memref<312x128xf32, #tpu.memory_space<hbm>>)
        tpu.yield
      }) : () -> ()
    } else {
    }
    %eq3A_61 = arith.constant 15 : i32
    %eq3A_62 = arith.cmpi eq, %arg1, %eq3A_61 : i32
    %convert_element_type3A_63 = arith.extui %eq3A_62 : i1 to i32
    %cond3A_64 = arith.constant 0 : i32
    %cond3A_65 = arith.cmpi ne, %convert_element_type3A_63, %cond3A_64 : i32
    scf.if %cond3A_65 {
      %add3A_66 = arith.constant 4680 : i32
      %add3A_67 = arith.addi %multiple_of3A_55, %add3A_66 : i32
      "tpu.region"() ({
        %run_scoped3A = tpu.sem_alloc : memref<!tpu.dma_semaphore, #tpu.memory_space<semaphore_mem>>
        %dma_start3A_68 = arith.constant 0 : i32
        %dma_start3A_69 = tpu.memref_slice %arg6[%add3A_67, %dma_start3A_68] : memref<10000x128xf32, #tpu.memory_space<hbm>> -> memref<320x128xf32, #tpu.memory_space<hbm>>
        %dma_start3A_70 = arith.constant 4680 : i32
        %dma_start3A_71 = arith.constant 0 : i32
        %dma_start3A_72 = tpu.memref_slice %arg10[%dma_start3A_70, %dma_start3A_71] : memref<5016x128xf32, #tpu.memory_space<vmem_shared>> -> memref<320x128xf32, #tpu.memory_space<vmem_shared>>
        tpu.enqueue_dma source(%dma_start3A_72 : memref<320x128xf32, #tpu.memory_space<vmem_shared>>) target(%dma_start3A_69 : memref<320x128xf32, #tpu.memory_space<hbm>>) target_semaphore(%run_scoped3A : memref<!tpu.dma_semaphore, #tpu.memory_space<semaphore_mem>>)
        %dma_wait3A_73 = arith.constant 0 : i32
        %dma_wait3A_74 = tpu.memref_slice %arg6[%add3A_67, %dma_wait3A_73] : memref<10000x128xf32, #tpu.memory_space<hbm>> -> memref<320x128xf32, #tpu.memory_space<hbm>>
        %dma_wait3A_75 = arith.constant 4680 : i32
        %dma_wait3A_76 = arith.constant 0 : i32
        %dma_wait3A_77 = tpu.memref_slice %arg10[%dma_wait3A_75, %dma_wait3A_76] : memref<5016x128xf32, #tpu.memory_space<vmem_shared>> -> memref<320x128xf32, #tpu.memory_space<vmem_shared>>
        tpu.wait_dma2 semaphore(%run_scoped3A : memref<!tpu.dma_semaphore, #tpu.memory_space<semaphore_mem>>) src(%dma_wait3A_77 : memref<320x128xf32, #tpu.memory_space<vmem_shared>>) dst(%dma_wait3A_74 : memref<320x128xf32, #tpu.memory_space<hbm>>)
        tpu.yield
      }) : () -> ()
    } else {
    }
    return
  }
}

#map = affine_map<(d0, d1) -> (0, 0)>
#map1 = affine_map<(d0, d1) -> (0, 0, 0)>
module attributes {stable_mosaic.version = 14 : i64} {
  func.func @body(%arg0: i32, %arg1: i32, %arg2: memref<10000x128xf32, #tpu.memory_space<hbm>>, %arg3: memref<16x250x80xi32, #tpu.memory_space<hbm>>, %arg4: memref<16x250x80xi32, #tpu.memory_space<hbm>>, %arg5: memref<5016x128xf32, #tpu.memory_space<hbm>>, %arg6: memref<10000x128xf32, #tpu.memory_space<hbm>>, %arg7: memref<250x80xi32, #tpu.memory_space<vmem>>, %arg8: memref<250x80xi32, #tpu.memory_space<vmem>>, %arg9: memref<2x80x128xf32, #tpu.memory_space<vmem>>, %arg10: memref<5016x128xf32, #tpu.memory_space<vmem_shared>>, %arg11: memref<2x!tpu.dma_semaphore, #tpu.memory_space<semaphore_mem>>, %arg12: memref<2x!tpu.dma_semaphore, #tpu.memory_space<semaphore_mem>>) attributes {dimension_semantics = [#tpu.dimension_semantics<core_parallel>, #tpu.dimension_semantics<subcore_parallel>], iteration_bounds = array<i64: 2, 16>, scalar_prefetch = 0 : i64, scratch_operands = 6 : i64, tpu.core_type = #tpu.core_type<sc_vector_subcore>, window_params = [{transform_indices = #map}, {transform_indices = #map1}, {transform_indices = #map1}, {transform_indices = #map}, {transform_indices = #map}]} {
    "tpu.region"() ({
      %run_scoped3A = tpu.sem_alloc : memref<!tpu.dma_semaphore, #tpu.memory_space<semaphore_mem>>
      %dma_start3A_66 = arith.constant 0 : i32
      %dma_start3A_67 = arith.constant 0 : i32
      %dma_start3A_68 = tpu.memref_slice %arg4[%arg1, %dma_start3A_66, %dma_start3A_67] : memref<16x250x80xi32, #tpu.memory_space<hbm>> -> memref<1x250x80xi32, #tpu.memory_space<hbm>>
      %dma_start3A_69 = tpu.memref_squeeze %dma_start3A_68 : memref<1x250x80xi32, #tpu.memory_space<hbm>> -> memref<250x80xi32, #tpu.memory_space<hbm>>
      %dma_start3A_70 = arith.constant 0 : i32
      %dma_start3A_71 = arith.constant 0 : i32
      %dma_start3A_72 = tpu.memref_slice %arg4[%arg1, %dma_start3A_70, %dma_start3A_71] : memref<16x250x80xi32, #tpu.memory_space<hbm>> -> memref<1x250x80xi32, #tpu.memory_space<hbm>>
      %dma_start3A_73 = tpu.memref_squeeze %dma_start3A_72 : memref<1x250x80xi32, #tpu.memory_space<hbm>> -> memref<250x80xi32, #tpu.memory_space<hbm>>
      tpu.enqueue_dma source(%dma_start3A_73 : memref<250x80xi32, #tpu.memory_space<hbm>>) target(%arg8 : memref<250x80xi32, #tpu.memory_space<vmem>>) target_semaphore(%run_scoped3A : memref<!tpu.dma_semaphore, #tpu.memory_space<semaphore_mem>>)
      %dma_wait3A_74 = arith.constant 0 : i32
      %dma_wait3A_75 = arith.constant 0 : i32
      %dma_wait3A_76 = tpu.memref_slice %arg4[%arg1, %dma_wait3A_74, %dma_wait3A_75] : memref<16x250x80xi32, #tpu.memory_space<hbm>> -> memref<1x250x80xi32, #tpu.memory_space<hbm>>
      %dma_wait3A_77 = tpu.memref_squeeze %dma_wait3A_76 : memref<1x250x80xi32, #tpu.memory_space<hbm>> -> memref<250x80xi32, #tpu.memory_space<hbm>>
      %dma_wait3A_78 = arith.constant 0 : i32
      %dma_wait3A_79 = arith.constant 0 : i32
      %dma_wait3A_80 = tpu.memref_slice %arg4[%arg1, %dma_wait3A_78, %dma_wait3A_79] : memref<16x250x80xi32, #tpu.memory_space<hbm>> -> memref<1x250x80xi32, #tpu.memory_space<hbm>>
      %dma_wait3A_81 = tpu.memref_squeeze %dma_wait3A_80 : memref<1x250x80xi32, #tpu.memory_space<hbm>> -> memref<250x80xi32, #tpu.memory_space<hbm>>
      tpu.wait_dma2 semaphore(%run_scoped3A : memref<!tpu.dma_semaphore, #tpu.memory_space<semaphore_mem>>) src(%dma_wait3A_81 : memref<250x80xi32, #tpu.memory_space<hbm>>) dst(%arg8 : memref<250x80xi32, #tpu.memory_space<vmem>>)
      tpu.yield
    }) : () -> ()
    %mul3A = arith.constant 5000 : i32
    %mul3A_0 = arith.muli %arg0, %mul3A : i32
    %add3A = arith.constant 5000 : i32
    %add3A_1 = arith.addi %add3A, %arg1 : i32
    %scan3A = arith.constant 0 : i32
    %scan3A_2 = arith.constant 0 : i32
    %scan3A_3 = arith.constant 250 : i32
    %scan3A_4 = arith.addi %scan3A_2, %scan3A_3 : i32
    %scan3A_5 = arith.constant 1 : i32
    scf.for %scan3A_66 = %scan3A_2 to %scan3A_4 step %scan3A_5  : i32 {
      %get3A = arith.index_cast %scan3A_66 : i32 to index
      %get3A_67 = arith.constant 0 : index
      %get3A_68 = tpu.vector_load %arg8[%get3A, %get3A_67] {strides = array<i32>} : memref<250x80xi32, #tpu.memory_space<vmem>>, vector<1x16xi32>,
      %get3A_69 = vector.shape_cast %get3A_68 : vector<1x16xi32> to vector<16xi32>
      %ge3A = vector.broadcast %mul3A_0 : i32 to vector<16xi32>
      %ge3A_70 = arith.cmpi sge, %get3A_69, %ge3A : vector<16xi32>
      %add3A_71 = arith.constant 5000 : i32
      %add3A_72 = arith.addi %mul3A_0, %add3A_71 : i32
      %lt3A_73 = vector.broadcast %add3A_72 : i32 to vector<16xi32>
      %lt3A_74 = arith.cmpi slt, %get3A_69, %lt3A_73 : vector<16xi32>
      %and3A = arith.andi %ge3A_70, %lt3A_74 : vector<16xi1>
      %sub3A = vector.broadcast %mul3A_0 : i32 to vector<16xi32>
      %sub3A_75 = arith.subi %get3A_69, %sub3A : vector<16xi32>
      %broadcast_in_dim3A = vector.broadcast %add3A_1 : i32 to vector<16xi32>
      %select_n3A = arith.select %and3A, %sub3A_75, %broadcast_in_dim3A : vector<16xi1>, vector<16xi32>
      %swap3A = arith.index_cast %scan3A_66 : i32 to index
      %swap3A_76 = arith.constant 0 : index
      %swap3A_77 = tpu.vector_load %arg8[%swap3A, %swap3A_76] {strides = array<i32>} : memref<250x80xi32, #tpu.memory_space<vmem>>, vector<1x16xi32>,
      %swap3A_78 = vector.shape_cast %swap3A_77 : vector<1x16xi32> to vector<16xi32>
      %swap3A_79 = vector.shape_cast %select_n3A : vector<16xi32> to vector<1x16xi32>
      tpu.vector_store %arg8[%swap3A, %swap3A_76], %swap3A_79 {strides = array<i32>} : memref<250x80xi32, #tpu.memory_space<vmem>>, vector<1x16xi32>,
      %get3A_80 = arith.index_cast %scan3A_66 : i32 to index
      %get3A_81 = arith.constant 16 : index
      %get3A_82 = tpu.vector_load %arg8[%get3A_80, %get3A_81] {strides = array<i32>} : memref<250x80xi32, #tpu.memory_space<vmem>>, vector<1x16xi32>,
      %get3A_83 = vector.shape_cast %get3A_82 : vector<1x16xi32> to vector<16xi32>
      %ge3A_84 = vector.broadcast %mul3A_0 : i32 to vector<16xi32>
      %ge3A_85 = arith.cmpi sge, %get3A_83, %ge3A_84 : vector<16xi32>
      %add3A_86 = arith.constant 5000 : i32
      %add3A_87 = arith.addi %mul3A_0, %add3A_86 : i32
      %lt3A_88 = vector.broadcast %add3A_87 : i32 to vector<16xi32>
      %lt3A_89 = arith.cmpi slt, %get3A_83, %lt3A_88 : vector<16xi32>
      %and3A_90 = arith.andi %ge3A_85, %lt3A_89 : vector<16xi1>
      %sub3A_91 = vector.broadcast %mul3A_0 : i32 to vector<16xi32>
      %sub3A_92 = arith.subi %get3A_83, %sub3A_91 : vector<16xi32>
      %broadcast_in_dim3A_93 = vector.broadcast %add3A_1 : i32 to vector<16xi32>
      %select_n3A_94 = arith.select %and3A_90, %sub3A_92, %broadcast_in_dim3A_93 : vector<16xi1>, vector<16xi32>
      %swap3A_95 = arith.index_cast %scan3A_66 : i32 to index
      %swap3A_96 = arith.constant 16 : index
      %swap3A_97 = tpu.vector_load %arg8[%swap3A_95, %swap3A_96] {strides = array<i32>} : memref<250x80xi32, #tpu.memory_space<vmem>>, vector<1x16xi32>,
      %swap3A_98 = vector.shape_cast %swap3A_97 : vector<1x16xi32> to vector<16xi32>
      %swap3A_99 = vector.shape_cast %select_n3A_94 : vector<16xi32> to vector<1x16xi32>
      tpu.vector_store %arg8[%swap3A_95, %swap3A_96], %swap3A_99 {strides = array<i32>} : memref<250x80xi32, #tpu.memory_space<vmem>>, vector<1x16xi32>,
      %get3A_100 = arith.index_cast %scan3A_66 : i32 to index
      %get3A_101 = arith.constant 32 : index
      %get3A_102 = tpu.vector_load %arg8[%get3A_100, %get3A_101] {strides = array<i32>} : memref<250x80xi32, #tpu.memory_space<vmem>>, vector<1x16xi32>,
      %get3A_103 = vector.shape_cast %get3A_102 : vector<1x16xi32> to vector<16xi32>
      %ge3A_104 = vector.broadcast %mul3A_0 : i32 to vector<16xi32>
      %ge3A_105 = arith.cmpi sge, %get3A_103, %ge3A_104 : vector<16xi32>
      %add3A_106 = arith.constant 5000 : i32
      %add3A_107 = arith.addi %mul3A_0, %add3A_106 : i32
      %lt3A_108 = vector.broadcast %add3A_107 : i32 to vector<16xi32>
      %lt3A_109 = arith.cmpi slt, %get3A_103, %lt3A_108 : vector<16xi32>
      %and3A_110 = arith.andi %ge3A_105, %lt3A_109 : vector<16xi1>
      %sub3A_111 = vector.broadcast %mul3A_0 : i32 to vector<16xi32>
      %sub3A_112 = arith.subi %get3A_103, %sub3A_111 : vector<16xi32>
      %broadcast_in_dim3A_113 = vector.broadcast %add3A_1 : i32 to vector<16xi32>
      %select_n3A_114 = arith.select %and3A_110, %sub3A_112, %broadcast_in_dim3A_113 : vector<16xi1>, vector<16xi32>
      %swap3A_115 = arith.index_cast %scan3A_66 : i32 to index
      %swap3A_116 = arith.constant 32 : index
      %swap3A_117 = tpu.vector_load %arg8[%swap3A_115, %swap3A_116] {strides = array<i32>} : memref<250x80xi32, #tpu.memory_space<vmem>>, vector<1x16xi32>,
      %swap3A_118 = vector.shape_cast %swap3A_117 : vector<1x16xi32> to vector<16xi32>
      %swap3A_119 = vector.shape_cast %select_n3A_114 : vector<16xi32> to vector<1x16xi32>
      tpu.vector_store %arg8[%swap3A_115, %swap3A_116], %swap3A_119 {strides = array<i32>} : memref<250x80xi32, #tpu.memory_space<vmem>>, vector<1x16xi32>,
      %get3A_120 = arith.index_cast %scan3A_66 : i32 to index
      %get3A_121 = arith.constant 48 : index
      %get3A_122 = tpu.vector_load %arg8[%get3A_120, %get3A_121] {strides = array<i32>} : memref<250x80xi32, #tpu.memory_space<vmem>>, vector<1x16xi32>,
      %get3A_123 = vector.shape_cast %get3A_122 : vector<1x16xi32> to vector<16xi32>
      %ge3A_124 = vector.broadcast %mul3A_0 : i32 to vector<16xi32>
      %ge3A_125 = arith.cmpi sge, %get3A_123, %ge3A_124 : vector<16xi32>
      %add3A_126 = arith.constant 5000 : i32
      %add3A_127 = arith.addi %mul3A_0, %add3A_126 : i32
      %lt3A_128 = vector.broadcast %add3A_127 : i32 to vector<16xi32>
      %lt3A_129 = arith.cmpi slt, %get3A_123, %lt3A_128 : vector<16xi32>
      %and3A_130 = arith.andi %ge3A_125, %lt3A_129 : vector<16xi1>
      %sub3A_131 = vector.broadcast %mul3A_0 : i32 to vector<16xi32>
      %sub3A_132 = arith.subi %get3A_123, %sub3A_131 : vector<16xi32>
      %broadcast_in_dim3A_133 = vector.broadcast %add3A_1 : i32 to vector<16xi32>
      %select_n3A_134 = arith.select %and3A_130, %sub3A_132, %broadcast_in_dim3A_133 : vector<16xi1>, vector<16xi32>
      %swap3A_135 = arith.index_cast %scan3A_66 : i32 to index
      %swap3A_136 = arith.constant 48 : index
      %swap3A_137 = tpu.vector_load %arg8[%swap3A_135, %swap3A_136] {strides = array<i32>} : memref<250x80xi32, #tpu.memory_space<vmem>>, vector<1x16xi32>,
      %swap3A_138 = vector.shape_cast %swap3A_137 : vector<1x16xi32> to vector<16xi32>
      %swap3A_139 = vector.shape_cast %select_n3A_134 : vector<16xi32> to vector<1x16xi32>
      tpu.vector_store %arg8[%swap3A_135, %swap3A_136], %swap3A_139 {strides = array<i32>} : memref<250x80xi32, #tpu.memory_space<vmem>>, vector<1x16xi32>,
      %get3A_140 = arith.index_cast %scan3A_66 : i32 to index
      %get3A_141 = arith.constant 64 : index
      %get3A_142 = tpu.vector_load %arg8[%get3A_140, %get3A_141] {strides = array<i32>} : memref<250x80xi32, #tpu.memory_space<vmem>>, vector<1x16xi32>,
      %get3A_143 = vector.shape_cast %get3A_142 : vector<1x16xi32> to vector<16xi32>
      %ge3A_144 = vector.broadcast %mul3A_0 : i32 to vector<16xi32>
      %ge3A_145 = arith.cmpi sge, %get3A_143, %ge3A_144 : vector<16xi32>
      %add3A_146 = arith.constant 5000 : i32
      %add3A_147 = arith.addi %mul3A_0, %add3A_146 : i32
      %lt3A_148 = vector.broadcast %add3A_147 : i32 to vector<16xi32>
      %lt3A_149 = arith.cmpi slt, %get3A_143, %lt3A_148 : vector<16xi32>
      %and3A_150 = arith.andi %ge3A_145, %lt3A_149 : vector<16xi1>
      %sub3A_151 = vector.broadcast %mul3A_0 : i32 to vector<16xi32>
      %sub3A_152 = arith.subi %get3A_143, %sub3A_151 : vector<16xi32>
      %broadcast_in_dim3A_153 = vector.broadcast %add3A_1 : i32 to vector<16xi32>
      %select_n3A_154 = arith.select %and3A_150, %sub3A_152, %broadcast_in_dim3A_153 : vector<16xi1>, vector<16xi32>
      %swap3A_155 = arith.index_cast %scan3A_66 : i32 to index
      %swap3A_156 = arith.constant 64 : index
      %swap3A_157 = tpu.vector_load %arg8[%swap3A_155, %swap3A_156] {strides = array<i32>} : memref<250x80xi32, #tpu.memory_space<vmem>>, vector<1x16xi32>,
      %swap3A_158 = vector.shape_cast %swap3A_157 : vector<1x16xi32> to vector<16xi32>
      %swap3A_159 = vector.shape_cast %select_n3A_154 : vector<16xi32> to vector<1x16xi32>
      tpu.vector_store %arg8[%swap3A_155, %swap3A_156], %swap3A_159 {strides = array<i32>} : memref<250x80xi32, #tpu.memory_space<vmem>>, vector<1x16xi32>,
    }
    %scan3A_6 = arith.constant 250 : i32
    "tpu.region"() ({
      %run_scoped3A = tpu.sem_alloc : memref<!tpu.dma_semaphore, #tpu.memory_space<semaphore_mem>>
      %dma_start3A_66 = arith.constant 0 : i32
      %dma_start3A_67 = arith.constant 0 : i32
      %dma_start3A_68 = tpu.memref_slice %arg3[%arg1, %dma_start3A_66, %dma_start3A_67] : memref<16x250x80xi32, #tpu.memory_space<hbm>> -> memref<1x250x80xi32, #tpu.memory_space<hbm>>
      %dma_start3A_69 = tpu.memref_squeeze %dma_start3A_68 : memref<1x250x80xi32, #tpu.memory_space<hbm>> -> memref<250x80xi32, #tpu.memory_space<hbm>>
      %dma_start3A_70 = arith.constant 0 : i32
      %dma_start3A_71 = arith.constant 0 : i32
      %dma_start3A_72 = tpu.memref_slice %arg3[%arg1, %dma_start3A_70, %dma_start3A_71] : memref<16x250x80xi32, #tpu.memory_space<hbm>> -> memref<1x250x80xi32, #tpu.memory_space<hbm>>
      %dma_start3A_73 = tpu.memref_squeeze %dma_start3A_72 : memref<1x250x80xi32, #tpu.memory_space<hbm>> -> memref<250x80xi32, #tpu.memory_space<hbm>>
      tpu.enqueue_dma source(%dma_start3A_73 : memref<250x80xi32, #tpu.memory_space<hbm>>) target(%arg7 : memref<250x80xi32, #tpu.memory_space<vmem>>) target_semaphore(%run_scoped3A : memref<!tpu.dma_semaphore, #tpu.memory_space<semaphore_mem>>)
      %dma_wait3A_74 = arith.constant 0 : i32
      %dma_wait3A_75 = arith.constant 0 : i32
      %dma_wait3A_76 = tpu.memref_slice %arg3[%arg1, %dma_wait3A_74, %dma_wait3A_75] : memref<16x250x80xi32, #tpu.memory_space<hbm>> -> memref<1x250x80xi32, #tpu.memory_space<hbm>>
      %dma_wait3A_77 = tpu.memref_squeeze %dma_wait3A_76 : memref<1x250x80xi32, #tpu.memory_space<hbm>> -> memref<250x80xi32, #tpu.memory_space<hbm>>
      %dma_wait3A_78 = arith.constant 0 : i32
      %dma_wait3A_79 = arith.constant 0 : i32
      %dma_wait3A_80 = tpu.memref_slice %arg3[%arg1, %dma_wait3A_78, %dma_wait3A_79] : memref<16x250x80xi32, #tpu.memory_space<hbm>> -> memref<1x250x80xi32, #tpu.memory_space<hbm>>
      %dma_wait3A_81 = tpu.memref_squeeze %dma_wait3A_80 : memref<1x250x80xi32, #tpu.memory_space<hbm>> -> memref<250x80xi32, #tpu.memory_space<hbm>>
      tpu.wait_dma2 semaphore(%run_scoped3A : memref<!tpu.dma_semaphore, #tpu.memory_space<semaphore_mem>>) src(%dma_wait3A_81 : memref<250x80xi32, #tpu.memory_space<hbm>>) dst(%arg7 : memref<250x80xi32, #tpu.memory_space<vmem>>)
      tpu.yield
    }) : () -> ()
    %mul3A_7 = arith.constant 312 : i32
    %mul3A_8 = arith.muli %arg1, %mul3A_7 : i32
    %multiple_of3A = tpu.assume_multiple %mul3A_8, 8 : i32
    %lt3A = arith.constant 15 : i32
    %lt3A_9 = arith.cmpi slt, %arg1, %lt3A : i32
    %convert_element_type3A = arith.extui %lt3A_9 : i1 to i32
    %cond3A = arith.constant 0 : i32
    %cond3A_10 = arith.cmpi ne, %convert_element_type3A, %cond3A : i32
    scf.if %cond3A_10 {
      "tpu.region"() ({
        %run_scoped3A = tpu.sem_alloc : memref<!tpu.dma_semaphore, #tpu.memory_space<semaphore_mem>>
        %dma_start3A_66 = arith.constant 0 : i32
        %dma_start3A_67 = tpu.memref_slice %arg10[%multiple_of3A, %dma_start3A_66] : memref<5016x128xf32, #tpu.memory_space<vmem_shared>> -> memref<312x128xf32, #tpu.memory_space<vmem_shared>>
        %dma_start3A_68 = arith.constant 0 : i32
        %dma_start3A_69 = tpu.memref_slice %arg5[%multiple_of3A, %dma_start3A_68] : memref<5016x128xf32, #tpu.memory_space<hbm>> -> memref<312x128xf32, #tpu.memory_space<hbm>>
        tpu.enqueue_dma source(%dma_start3A_69 : memref<312x128xf32, #tpu.memory_space<hbm>>) target(%dma_start3A_67 : memref<312x128xf32, #tpu.memory_space<vmem_shared>>) target_semaphore(%run_scoped3A : memref<!tpu.dma_semaphore, #tpu.memory_space<semaphore_mem>>)
        %dma_wait3A_70 = arith.constant 0 : i32
        %dma_wait3A_71 = tpu.memref_slice %arg10[%multiple_of3A, %dma_wait3A_70] : memref<5016x128xf32, #tpu.memory_space<vmem_shared>> -> memref<312x128xf32, #tpu.memory_space<vmem_shared>>
        %dma_wait3A_72 = arith.constant 0 : i32
        %dma_wait3A_73 = tpu.memref_slice %arg5[%multiple_of3A, %dma_wait3A_72] : memref<5016x128xf32, #tpu.memory_space<hbm>> -> memref<312x128xf32, #tpu.memory_space<hbm>>
        tpu.wait_dma2 semaphore(%run_scoped3A : memref<!tpu.dma_semaphore, #tpu.memory_space<semaphore_mem>>) src(%dma_wait3A_73 : memref<312x128xf32, #tpu.memory_space<hbm>>) dst(%dma_wait3A_71 : memref<312x128xf32, #tpu.memory_space<vmem_shared>>)
        tpu.yield
      }) : () -> ()
    } else {
    }
    %eq3A = arith.constant 15 : i32
    %eq3A_11 = arith.cmpi eq, %arg1, %eq3A : i32
    %convert_element_type3A_12 = arith.extui %eq3A_11 : i1 to i32
    %cond3A_13 = arith.constant 0 : i32
    %cond3A_14 = arith.cmpi ne, %convert_element_type3A_12, %cond3A_13 : i32
    scf.if %cond3A_14 {
      "tpu.region"() ({
        %run_scoped3A = tpu.sem_alloc : memref<!tpu.dma_semaphore, #tpu.memory_space<semaphore_mem>>
        %dma_start3A_66 = arith.constant 4680 : i32
        %dma_start3A_67 = arith.constant 0 : i32
        %dma_start3A_68 = tpu.memref_slice %arg10[%dma_start3A_66, %dma_start3A_67] : memref<5016x128xf32, #tpu.memory_space<vmem_shared>> -> memref<336x128xf32, #tpu.memory_space<vmem_shared>>
        %dma_start3A_69 = arith.constant 4680 : i32
        %dma_start3A_70 = arith.constant 0 : i32
        %dma_start3A_71 = tpu.memref_slice %arg5[%dma_start3A_69, %dma_start3A_70] : memref<5016x128xf32, #tpu.memory_space<hbm>> -> memref<336x128xf32, #tpu.memory_space<hbm>>
        tpu.enqueue_dma source(%dma_start3A_71 : memref<336x128xf32, #tpu.memory_space<hbm>>) target(%dma_start3A_68 : memref<336x128xf32, #tpu.memory_space<vmem_shared>>) target_semaphore(%run_scoped3A : memref<!tpu.dma_semaphore, #tpu.memory_space<semaphore_mem>>)
        %dma_wait3A_72 = arith.constant 4680 : i32
        %dma_wait3A_73 = arith.constant 0 : i32
        %dma_wait3A_74 = tpu.memref_slice %arg10[%dma_wait3A_72, %dma_wait3A_73] : memref<5016x128xf32, #tpu.memory_space<vmem_shared>> -> memref<336x128xf32, #tpu.memory_space<vmem_shared>>
        %dma_wait3A_75 = arith.constant 4680 : i32
        %dma_wait3A_76 = arith.constant 0 : i32
        %dma_wait3A_77 = tpu.memref_slice %arg5[%dma_wait3A_75, %dma_wait3A_76] : memref<5016x128xf32, #tpu.memory_space<hbm>> -> memref<336x128xf32, #tpu.memory_space<hbm>>
        tpu.wait_dma2 semaphore(%run_scoped3A : memref<!tpu.dma_semaphore, #tpu.memory_space<semaphore_mem>>) src(%dma_wait3A_77 : memref<336x128xf32, #tpu.memory_space<hbm>>) dst(%dma_wait3A_74 : memref<336x128xf32, #tpu.memory_space<vmem_shared>>)
        tpu.yield
      }) : () -> ()
    } else {
    }
    %dma_start3A = arith.constant 0 : i32
    %dma_start3A_15 = arith.constant 0 : i32
    %dma_start3A_16 = arith.constant 0 : i32
    %dma_start3A_17 = arith.constant 0 : i32
    %dma_start3A_18 = arith.constant 0 : i32
    %dma_start3A_19 = tpu.memref_slice %arg9[%dma_start3A_15, %dma_start3A_17, %dma_start3A_18] : memref<2x80x128xf32, #tpu.memory_space<vmem>> -> memref<1x80x128xf32, #tpu.memory_space<vmem>>
    %dma_start3A_20 = tpu.memref_squeeze %dma_start3A_19 : memref<1x80x128xf32, #tpu.memory_space<vmem>> -> memref<80x128xf32, #tpu.memory_space<vmem>>
    %dma_start3A_21 = arith.constant 0 : i32
    %dma_start3A_22 = tpu.memref_slice %arg7[%dma_start3A, %dma_start3A_21] : memref<250x80xi32, #tpu.memory_space<vmem>> -> memref<1x80xi32, #tpu.memory_space<vmem>>
    %dma_start3A_23 = tpu.memref_squeeze %dma_start3A_22 : memref<1x80xi32, #tpu.memory_space<vmem>> -> memref<80xi32, #tpu.memory_space<vmem>>
    %dma_start3A_24 = arith.constant 0 : i32
    %dma_start3A_25 = arith.constant 0 : i32
    %dma_start3A_26 = tpu.memref_slice %arg2[%dma_start3A_24, %dma_start3A_25] : memref<10000x128xf32, #tpu.memory_space<hbm>> -> memref<10000x128xf32, #tpu.memory_space<hbm>>
    %dma_start3A_27 = tpu.memref_slice %arg11[%dma_start3A_16] : memref<2x!tpu.dma_semaphore, #tpu.memory_space<semaphore_mem>> -> memref<1x!tpu.dma_semaphore, #tpu.memory_space<semaphore_mem>>
    %dma_start3A_28 = tpu.memref_squeeze %dma_start3A_27 : memref<1x!tpu.dma_semaphore, #tpu.memory_space<semaphore_mem>> -> memref<!tpu.dma_semaphore, #tpu.memory_space<semaphore_mem>>
    tpu.enqueue_indirect_dma source(%dma_start3A_26 : memref<10000x128xf32, #tpu.memory_space<hbm>>) target(%dma_start3A_20 : memref<80x128xf32, #tpu.memory_space<vmem>>) offsets(%dma_start3A_23 : memref<80xi32, #tpu.memory_space<vmem>>) semaphore(%dma_start3A_28 : memref<!tpu.dma_semaphore, #tpu.memory_space<semaphore_mem>>)
    %barrier3A = arith.constant 0 : index
    tpu.barrier barrier_id(%barrier3A)
    %scan3A_29 = arith.constant 0 : i32
    %scan3A_30 = arith.constant 0 : i32
    %scan3A_31 = arith.constant 250 : i32
    %scan3A_32 = arith.addi %scan3A_30, %scan3A_31 : i32
    %scan3A_33 = arith.constant 1 : i32
    scf.for %scan3A_66 = %scan3A_30 to %scan3A_32 step %scan3A_33  : i32 {
      %rem3A = arith.constant 2 : i32
      %rem3A_67 = arith.remsi %scan3A_66, %rem3A : i32
      %add3A_68 = arith.constant 1 : i32
      %add3A_69 = arith.addi %scan3A_66, %add3A_68 : i32
      %rem3A_70 = arith.constant 2 : i32
      %rem3A_71 = arith.remsi %add3A_69, %rem3A_70 : i32
      %ge3A = arith.constant 1 : i32
      %ge3A_72 = arith.cmpi sge, %scan3A_66, %ge3A : i32
      %convert_element_type3A_73 = arith.extui %ge3A_72 : i1 to i32
      %cond3A_74 = arith.constant 0 : i32
      %cond3A_75 = arith.cmpi ne, %convert_element_type3A_73, %cond3A_74 : i32
      scf.if %cond3A_75 {
        %sub3A = arith.constant 1 : i32
        %sub3A_107 = arith.subi %scan3A_66, %sub3A : i32
        %rem3A_108 = arith.constant 2 : i32
        %rem3A_109 = arith.remsi %sub3A_107, %rem3A_108 : i32
        %dma_wait3A_110 = arith.constant 0 : i32
        %dma_wait3A_111 = arith.constant 0 : i32
        %dma_wait3A_112 = tpu.memref_slice %arg9[%rem3A_109, %dma_wait3A_110, %dma_wait3A_111] : memref<2x80x128xf32, #tpu.memory_space<vmem>> -> memref<1x80x128xf32, #tpu.memory_space<vmem>>
        %dma_wait3A_113 = tpu.memref_squeeze %dma_wait3A_112 : memref<1x80x128xf32, #tpu.memory_space<vmem>> -> memref<80x128xf32, #tpu.memory_space<vmem>>
        %dma_wait3A_114 = arith.constant 0 : i32
        %dma_wait3A_115 = tpu.memref_slice %arg8[%sub3A_107, %dma_wait3A_114] : memref<250x80xi32, #tpu.memory_space<vmem>> -> memref<1x80xi32, #tpu.memory_space<vmem>>
        %dma_wait3A_116 = tpu.memref_squeeze %dma_wait3A_115 : memref<1x80xi32, #tpu.memory_space<vmem>> -> memref<80xi32, #tpu.memory_space<vmem>>
        %dma_wait3A_117 = arith.constant 0 : i32
        %dma_wait3A_118 = arith.constant 0 : i32
        %dma_wait3A_119 = tpu.memref_slice %arg10[%dma_wait3A_117, %dma_wait3A_118] : memref<5016x128xf32, #tpu.memory_space<vmem_shared>> -> memref<5016x128xf32, #tpu.memory_space<vmem_shared>>
        %dma_wait3A_120 = tpu.memref_slice %arg12[%rem3A_109] : memref<2x!tpu.dma_semaphore, #tpu.memory_space<semaphore_mem>> -> memref<1x!tpu.dma_semaphore, #tpu.memory_space<semaphore_mem>>
        %dma_wait3A_121 = tpu.memref_squeeze %dma_wait3A_120 : memref<1x!tpu.dma_semaphore, #tpu.memory_space<semaphore_mem>> -> memref<!tpu.dma_semaphore, #tpu.memory_space<semaphore_mem>>
        tpu.wait_indirect_dma semaphore(%dma_wait3A_121 : memref<!tpu.dma_semaphore, #tpu.memory_space<semaphore_mem>>) src(%dma_wait3A_113 : memref<80x128xf32, #tpu.memory_space<vmem>>) dst(%dma_wait3A_119 : memref<5016x128xf32, #tpu.memory_space<vmem_shared>>)
      } else {
      }
      %add3A_76 = arith.constant 1 : i32
      %add3A_77 = arith.addi %scan3A_66, %add3A_76 : i32
      %lt3A_78 = arith.constant 250 : i32
      %lt3A_79 = arith.cmpi slt, %add3A_77, %lt3A_78 : i32
      %convert_element_type3A_80 = arith.extui %lt3A_79 : i1 to i32
      %cond3A_81 = arith.constant 0 : i32
      %cond3A_82 = arith.cmpi ne, %convert_element_type3A_80, %cond3A_81 : i32
      scf.if %cond3A_82 {
        %add3A_107 = arith.constant 1 : i32
        %add3A_108 = arith.addi %scan3A_66, %add3A_107 : i32
        %dma_start3A_109 = arith.constant 0 : i32
        %dma_start3A_110 = arith.constant 0 : i32
        %dma_start3A_111 = tpu.memref_slice %arg9[%rem3A_71, %dma_start3A_109, %dma_start3A_110] : memref<2x80x128xf32, #tpu.memory_space<vmem>> -> memref<1x80x128xf32, #tpu.memory_space<vmem>>
        %dma_start3A_112 = tpu.memref_squeeze %dma_start3A_111 : memref<1x80x128xf32, #tpu.memory_space<vmem>> -> memref<80x128xf32, #tpu.memory_space<vmem>>
        %dma_start3A_113 = arith.constant 0 : i32
        %dma_start3A_114 = tpu.memref_slice %arg7[%add3A_108, %dma_start3A_113] : memref<250x80xi32, #tpu.memory_space<vmem>> -> memref<1x80xi32, #tpu.memory_space<vmem>>
        %dma_start3A_115 = tpu.memref_squeeze %dma_start3A_114 : memref<1x80xi32, #tpu.memory_space<vmem>> -> memref<80xi32, #tpu.memory_space<vmem>>
        %dma_start3A_116 = arith.constant 0 : i32
        %dma_start3A_117 = arith.constant 0 : i32
        %dma_start3A_118 = tpu.memref_slice %arg2[%dma_start3A_116, %dma_start3A_117] : memref<10000x128xf32, #tpu.memory_space<hbm>> -> memref<10000x128xf32, #tpu.memory_space<hbm>>
        %dma_start3A_119 = tpu.memref_slice %arg11[%rem3A_71] : memref<2x!tpu.dma_semaphore, #tpu.memory_space<semaphore_mem>> -> memref<1x!tpu.dma_semaphore, #tpu.memory_space<semaphore_mem>>
        %dma_start3A_120 = tpu.memref_squeeze %dma_start3A_119 : memref<1x!tpu.dma_semaphore, #tpu.memory_space<semaphore_mem>> -> memref<!tpu.dma_semaphore, #tpu.memory_space<semaphore_mem>>
        tpu.enqueue_indirect_dma source(%dma_start3A_118 : memref<10000x128xf32, #tpu.memory_space<hbm>>) target(%dma_start3A_112 : memref<80x128xf32, #tpu.memory_space<vmem>>) offsets(%dma_start3A_115 : memref<80xi32, #tpu.memory_space<vmem>>) semaphore(%dma_start3A_120 : memref<!tpu.dma_semaphore, #tpu.memory_space<semaphore_mem>>)
      } else {
      }
      %dma_wait3A_83 = arith.constant 0 : i32
      %dma_wait3A_84 = arith.constant 0 : i32
      %dma_wait3A_85 = tpu.memref_slice %arg9[%rem3A_67, %dma_wait3A_83, %dma_wait3A_84] : memref<2x80x128xf32, #tpu.memory_space<vmem>> -> memref<1x80x128xf32, #tpu.memory_space<vmem>>
      %dma_wait3A_86 = tpu.memref_squeeze %dma_wait3A_85 : memref<1x80x128xf32, #tpu.memory_space<vmem>> -> memref<80x128xf32, #tpu.memory_space<vmem>>
      %dma_wait3A_87 = arith.constant 0 : i32
      %dma_wait3A_88 = tpu.memref_slice %arg7[%scan3A_66, %dma_wait3A_87] : memref<250x80xi32, #tpu.memory_space<vmem>> -> memref<1x80xi32, #tpu.memory_space<vmem>>
      %dma_wait3A_89 = tpu.memref_squeeze %dma_wait3A_88 : memref<1x80xi32, #tpu.memory_space<vmem>> -> memref<80xi32, #tpu.memory_space<vmem>>
      %dma_wait3A_90 = arith.constant 0 : i32
      %dma_wait3A_91 = arith.constant 0 : i32
      %dma_wait3A_92 = tpu.memref_slice %arg2[%dma_wait3A_90, %dma_wait3A_91] : memref<10000x128xf32, #tpu.memory_space<hbm>> -> memref<10000x128xf32, #tpu.memory_space<hbm>>
      %dma_wait3A_93 = tpu.memref_slice %arg11[%rem3A_67] : memref<2x!tpu.dma_semaphore, #tpu.memory_space<semaphore_mem>> -> memref<1x!tpu.dma_semaphore, #tpu.memory_space<semaphore_mem>>
      %dma_wait3A_94 = tpu.memref_squeeze %dma_wait3A_93 : memref<1x!tpu.dma_semaphore, #tpu.memory_space<semaphore_mem>> -> memref<!tpu.dma_semaphore, #tpu.memory_space<semaphore_mem>>
      tpu.wait_indirect_dma semaphore(%dma_wait3A_94 : memref<!tpu.dma_semaphore, #tpu.memory_space<semaphore_mem>>) src(%dma_wait3A_92 : memref<10000x128xf32, #tpu.memory_space<hbm>>) dst(%dma_wait3A_86 : memref<80x128xf32, #tpu.memory_space<vmem>>)
      %dma_start3A_95 = arith.constant 0 : i32
      %dma_start3A_96 = arith.constant 0 : i32
      %dma_start3A_97 = tpu.memref_slice %arg9[%rem3A_67, %dma_start3A_95, %dma_start3A_96] : memref<2x80x128xf32, #tpu.memory_space<vmem>> -> memref<1x80x128xf32, #tpu.memory_space<vmem>>
      %dma_start3A_98 = tpu.memref_squeeze %dma_start3A_97 : memref<1x80x128xf32, #tpu.memory_space<vmem>> -> memref<80x128xf32, #tpu.memory_space<vmem>>
      %dma_start3A_99 = arith.constant 0 : i32
      %dma_start3A_100 = tpu.memref_slice %arg8[%scan3A_66, %dma_start3A_99] : memref<250x80xi32, #tpu.memory_space<vmem>> -> memref<1x80xi32, #tpu.memory_space<vmem>>
      %dma_start3A_101 = tpu.memref_squeeze %dma_start3A_100 : memref<1x80xi32, #tpu.memory_space<vmem>> -> memref<80xi32, #tpu.memory_space<vmem>>
      %dma_start3A_102 = arith.constant 0 : i32
      %dma_start3A_103 = arith.constant 0 : i32
      %dma_start3A_104 = tpu.memref_slice %arg10[%dma_start3A_102, %dma_start3A_103] : memref<5016x128xf32, #tpu.memory_space<vmem_shared>> -> memref<5016x128xf32, #tpu.memory_space<vmem_shared>>
      %dma_start3A_105 = tpu.memref_slice %arg12[%rem3A_67] : memref<2x!tpu.dma_semaphore, #tpu.memory_space<semaphore_mem>> -> memref<1x!tpu.dma_semaphore, #tpu.memory_space<semaphore_mem>>
      %dma_start3A_106 = tpu.memref_squeeze %dma_start3A_105 : memref<1x!tpu.dma_semaphore, #tpu.memory_space<semaphore_mem>> -> memref<!tpu.dma_semaphore, #tpu.memory_space<semaphore_mem>>
      tpu.enqueue_indirect_dma source(%dma_start3A_98 : memref<80x128xf32, #tpu.memory_space<vmem>>) target(%dma_start3A_104 : memref<5016x128xf32, #tpu.memory_space<vmem_shared>>) offsets(%dma_start3A_101 : memref<80xi32, #tpu.memory_space<vmem>>) semaphore(%dma_start3A_106 : memref<!tpu.dma_semaphore, #tpu.memory_space<semaphore_mem>>) {add = true}
    }
    %scan3A_34 = arith.constant 250 : i32
    %dma_wait3A = arith.constant 1 : i32
    %dma_wait3A_35 = arith.constant 249 : i32
    %dma_wait3A_36 = arith.constant 1 : i32
    %dma_wait3A_37 = arith.constant 0 : i32
    %dma_wait3A_38 = arith.constant 0 : i32
    %dma_wait3A_39 = tpu.memref_slice %arg9[%dma_wait3A, %dma_wait3A_37, %dma_wait3A_38] : memref<2x80x128xf32, #tpu.memory_space<vmem>> -> memref<1x80x128xf32, #tpu.memory_space<vmem>>
    %dma_wait3A_40 = tpu.memref_squeeze %dma_wait3A_39 : memref<1x80x128xf32, #tpu.memory_space<vmem>> -> memref<80x128xf32, #tpu.memory_space<vmem>>
    %dma_wait3A_41 = arith.constant 0 : i32
    %dma_wait3A_42 = tpu.memref_slice %arg8[%dma_wait3A_35, %dma_wait3A_41] : memref<250x80xi32, #tpu.memory_space<vmem>> -> memref<1x80xi32, #tpu.memory_space<vmem>>
    %dma_wait3A_43 = tpu.memref_squeeze %dma_wait3A_42 : memref<1x80xi32, #tpu.memory_space<vmem>> -> memref<80xi32, #tpu.memory_space<vmem>>
    %dma_wait3A_44 = arith.constant 0 : i32
    %dma_wait3A_45 = arith.constant 0 : i32
    %dma_wait3A_46 = tpu.memref_slice %arg10[%dma_wait3A_44, %dma_wait3A_45] : memref<5016x128xf32, #tpu.memory_space<vmem_shared>> -> memref<5016x128xf32, #tpu.memory_space<vmem_shared>>
    %dma_wait3A_47 = tpu.memref_slice %arg12[%dma_wait3A_36] : memref<2x!tpu.dma_semaphore, #tpu.memory_space<semaphore_mem>> -> memref<1x!tpu.dma_semaphore, #tpu.memory_space<semaphore_mem>>
    %dma_wait3A_48 = tpu.memref_squeeze %dma_wait3A_47 : memref<1x!tpu.dma_semaphore, #tpu.memory_space<semaphore_mem>> -> memref<!tpu.dma_semaphore, #tpu.memory_space<semaphore_mem>>
    tpu.wait_indirect_dma semaphore(%dma_wait3A_48 : memref<!tpu.dma_semaphore, #tpu.memory_space<semaphore_mem>>) src(%dma_wait3A_40 : memref<80x128xf32, #tpu.memory_space<vmem>>) dst(%dma_wait3A_46 : memref<5016x128xf32, #tpu.memory_space<vmem_shared>>)
    %barrier3A_49 = arith.constant 0 : index
    tpu.barrier barrier_id(%barrier3A_49)
    %mul3A_50 = arith.constant 312 : i32
    %mul3A_51 = arith.muli %arg1, %mul3A_50 : i32
    %multiple_of3A_52 = tpu.assume_multiple %mul3A_51, 8 : i32
    %mul3A_53 = arith.constant 5000 : i32
    %mul3A_54 = arith.muli %arg0, %mul3A_53 : i32
    %multiple_of3A_55 = tpu.assume_multiple %mul3A_54, 8 : i32
    %lt3A_56 = arith.constant 15 : i32
    %lt3A_57 = arith.cmpi slt, %arg1, %lt3A_56 : i32
    %convert_element_type3A_58 = arith.extui %lt3A_57 : i1 to i32
    %cond3A_59 = arith.constant 0 : i32
    %cond3A_60 = arith.cmpi ne, %convert_element_type3A_58, %cond3A_59 : i32
    scf.if %cond3A_60 {
      %add3A_66 = arith.addi %multiple_of3A_55, %multiple_of3A_52 : i32
      "tpu.region"() ({
        %run_scoped3A = tpu.sem_alloc : memref<!tpu.dma_semaphore, #tpu.memory_space<semaphore_mem>>
        %dma_start3A_67 = arith.constant 0 : i32
        %dma_start3A_68 = tpu.memref_slice %arg6[%add3A_66, %dma_start3A_67] : memref<10000x128xf32, #tpu.memory_space<hbm>> -> memref<312x128xf32, #tpu.memory_space<hbm>>
        %dma_start3A_69 = arith.constant 0 : i32
        %dma_start3A_70 = tpu.memref_slice %arg10[%multiple_of3A_52, %dma_start3A_69] : memref<5016x128xf32, #tpu.memory_space<vmem_shared>> -> memref<312x128xf32, #tpu.memory_space<vmem_shared>>
        tpu.enqueue_dma source(%dma_start3A_70 : memref<312x128xf32, #tpu.memory_space<vmem_shared>>) target(%dma_start3A_68 : memref<312x128xf32, #tpu.memory_space<hbm>>) target_semaphore(%run_scoped3A : memref<!tpu.dma_semaphore, #tpu.memory_space<semaphore_mem>>)
        %dma_wait3A_71 = arith.constant 0 : i32
        %dma_wait3A_72 = tpu.memref_slice %arg6[%add3A_66, %dma_wait3A_71] : memref<10000x128xf32, #tpu.memory_space<hbm>> -> memref<312x128xf32, #tpu.memory_space<hbm>>
        %dma_wait3A_73 = arith.constant 0 : i32
        %dma_wait3A_74 = tpu.memref_slice %arg10[%multiple_of3A_52, %dma_wait3A_73] : memref<5016x128xf32, #tpu.memory_space<vmem_shared>> -> memref<312x128xf32, #tpu.memory_space<vmem_shared>>
        tpu.wait_dma2 semaphore(%run_scoped3A : memref<!tpu.dma_semaphore, #tpu.memory_space<semaphore_mem>>) src(%dma_wait3A_74 : memref<312x128xf32, #tpu.memory_space<vmem_shared>>) dst(%dma_wait3A_72 : memref<312x128xf32, #tpu.memory_space<hbm>>)
        tpu.yield
      }) : () -> ()
    } else {
    }
    %eq3A_61 = arith.constant 15 : i32
    %eq3A_62 = arith.cmpi eq, %arg1, %eq3A_61 : i32
    %convert_element_type3A_63 = arith.extui %eq3A_62 : i1 to i32
    %cond3A_64 = arith.constant 0 : i32
    %cond3A_65 = arith.cmpi ne, %convert_element_type3A_63, %cond3A_64 : i32
    scf.if %cond3A_65 {
      %add3A_66 = arith.constant 4680 : i32
      %add3A_67 = arith.addi %multiple_of3A_55, %add3A_66 : i32
      "tpu.region"() ({
        %run_scoped3A = tpu.sem_alloc : memref<!tpu.dma_semaphore, #tpu.memory_space<semaphore_mem>>
        %dma_start3A_68 = arith.constant 0 : i32
        %dma_start3A_69 = tpu.memref_slice %arg6[%add3A_67, %dma_start3A_68] : memref<10000x128xf32, #tpu.memory_space<hbm>> -> memref<320x128xf32, #tpu.memory_space<hbm>>
        %dma_start3A_70 = arith.constant 4680 : i32
        %dma_start3A_71 = arith.constant 0 : i32
        %dma_start3A_72 = tpu.memref_slice %arg10[%dma_start3A_70, %dma_start3A_71] : memref<5016x128xf32, #tpu.memory_space<vmem_shared>> -> memref<320x128xf32, #tpu.memory_space<vmem_shared>>
        tpu.enqueue_dma source(%dma_start3A_72 : memref<320x128xf32, #tpu.memory_space<vmem_shared>>) target(%dma_start3A_69 : memref<320x128xf32, #tpu.memory_space<hbm>>) target_semaphore(%run_scoped3A : memref<!tpu.dma_semaphore, #tpu.memory_space<semaphore_mem>>)
        %dma_wait3A_73 = arith.constant 0 : i32
        %dma_wait3A_74 = tpu.memref_slice %arg6[%add3A_67, %dma_wait3A_73] : memref<10000x128xf32, #tpu.memory_space<hbm>> -> memref<320x128xf32, #tpu.memory_space<hbm>>
        %dma_wait3A_75 = arith.constant 4680 : i32
        %dma_wait3A_76 = arith.constant 0 : i32
        %dma_wait3A_77 = tpu.memref_slice %arg10[%dma_wait3A_75, %dma_wait3A_76] : memref<5016x128xf32, #tpu.memory_space<vmem_shared>> -> memref<320x128xf32, #tpu.memory_space<vmem_shared>>
        tpu.wait_dma2 semaphore(%run_scoped3A : memref<!tpu.dma_semaphore, #tpu.memory_space<semaphore_mem>>) src(%dma_wait3A_77 : memref<320x128xf32, #tpu.memory_space<vmem_shared>>) dst(%dma_wait3A_74 : memref<320x128xf32, #tpu.memory_space<hbm>>)
        tpu.yield
      }) : () -> ()
    } else {
    }
    return
  }
}

module attributes {stable_mosaic.version = 14 : i64} {
  func.func @body(%arg0: i32, %arg1: memref<1000x128xf32, #tpu.memory_space<vmem>>, %arg2: memref<128x128xf32, #tpu.memory_space<vmem>>, %arg3: memref<1000x128xf32, #tpu.memory_space<vmem>>) attributes {dimension_semantics = [#tpu.dimension_semantics<arbitrary>], iteration_bounds = array<i64: 10>, scalar_prefetch = 0 : i64, scratch_operands = 0 : i64, tpu.core_type = #tpu.core_type<tc>, window_params = [{transform_indices = @transform_0, window_bounds = array<i64: 1000, 128>}, {pipeline_mode = #tpu.pipeline_mode<synchronous>, transform_indices = @transform_1, window_bounds = array<i64: 128, 128>}, {transform_indices = @transform_2, window_bounds = array<i64: 1000, 128>}]} {
    %get3A = arith.constant 0 : index
    %get3A_0 = arith.constant 0 : index
    %get3A_1 = vector.load %arg1[%get3A, %get3A_0] : memref<1000x128xf32, #tpu.memory_space<vmem>>, vector<1000x128xf32>
    %get3A_2 = arith.constant 0 : index
    %get3A_3 = arith.constant 0 : index
    %get3A_4 = vector.load %arg2[%get3A_2, %get3A_3] : memref<128x128xf32, #tpu.memory_space<vmem>>, vector<128x128xf32>
    %dot_general3A = arith.constant dense<0.000000e+00> : vector<1000x128xf32>
    %dot_general3A_5 = tpu.matmul %get3A_1, %get3A_4, %dot_general3A {dimension_numbers = #tpu.dot_dimension_numbers<[1], [0], [0], [1], [0, 0, 1, 1], [], []>, precision = #tpu.contract_precision<fp32>, transpose_lhs_hint = false} : vector<1000x128xf32>, vector<128x128xf32>, vector<1000x128xf32> -> vector<1000x128xf32>
    %swap3A = arith.constant 0 : index
    %swap3A_6 = arith.constant 0 : index
    %swap3A_7 = vector.load %arg3[%swap3A, %swap3A_6] : memref<1000x128xf32, #tpu.memory_space<vmem>>, vector<1000x128xf32>
    tpu.vector_store %arg3[%swap3A, %swap3A_6], %dot_general3A_5 {strides = array<i32>} : memref<1000x128xf32, #tpu.memory_space<vmem>>, vector<1000x128xf32>,
    return
  }
  func.func @transform_0(%arg0: i32) -> (i32, i32) {
    %c0_i32 = arith.constant 0 : i32
    %c0_i32_0 = arith.constant 0 : i32
    return %arg0, %c0_i32 : i32, i32
  }
  func.func @transform_1(%arg0: i32) -> (i32, i32) {
    %c0_i32 = arith.constant 0 : i32
    %c0_i32_0 = arith.constant 0 : i32
    %c0_i32_1 = arith.constant 0 : i32
    return %c0_i32, %c0_i32_0 : i32, i32
  }
  func.func @transform_2(%arg0: i32) -> (i32, i32) {
    %c0_i32 = arith.constant 0 : i32
    %c0_i32_0 = arith.constant 0 : i32
    return %arg0, %c0_i32 : i32, i32
  }
}

module attributes {stable_mosaic.version = 14 : i64} {
  func.func @body(%arg0: i32, %arg1: memref<1000x128xf32, #tpu.memory_space<vmem>>, %arg2: memref<1000x32xf32, #tpu.memory_space<vmem>>, %arg3: memref<1000x128xf32, #tpu.memory_space<vmem>>, %arg4: memref<1000x1xf32, #tpu.memory_space<vmem>>) attributes {dimension_semantics = [#tpu.dimension_semantics<arbitrary>], iteration_bounds = array<i64: 10>, scalar_prefetch = 0 : i64, scratch_operands = 0 : i64, tpu.core_type = #tpu.core_type<tc>, window_params = [{transform_indices = @transform_0, window_bounds = array<i64: 1000, 128>}, {transform_indices = @transform_1, window_bounds = array<i64: 1000, 32>}, {transform_indices = @transform_2, window_bounds = array<i64: 1000, 128>}, {transform_indices = @transform_3, window_bounds = array<i64: 1000, 1>}]} {
    %get3A = arith.constant 0 : index
    %get3A_0 = arith.constant 0 : index
    %get3A_1 = vector.load %arg2[%get3A, %get3A_0] : memref<1000x32xf32, #tpu.memory_space<vmem>>, vector<1000x1xf32>
    %add3A = arith.constant 1.000000e+00 : f32
    %add3A_2 = vector.broadcast %add3A : f32 to vector<1000x1xf32>
    %add3A_3 = arith.addf %get3A_1, %add3A_2 : vector<1000x1xf32>
    %rsqrt3A = math.rsqrt %add3A_3 : vector<1000x1xf32>
    %swap3A = arith.constant 0 : index
    %swap3A_4 = arith.constant 0 : index
    %swap3A_5 = vector.load %arg4[%swap3A, %swap3A_4] : memref<1000x1xf32, #tpu.memory_space<vmem>>, vector<1000x1xf32>
    tpu.vector_store %arg4[%swap3A, %swap3A_4], %rsqrt3A {strides = array<i32>} : memref<1000x1xf32, #tpu.memory_space<vmem>>, vector<1000x1xf32>,
    %get3A_6 = arith.constant 0 : index
    %get3A_7 = arith.constant 0 : index
    %get3A_8 = vector.load %arg1[%get3A_6, %get3A_7] : memref<1000x128xf32, #tpu.memory_space<vmem>>, vector<1000x128xf32>
    %mul3A = vector.broadcast %rsqrt3A : vector<1000x1xf32> to vector<1000x128xf32>
    %mul3A_9 = arith.mulf %mul3A, %get3A_8 : vector<1000x128xf32>
    %swap3A_10 = arith.constant 0 : index
    %swap3A_11 = arith.constant 0 : index
    %swap3A_12 = vector.load %arg3[%swap3A_10, %swap3A_11] : memref<1000x128xf32, #tpu.memory_space<vmem>>, vector<1000x128xf32>
    tpu.vector_store %arg3[%swap3A_10, %swap3A_11], %mul3A_9 {strides = array<i32>} : memref<1000x128xf32, #tpu.memory_space<vmem>>, vector<1000x128xf32>,
    return
  }
  func.func @transform_0(%arg0: i32) -> (i32, i32) {
    %c0_i32 = arith.constant 0 : i32
    %c0_i32_0 = arith.constant 0 : i32
    return %arg0, %c0_i32 : i32, i32
  }
  func.func @transform_1(%arg0: i32) -> (i32, i32) {
    %c0_i32 = arith.constant 0 : i32
    %c0_i32_0 = arith.constant 0 : i32
    return %arg0, %c0_i32 : i32, i32
  }
  func.func @transform_2(%arg0: i32) -> (i32, i32) {
    %c0_i32 = arith.constant 0 : i32
    %c0_i32_0 = arith.constant 0 : i32
    return %arg0, %c0_i32 : i32, i32
  }
  func.func @transform_3(%arg0: i32) -> (i32, i32) {
    %c0_i32 = arith.constant 0 : i32
    %c0_i32_0 = arith.constant 0 : i32
    return %arg0, %c0_i32 : i32, i32
  }
}

module attributes {stable_mosaic.version = 14 : i64} {
  func.func @body(%arg0: i32, %arg1: memref<1000x128xf32, #tpu.memory_space<vmem>>, %arg2: memref<1000x128xf32, #tpu.memory_space<vmem>>, %arg3: memref<1000x1xf32, #tpu.memory_space<vmem>>, %arg4: memref<1x128xf32, #tpu.memory_space<vmem>>, %arg5: memref<1000x1xi32, #tpu.memory_space<vmem>>, %arg6: memref<1000x128xf32, #tpu.memory_space<vmem>>, %arg7: memref<64x128xf32, #tpu.memory_space<vmem>>, %arg8: memref<64x128xf32, #tpu.memory_space<vmem>>, %arg9: memref<64x1xf32, #tpu.memory_space<vmem>>) attributes {dimension_semantics = [#tpu.dimension_semantics<arbitrary>], iteration_bounds = array<i64: 10>, scalar_prefetch = 0 : i64, scratch_operands = 0 : i64, tpu.core_type = #tpu.core_type<tc>, window_params = [{transform_indices = @transform_0, window_bounds = array<i64: 1000, 128>}, {transform_indices = @transform_1, window_bounds = array<i64: 1000, 128>}, {transform_indices = @transform_2, window_bounds = array<i64: 1000, 1>}, {pipeline_mode = #tpu.pipeline_mode<synchronous>, transform_indices = @transform_3, window_bounds = array<i64: 1, 128>}, {transform_indices = @transform_4, window_bounds = array<i64: 1000, 1>}, {transform_indices = @transform_5, window_bounds = array<i64: 1000, 128>}, {pipeline_mode = #tpu.pipeline_mode<synchronous>, transform_indices = @transform_6, window_bounds = array<i64: 64, 128>}, {pipeline_mode = #tpu.pipeline_mode<synchronous>, transform_indices = @transform_7, window_bounds = array<i64: 64, 128>}, {pipeline_mode = #tpu.pipeline_mode<synchronous>, transform_indices = @transform_8, window_bounds = array<i64: 64, 1>}]} {
    %get3A = arith.constant 0 : index
    %get3A_0 = arith.constant 0 : index
    %get3A_1 = vector.load %arg3[%get3A, %get3A_0] : memref<1000x1xf32, #tpu.memory_space<vmem>>, vector<1000x1xf32>
    %get3A_2 = arith.constant 0 : index
    %get3A_3 = arith.constant 0 : index
    %get3A_4 = vector.load %arg1[%get3A_2, %get3A_3] : memref<1000x128xf32, #tpu.memory_space<vmem>>, vector<1000x128xf32>
    %get3A_5 = arith.constant 0 : index
    %get3A_6 = arith.constant 0 : index
    %get3A_7 = vector.load %arg2[%get3A_5, %get3A_6] : memref<1000x128xf32, #tpu.memory_space<vmem>>, vector<1000x128xf32>
    %add3A = arith.addf %get3A_4, %get3A_7 : vector<1000x128xf32>
    %mul3A = vector.broadcast %get3A_1 : vector<1000x1xf32> to vector<1000x128xf32>
    %mul3A_8 = arith.mulf %mul3A, %add3A : vector<1000x128xf32>
    %get3A_9 = arith.constant 0 : index
    %get3A_10 = arith.constant 0 : index
    %get3A_11 = vector.load %arg4[%get3A_9, %get3A_10] : memref<1x128xf32, #tpu.memory_space<vmem>>, vector<1x128xf32>
    %add3A_12 = vector.broadcast %get3A_11 : vector<1x128xf32> to vector<1000x128xf32>
    %add3A_13 = arith.addf %mul3A_8, %add3A_12 : vector<1000x128xf32>
    %max3A = arith.constant 0.000000e+00 : f32
    %max3A_14 = vector.broadcast %max3A : f32 to vector<1000x128xf32>
    %max3A_15 = arith.maximumf %add3A_13, %max3A_14 : vector<1000x128xf32>
    %swap3A = arith.constant 0 : index
    %swap3A_16 = arith.constant 0 : index
    %swap3A_17 = vector.load %arg6[%swap3A, %swap3A_16] : memref<1000x128xf32, #tpu.memory_space<vmem>>, vector<1000x128xf32>
    tpu.vector_store %arg6[%swap3A, %swap3A_16], %max3A_15 {strides = array<i32>} : memref<1000x128xf32, #tpu.memory_space<vmem>>, vector<1000x128xf32>,
    %get3A_18 = arith.constant 0 : index
    %get3A_19 = arith.constant 0 : index
    %get3A_20 = vector.load %arg5[%get3A_18, %get3A_19] : memref<1000x1xi32, #tpu.memory_space<vmem>>, vector<1000x1xi32>
    %iota3A = tpu.iota {dimensions = array<i32: 1>} : vector<1000x64xi32>
    %eq3A = vector.broadcast %get3A_20 : vector<1000x1xi32> to vector<1000x64xi32>
    %eq3A_21 = arith.cmpi eq, %eq3A, %iota3A : vector<1000x64xi32>
    %convert_element_type3A = arith.extui %eq3A_21 : vector<1000x64xi1> to vector<1000x64xi32>
    %convert_element_type3A_22 = arith.sitofp %convert_element_type3A : vector<1000x64xi32> to vector<1000x64xf32>
    %dot_general3A = arith.constant dense<0.000000e+00> : vector<64x128xf32>
    %dot_general3A_23 = tpu.matmul %convert_element_type3A_22, %max3A_15, %dot_general3A {dimension_numbers = #tpu.dot_dimension_numbers<[0], [0], [1], [1], [0, 1, 1, 1], [], []>, precision = #tpu.contract_precision<fp32>, transpose_lhs_hint = false} : vector<1000x64xf32>, vector<1000x128xf32>, vector<64x128xf32> -> vector<64x128xf32>
    %mul3A_24 = arith.mulf %max3A_15, %max3A_15 : vector<1000x128xf32>
    %dot_general3A_25 = arith.constant dense<0.000000e+00> : vector<64x128xf32>
    %dot_general3A_26 = tpu.matmul %convert_element_type3A_22, %mul3A_24, %dot_general3A_25 {dimension_numbers = #tpu.dot_dimension_numbers<[0], [0], [1], [1], [0, 1, 1, 1], [], []>, precision = #tpu.contract_precision<fp32>, transpose_lhs_hint = false} : vector<1000x64xf32>, vector<1000x128xf32>, vector<64x128xf32> -> vector<64x128xf32>
    %broadcast_in_dim3A = arith.constant 1.000000e+00 : f32
    %broadcast_in_dim3A_27 = vector.broadcast %broadcast_in_dim3A : f32 to vector<1000x1xf32>
    %dot_general3A_28 = arith.constant dense<0.000000e+00> : vector<64x1xf32>
    %dot_general3A_29 = tpu.matmul %convert_element_type3A_22, %broadcast_in_dim3A_27, %dot_general3A_28 {dimension_numbers = #tpu.dot_dimension_numbers<[0], [0], [1], [1], [0, 1, 1, 1], [], []>, precision = #tpu.contract_precision<fp32>, transpose_lhs_hint = false} : vector<1000x64xf32>, vector<1000x1xf32>, vector<64x1xf32> -> vector<64x1xf32>
    %eq3A_30 = arith.constant 0 : i32
    %eq3A_31 = arith.cmpi eq, %arg0, %eq3A_30 : i32
    %convert_element_type3A_32 = arith.extui %eq3A_31 : i1 to i32
    %cond3A = arith.constant 0 : i32
    %cond3A_33 = arith.cmpi ne, %convert_element_type3A_32, %cond3A : i32
    scf.if %cond3A_33 {
      %swap3A_38 = arith.constant 0 : index
      %swap3A_39 = arith.constant 0 : index
      %swap3A_40 = vector.load %arg7[%swap3A_38, %swap3A_39] : memref<64x128xf32, #tpu.memory_space<vmem>>, vector<64x128xf32>
      tpu.vector_store %arg7[%swap3A_38, %swap3A_39], %dot_general3A_23 {strides = array<i32>} : memref<64x128xf32, #tpu.memory_space<vmem>>, vector<64x128xf32>,
      %swap3A_41 = arith.constant 0 : index
      %swap3A_42 = arith.constant 0 : index
      %swap3A_43 = vector.load %arg8[%swap3A_41, %swap3A_42] : memref<64x128xf32, #tpu.memory_space<vmem>>, vector<64x128xf32>
      tpu.vector_store %arg8[%swap3A_41, %swap3A_42], %dot_general3A_26 {strides = array<i32>} : memref<64x128xf32, #tpu.memory_space<vmem>>, vector<64x128xf32>,
      %swap3A_44 = arith.constant 0 : index
      %swap3A_45 = arith.constant 0 : index
      %swap3A_46 = vector.load %arg9[%swap3A_44, %swap3A_45] : memref<64x1xf32, #tpu.memory_space<vmem>>, vector<64x1xf32>
      tpu.vector_store %arg9[%swap3A_44, %swap3A_45], %dot_general3A_29 {strides = array<i32>} : memref<64x1xf32, #tpu.memory_space<vmem>>, vector<64x1xf32>,
    } else {
    }
    %gt3A = arith.constant 0 : i32
    %gt3A_34 = arith.cmpi sgt, %arg0, %gt3A : i32
    %convert_element_type3A_35 = arith.extui %gt3A_34 : i1 to i32
    %cond3A_36 = arith.constant 0 : i32
    %cond3A_37 = arith.cmpi ne, %convert_element_type3A_35, %cond3A_36 : i32
    scf.if %cond3A_37 {
      %get3A_38 = arith.constant 0 : index
      %get3A_39 = arith.constant 0 : index
      %get3A_40 = vector.load %arg7[%get3A_38, %get3A_39] : memref<64x128xf32, #tpu.memory_space<vmem>>, vector<64x128xf32>
      %add3A_41 = arith.addf %get3A_40, %dot_general3A_23 : vector<64x128xf32>
      %swap3A_42 = arith.constant 0 : index
      %swap3A_43 = arith.constant 0 : index
      %swap3A_44 = vector.load %arg7[%swap3A_42, %swap3A_43] : memref<64x128xf32, #tpu.memory_space<vmem>>, vector<64x128xf32>
      tpu.vector_store %arg7[%swap3A_42, %swap3A_43], %add3A_41 {strides = array<i32>} : memref<64x128xf32, #tpu.memory_space<vmem>>, vector<64x128xf32>,
      %get3A_45 = arith.constant 0 : index
      %get3A_46 = arith.constant 0 : index
      %get3A_47 = vector.load %arg8[%get3A_45, %get3A_46] : memref<64x128xf32, #tpu.memory_space<vmem>>, vector<64x128xf32>
      %add3A_48 = arith.addf %get3A_47, %dot_general3A_26 : vector<64x128xf32>
      %swap3A_49 = arith.constant 0 : index
      %swap3A_50 = arith.constant 0 : index
      %swap3A_51 = vector.load %arg8[%swap3A_49, %swap3A_50] : memref<64x128xf32, #tpu.memory_space<vmem>>, vector<64x128xf32>
      tpu.vector_store %arg8[%swap3A_49, %swap3A_50], %add3A_48 {strides = array<i32>} : memref<64x128xf32, #tpu.memory_space<vmem>>, vector<64x128xf32>,
      %get3A_52 = arith.constant 0 : index
      %get3A_53 = arith.constant 0 : index
      %get3A_54 = vector.load %arg9[%get3A_52, %get3A_53] : memref<64x1xf32, #tpu.memory_space<vmem>>, vector<64x1xf32>
      %add3A_55 = arith.addf %get3A_54, %dot_general3A_29 : vector<64x1xf32>
      %swap3A_56 = arith.constant 0 : index
      %swap3A_57 = arith.constant 0 : index
      %swap3A_58 = vector.load %arg9[%swap3A_56, %swap3A_57] : memref<64x1xf32, #tpu.memory_space<vmem>>, vector<64x1xf32>
      tpu.vector_store %arg9[%swap3A_56, %swap3A_57], %add3A_55 {strides = array<i32>} : memref<64x1xf32, #tpu.memory_space<vmem>>, vector<64x1xf32>,
    } else {
    }
    return
  }
  func.func @transform_0(%arg0: i32) -> (i32, i32) {
    %c0_i32 = arith.constant 0 : i32
    %c0_i32_0 = arith.constant 0 : i32
    return %arg0, %c0_i32 : i32, i32
  }
  func.func @transform_1(%arg0: i32) -> (i32, i32) {
    %c0_i32 = arith.constant 0 : i32
    %c0_i32_0 = arith.constant 0 : i32
    return %arg0, %c0_i32 : i32, i32
  }
  func.func @transform_2(%arg0: i32) -> (i32, i32) {
    %c0_i32 = arith.constant 0 : i32
    %c0_i32_0 = arith.constant 0 : i32
    return %arg0, %c0_i32 : i32, i32
  }
  func.func @transform_3(%arg0: i32) -> (i32, i32) {
    %c0_i32 = arith.constant 0 : i32
    %c0_i32_0 = arith.constant 0 : i32
    %c0_i32_1 = arith.constant 0 : i32
    return %c0_i32, %c0_i32_0 : i32, i32
  }
  func.func @transform_4(%arg0: i32) -> (i32, i32) {
    %c0_i32 = arith.constant 0 : i32
    %c0_i32_0 = arith.constant 0 : i32
    return %arg0, %c0_i32 : i32, i32
  }
  func.func @transform_5(%arg0: i32) -> (i32, i32) {
    %c0_i32 = arith.constant 0 : i32
    %c0_i32_0 = arith.constant 0 : i32
    return %arg0, %c0_i32 : i32, i32
  }
  func.func @transform_6(%arg0: i32) -> (i32, i32) {
    %c0_i32 = arith.constant 0 : i32
    %c0_i32_0 = arith.constant 0 : i32
    %c0_i32_1 = arith.constant 0 : i32
    return %c0_i32, %c0_i32_0 : i32, i32
  }
  func.func @transform_7(%arg0: i32) -> (i32, i32) {
    %c0_i32 = arith.constant 0 : i32
    %c0_i32_0 = arith.constant 0 : i32
    %c0_i32_1 = arith.constant 0 : i32
    return %c0_i32, %c0_i32_0 : i32, i32
  }
  func.func @transform_8(%arg0: i32) -> (i32, i32) {
    %c0_i32 = arith.constant 0 : i32
    %c0_i32_0 = arith.constant 0 : i32
    %c0_i32_1 = arith.constant 0 : i32
    return %c0_i32, %c0_i32_0 : i32, i32
  }
}

module attributes {stable_mosaic.version = 14 : i64} {
  func.func @body(%arg0: i32, %arg1: memref<1000x128xf32, #tpu.memory_space<vmem>>, %arg2: memref<1000x1xi32, #tpu.memory_space<vmem>>, %arg3: memref<64x128xf32, #tpu.memory_space<vmem>>, %arg4: memref<64x128xf32, #tpu.memory_space<vmem>>, %arg5: memref<64x1xf32, #tpu.memory_space<vmem>>, %arg6: memref<1x128xf32, #tpu.memory_space<vmem>>, %arg7: memref<1x128xf32, #tpu.memory_space<vmem>>, %arg8: memref<1x128xf32, #tpu.memory_space<vmem>>, %arg9: memref<1000x1xf32, #tpu.memory_space<vmem>>, %arg10: memref<128x128xf32, #tpu.memory_space<vmem>>, %arg11: memref<1000x128xf32, #tpu.memory_space<vmem>>) attributes {dimension_semantics = [#tpu.dimension_semantics<arbitrary>], iteration_bounds = array<i64: 10>, scalar_prefetch = 0 : i64, scratch_operands = 0 : i64, tpu.core_type = #tpu.core_type<tc>, window_params = [{transform_indices = @transform_0, window_bounds = array<i64: 1000, 128>}, {transform_indices = @transform_1, window_bounds = array<i64: 1000, 1>}, {pipeline_mode = #tpu.pipeline_mode<synchronous>, transform_indices = @transform_2, window_bounds = array<i64: 64, 128>}, {pipeline_mode = #tpu.pipeline_mode<synchronous>, transform_indices = @transform_3, window_bounds = array<i64: 64, 128>}, {pipeline_mode = #tpu.pipeline_mode<synchronous>, transform_indices = @transform_4, window_bounds = array<i64: 64, 1>}, {pipeline_mode = #tpu.pipeline_mode<synchronous>, transform_indices = @transform_5, window_bounds = array<i64: 1, 128>}, {pipeline_mode = #tpu.pipeline_mode<synchronous>, transform_indices = @transform_6, window_bounds = array<i64: 1, 128>}, {pipeline_mode = #tpu.pipeline_mode<synchronous>, transform_indices = @transform_7, window_bounds = array<i64: 1, 128>}, {transform_indices = @transform_8, window_bounds = array<i64: 1000, 1>}, {pipeline_mode = #tpu.pipeline_mode<synchronous>, transform_indices = @transform_9, window_bounds = array<i64: 128, 128>}, {transform_indices = @transform_10, window_bounds = array<i64: 1000, 128>}]} {
    %get3A = arith.constant 0 : index
    %get3A_0 = arith.constant 0 : index
    %get3A_1 = vector.load %arg5[%get3A, %get3A_0] : memref<64x1xf32, #tpu.memory_space<vmem>>, vector<64x1xf32>
    %max3A = arith.constant 1.000000e+00 : f32
    %max3A_2 = vector.broadcast %max3A : f32 to vector<64x1xf32>
    %max3A_3 = arith.maximumf %get3A_1, %max3A_2 : vector<64x1xf32>
    %get3A_4 = arith.constant 0 : index
    %get3A_5 = arith.constant 0 : index
    %get3A_6 = vector.load %arg3[%get3A_4, %get3A_5] : memref<64x128xf32, #tpu.memory_space<vmem>>, vector<64x128xf32>
    %div3A = vector.broadcast %max3A_3 : vector<64x1xf32> to vector<64x128xf32>
    %div3A_7 = arith.divf %get3A_6, %div3A : vector<64x128xf32>
    %get3A_8 = arith.constant 0 : index
    %get3A_9 = arith.constant 0 : index
    %get3A_10 = vector.load %arg6[%get3A_8, %get3A_9] : memref<1x128xf32, #tpu.memory_space<vmem>>, vector<1x128xf32>
    %get3A_11 = arith.constant 0 : index
    %get3A_12 = arith.constant 0 : index
    %get3A_13 = vector.load %arg4[%get3A_11, %get3A_12] : memref<64x128xf32, #tpu.memory_space<vmem>>, vector<64x128xf32>
    %div3A_14 = vector.broadcast %max3A_3 : vector<64x1xf32> to vector<64x128xf32>
    %div3A_15 = arith.divf %get3A_13, %div3A_14 : vector<64x128xf32>
    %mul3A = arith.constant 2.000000e+00 : f32
    %mul3A_16 = vector.broadcast %mul3A : f32 to vector<1x128xf32>
    %mul3A_17 = arith.mulf %mul3A_16, %get3A_10 : vector<1x128xf32>
    %mul3A_18 = arith.mulf %get3A_10, %get3A_10 : vector<1x128xf32>
    %sub3A = arith.subf %mul3A_17, %mul3A_18 : vector<1x128xf32>
    %mul3A_19 = vector.broadcast %sub3A : vector<1x128xf32> to vector<64x128xf32>
    %mul3A_20 = arith.mulf %mul3A_19, %div3A_7 : vector<64x128xf32>
    %mul3A_21 = arith.mulf %mul3A_20, %div3A_7 : vector<64x128xf32>
    %sub3A_22 = arith.subf %div3A_15, %mul3A_21 : vector<64x128xf32>
    %add3A = arith.constant 9.99999974E-6 : f32
    %add3A_23 = vector.broadcast %add3A : f32 to vector<64x128xf32>
    %add3A_24 = arith.addf %sub3A_22, %add3A_23 : vector<64x128xf32>
    %rsqrt3A = math.rsqrt %add3A_24 : vector<64x128xf32>
    %get3A_25 = arith.constant 0 : index
    %get3A_26 = arith.constant 0 : index
    %get3A_27 = vector.load %arg2[%get3A_25, %get3A_26] : memref<1000x1xi32, #tpu.memory_space<vmem>>, vector<1000x1xi32>
    %iota3A = tpu.iota {dimensions = array<i32: 1>} : vector<1000x64xi32>
    %eq3A = vector.broadcast %get3A_27 : vector<1000x1xi32> to vector<1000x64xi32>
    %eq3A_28 = arith.cmpi eq, %eq3A, %iota3A : vector<1000x64xi32>
    %convert_element_type3A = arith.extui %eq3A_28 : vector<1000x64xi1> to vector<1000x64xi32>
    %convert_element_type3A_29 = arith.sitofp %convert_element_type3A : vector<1000x64xi32> to vector<1000x64xf32>
    %mul3A_30 = vector.broadcast %get3A_10 : vector<1x128xf32> to vector<64x128xf32>
    %mul3A_31 = arith.mulf %mul3A_30, %div3A_7 : vector<64x128xf32>
    %dot_general3A = arith.constant dense<0.000000e+00> : vector<1000x128xf32>
    %dot_general3A_32 = tpu.matmul %convert_element_type3A_29, %mul3A_31, %dot_general3A {dimension_numbers = #tpu.dot_dimension_numbers<[1], [0], [0], [1], [0, 0, 1, 1], [], []>, precision = #tpu.contract_precision<fp32>, transpose_lhs_hint = false} : vector<1000x64xf32>, vector<64x128xf32>, vector<1000x128xf32> -> vector<1000x128xf32>
    %dot_general3A_33 = arith.constant dense<0.000000e+00> : vector<1000x128xf32>
    %dot_general3A_34 = tpu.matmul %convert_element_type3A_29, %rsqrt3A, %dot_general3A_33 {dimension_numbers = #tpu.dot_dimension_numbers<[1], [0], [0], [1], [0, 0, 1, 1], [], []>, precision = #tpu.contract_precision<fp32>, transpose_lhs_hint = false} : vector<1000x64xf32>, vector<64x128xf32>, vector<1000x128xf32> -> vector<1000x128xf32>
    %get3A_35 = arith.constant 0 : index
    %get3A_36 = arith.constant 0 : index
    %get3A_37 = vector.load %arg1[%get3A_35, %get3A_36] : memref<1000x128xf32, #tpu.memory_space<vmem>>, vector<1000x128xf32>
    %sub3A_38 = arith.subf %get3A_37, %dot_general3A_32 : vector<1000x128xf32>
    %mul3A_39 = arith.mulf %sub3A_38, %dot_general3A_34 : vector<1000x128xf32>
    %get3A_40 = arith.constant 0 : index
    %get3A_41 = arith.constant 0 : index
    %get3A_42 = vector.load %arg7[%get3A_40, %get3A_41] : memref<1x128xf32, #tpu.memory_space<vmem>>, vector<1x128xf32>
    %mul3A_43 = vector.broadcast %get3A_42 : vector<1x128xf32> to vector<1000x128xf32>
    %mul3A_44 = arith.mulf %mul3A_39, %mul3A_43 : vector<1000x128xf32>
    %get3A_45 = arith.constant 0 : index
    %get3A_46 = arith.constant 0 : index
    %get3A_47 = vector.load %arg8[%get3A_45, %get3A_46] : memref<1x128xf32, #tpu.memory_space<vmem>>, vector<1x128xf32>
    %add3A_48 = vector.broadcast %get3A_47 : vector<1x128xf32> to vector<1000x128xf32>
    %add3A_49 = arith.addf %mul3A_44, %add3A_48 : vector<1000x128xf32>
    %get3A_50 = arith.constant 0 : index
    %get3A_51 = arith.constant 0 : index
    %get3A_52 = vector.load %arg9[%get3A_50, %get3A_51] : memref<1000x1xf32, #tpu.memory_space<vmem>>, vector<1000x1xf32>
    %get3A_53 = arith.constant 0 : index
    %get3A_54 = arith.constant 0 : index
    %get3A_55 = vector.load %arg10[%get3A_53, %get3A_54] : memref<128x128xf32, #tpu.memory_space<vmem>>, vector<128x128xf32>
    %dot_general3A_56 = arith.constant dense<0.000000e+00> : vector<1000x128xf32>
    %dot_general3A_57 = tpu.matmul %add3A_49, %get3A_55, %dot_general3A_56 {dimension_numbers = #tpu.dot_dimension_numbers<[1], [0], [0], [1], [0, 0, 1, 1], [], []>, precision = #tpu.contract_precision<fp32>, transpose_lhs_hint = false} : vector<1000x128xf32>, vector<128x128xf32>, vector<1000x128xf32> -> vector<1000x128xf32>
    %mul3A_58 = vector.broadcast %get3A_52 : vector<1000x1xf32> to vector<1000x128xf32>
    %mul3A_59 = arith.mulf %mul3A_58, %dot_general3A_57 : vector<1000x128xf32>
    %swap3A = arith.constant 0 : index
    %swap3A_60 = arith.constant 0 : index
    %swap3A_61 = vector.load %arg11[%swap3A, %swap3A_60] : memref<1000x128xf32, #tpu.memory_space<vmem>>, vector<1000x128xf32>
    tpu.vector_store %arg11[%swap3A, %swap3A_60], %mul3A_59 {strides = array<i32>} : memref<1000x128xf32, #tpu.memory_space<vmem>>, vector<1000x128xf32>,
    return
  }
  func.func @transform_0(%arg0: i32) -> (i32, i32) {
    %c0_i32 = arith.constant 0 : i32
    %c0_i32_0 = arith.constant 0 : i32
    return %arg0, %c0_i32 : i32, i32
  }
  func.func @transform_1(%arg0: i32) -> (i32, i32) {
    %c0_i32 = arith.constant 0 : i32
    %c0_i32_0 = arith.constant 0 : i32
    return %arg0, %c0_i32 : i32, i32
  }
  func.func @transform_2(%arg0: i32) -> (i32, i32) {
    %c0_i32 = arith.constant 0 : i32
    %c0_i32_0 = arith.constant 0 : i32
    %c0_i32_1 = arith.constant 0 : i32
    return %c0_i32, %c0_i32_0 : i32, i32
  }
  func.func @transform_3(%arg0: i32) -> (i32, i32) {
    %c0_i32 = arith.constant 0 : i32
    %c0_i32_0 = arith.constant 0 : i32
    %c0_i32_1 = arith.constant 0 : i32
    return %c0_i32, %c0_i32_0 : i32, i32
  }
  func.func @transform_4(%arg0: i32) -> (i32, i32) {
    %c0_i32 = arith.constant 0 : i32
    %c0_i32_0 = arith.constant 0 : i32
    %c0_i32_1 = arith.constant 0 : i32
    return %c0_i32, %c0_i32_0 : i32, i32
  }
  func.func @transform_5(%arg0: i32) -> (i32, i32) {
    %c0_i32 = arith.constant 0 : i32
    %c0_i32_0 = arith.constant 0 : i32
    %c0_i32_1 = arith.constant 0 : i32
    return %c0_i32, %c0_i32_0 : i32, i32
  }
  func.func @transform_6(%arg0: i32) -> (i32, i32) {
    %c0_i32 = arith.constant 0 : i32
    %c0_i32_0 = arith.constant 0 : i32
    %c0_i32_1 = arith.constant 0 : i32
    return %c0_i32, %c0_i32_0 : i32, i32
  }
  func.func @transform_7(%arg0: i32) -> (i32, i32) {
    %c0_i32 = arith.constant 0 : i32
    %c0_i32_0 = arith.constant 0 : i32
    %c0_i32_1 = arith.constant 0 : i32
    return %c0_i32, %c0_i32_0 : i32, i32
  }
  func.func @transform_8(%arg0: i32) -> (i32, i32) {
    %c0_i32 = arith.constant 0 : i32
    %c0_i32_0 = arith.constant 0 : i32
    return %arg0, %c0_i32 : i32, i32
  }
  func.func @transform_9(%arg0: i32) -> (i32, i32) {
    %c0_i32 = arith.constant 0 : i32
    %c0_i32_0 = arith.constant 0 : i32
    %c0_i32_1 = arith.constant 0 : i32
    return %c0_i32, %c0_i32_0 : i32, i32
  }
  func.func @transform_10(%arg0: i32) -> (i32, i32) {
    %c0_i32 = arith.constant 0 : i32
    %c0_i32_0 = arith.constant 0 : i32
    return %arg0, %c0_i32 : i32, i32
  }
}

module attributes {stable_mosaic.version = 14 : i64} {
  func.func @body(%arg0: memref<10000x128xf32, #tpu.memory_space<vmem>>, %arg1: memref<10000x128xf32, #tpu.memory_space<vmem>>, %arg2: memref<10000x1xf32, #tpu.memory_space<vmem>>, %arg3: memref<1x128xf32, #tpu.memory_space<vmem>>, %arg4: memref<10000xi32, #tpu.memory_space<smem>>, %arg5: memref<128x16xf32, #tpu.memory_space<vmem>>, %arg6: memref<1x16xf32, #tpu.memory_space<vmem>>, %arg7: memref<64x16xf32, #tpu.memory_space<vmem>>, %arg8: memref<10000x128xf32, #tpu.memory_space<vmem>>, %arg9: memref<1250x128xf32, #tpu.memory_space<vmem>>, %arg10: memref<64x128xf32, #tpu.memory_space<vmem>>) attributes {dimension_semantics = [], scalar_prefetch = 0 : i64, scratch_operands = 3 : i64, tpu.core_type = #tpu.core_type<tc>} {
    %get3A = arith.constant 0 : index
    %get3A_0 = arith.constant 0 : index
    %get3A_1 = vector.load %arg2[%get3A, %get3A_0] : memref<10000x1xf32, #tpu.memory_space<vmem>>, vector<10000x1xf32>
    %get3A_2 = arith.constant 0 : index
    %get3A_3 = arith.constant 0 : index
    %get3A_4 = vector.load %arg0[%get3A_2, %get3A_3] : memref<10000x128xf32, #tpu.memory_space<vmem>>, vector<10000x128xf32>
    %get3A_5 = arith.constant 0 : index
    %get3A_6 = arith.constant 0 : index
    %get3A_7 = vector.load %arg1[%get3A_5, %get3A_6] : memref<10000x128xf32, #tpu.memory_space<vmem>>, vector<10000x128xf32>
    %add3A = arith.addf %get3A_4, %get3A_7 : vector<10000x128xf32>
    %mul3A = vector.broadcast %get3A_1 : vector<10000x1xf32> to vector<10000x128xf32>
    %mul3A_8 = arith.mulf %mul3A, %add3A : vector<10000x128xf32>
    %get3A_9 = arith.constant 0 : index
    %get3A_10 = arith.constant 0 : index
    %get3A_11 = vector.load %arg3[%get3A_9, %get3A_10] : memref<1x128xf32, #tpu.memory_space<vmem>>, vector<1x128xf32>
    %add3A_12 = vector.broadcast %get3A_11 : vector<1x128xf32> to vector<10000x128xf32>
    %add3A_13 = arith.addf %mul3A_8, %add3A_12 : vector<10000x128xf32>
    %swap3A = arith.constant 0 : index
    %swap3A_14 = arith.constant 0 : index
    %swap3A_15 = vector.load %arg8[%swap3A, %swap3A_14] : memref<10000x128xf32, #tpu.memory_space<vmem>>, vector<10000x128xf32>
    tpu.vector_store %arg8[%swap3A, %swap3A_14], %add3A_13 {strides = array<i32>} : memref<10000x128xf32, #tpu.memory_space<vmem>>, vector<10000x128xf32>,
    %reshape3A = vector.shape_cast %add3A_13 : vector<10000x128xf32> to vector<1250x8x128xf32>
    %reduce_max3A = arith.constant dense<0xFF800000> : vector<1250x128xf32>
    %reduce_max3A_16 = vector.multi_reduction <maximumf>, %reshape3A, %reduce_max3A [1] : vector<1250x8x128xf32> to vector<1250x128xf32>
    %swap3A_17 = arith.constant 0 : index
    %swap3A_18 = arith.constant 0 : index
    %swap3A_19 = vector.load %arg9[%swap3A_17, %swap3A_18] : memref<1250x128xf32, #tpu.memory_space<vmem>>, vector<1250x128xf32>
    tpu.vector_store %arg9[%swap3A_17, %swap3A_18], %reduce_max3A_16 {strides = array<i32>} : memref<1250x128xf32, #tpu.memory_space<vmem>>, vector<1250x128xf32>,
    %broadcast_in_dim3A = arith.constant -1.000000e+30 : f32
    %broadcast_in_dim3A_20 = vector.broadcast %broadcast_in_dim3A : f32 to vector<64x128xf32>
    %swap3A_21 = arith.constant 0 : index
    %swap3A_22 = arith.constant 0 : index
    %swap3A_23 = vector.load %arg10[%swap3A_21, %swap3A_22] : memref<64x128xf32, #tpu.memory_space<vmem>>, vector<64x128xf32>
    tpu.vector_store %arg10[%swap3A_21, %swap3A_22], %broadcast_in_dim3A_20 {strides = array<i32>} : memref<64x128xf32, #tpu.memory_space<vmem>>, vector<64x128xf32>,
    %scan3A = arith.constant 0 : i32
    %scan3A_24 = arith.constant 1250 : i32
    %scan3A_25 = arith.addi %scan3A, %scan3A_24 : i32
    %scan3A_26 = arith.constant 1 : i32
    scf.for %scan3A_43 = %scan3A to %scan3A_25 step %scan3A_26  : i32 {
      %mul3A_44 = arith.constant 8 : i32
      %mul3A_45 = arith.muli %mul3A_44, %scan3A_43 : i32
      %get3A_46 = arith.index_cast %mul3A_45 : i32 to index
      %get3A_47 = memref.load %arg4[%get3A_46] : memref<10000xi32, #tpu.memory_space<smem>>
      %mul3A_48 = arith.constant 8 : i32
      %mul3A_49 = arith.muli %mul3A_48, %scan3A_43 : i32
      %add3A_50 = arith.constant 7 : i32
      %add3A_51 = arith.addi %mul3A_49, %add3A_50 : i32
      %get3A_52 = arith.index_cast %add3A_51 : i32 to index
      %get3A_53 = memref.load %arg4[%get3A_52] : memref<10000xi32, #tpu.memory_space<smem>>
      %eq3A = arith.cmpi eq, %get3A_47, %get3A_53 : i32
      %convert_element_type3A = arith.extui %eq3A : i1 to i32
      %cond3A = arith.constant 0 : i32
      %cond3A_54 = arith.cmpi ne, %convert_element_type3A, %cond3A : i32
      scf.if %cond3A_54 {
        %get3A_58 = arith.index_cast %scan3A_43 : i32 to index
        %get3A_59 = arith.constant 0 : index
        %get3A_60 = vector.load %arg9[%get3A_58, %get3A_59] : memref<1250x128xf32, #tpu.memory_space<vmem>>, vector<1x128xf32>
        %get3A_61 = arith.index_cast %get3A_47 : i32 to index
        %get3A_62 = arith.constant 0 : index
        %get3A_63 = vector.load %arg10[%get3A_61, %get3A_62] : memref<64x128xf32, #tpu.memory_space<vmem>>, vector<1x128xf32>
        %max3A = arith.maximumf %get3A_63, %get3A_60 : vector<1x128xf32>
        %swap3A_64 = arith.index_cast %get3A_47 : i32 to index
        %swap3A_65 = arith.constant 0 : index
        %swap3A_66 = vector.load %arg10[%swap3A_64, %swap3A_65] : memref<64x128xf32, #tpu.memory_space<vmem>>, vector<1x128xf32>
        tpu.vector_store %arg10[%swap3A_64, %swap3A_65], %max3A {strides = array<i32>} : memref<64x128xf32, #tpu.memory_space<vmem>>, vector<1x128xf32>,
      } else {
      }
      %ne3A = arith.cmpi ne, %get3A_47, %get3A_53 : i32
      %convert_element_type3A_55 = arith.extui %ne3A : i1 to i32
      %cond3A_56 = arith.constant 0 : i32
      %cond3A_57 = arith.cmpi ne, %convert_element_type3A_55, %cond3A_56 : i32
      scf.if %cond3A_57 {
        %mul3A_58 = arith.constant 8 : i32
        %mul3A_59 = arith.muli %mul3A_58, %scan3A_43 : i32
        %add3A_60 = arith.constant 0 : i32
        %add3A_61 = arith.addi %mul3A_59, %add3A_60 : i32
        %get3A_62 = arith.index_cast %add3A_61 : i32 to index
        %get3A_63 = memref.load %arg4[%get3A_62] : memref<10000xi32, #tpu.memory_space<smem>>
        %mul3A_64 = arith.constant 8 : i32
        %mul3A_65 = arith.muli %mul3A_64, %scan3A_43 : i32
        %add3A_66 = arith.constant 0 : i32
        %add3A_67 = arith.addi %mul3A_65, %add3A_66 : i32
        %get3A_68 = arith.index_cast %add3A_67 : i32 to index
        %get3A_69 = arith.constant 0 : index
        %get3A_70 = vector.load %arg8[%get3A_68, %get3A_69] : memref<10000x128xf32, #tpu.memory_space<vmem>>, vector<1x128xf32>
        %get3A_71 = arith.index_cast %get3A_63 : i32 to index
        %get3A_72 = arith.constant 0 : index
        %get3A_73 = vector.load %arg10[%get3A_71, %get3A_72] : memref<64x128xf32, #tpu.memory_space<vmem>>, vector<1x128xf32>
        %max3A = arith.maximumf %get3A_73, %get3A_70 : vector<1x128xf32>
        %swap3A_74 = arith.index_cast %get3A_63 : i32 to index
        %swap3A_75 = arith.constant 0 : index
        %swap3A_76 = vector.load %arg10[%swap3A_74, %swap3A_75] : memref<64x128xf32, #tpu.memory_space<vmem>>, vector<1x128xf32>
        tpu.vector_store %arg10[%swap3A_74, %swap3A_75], %max3A {strides = array<i32>} : memref<64x128xf32, #tpu.memory_space<vmem>>, vector<1x128xf32>,
        %mul3A_77 = arith.constant 8 : i32
        %mul3A_78 = arith.muli %mul3A_77, %scan3A_43 : i32
        %add3A_79 = arith.constant 1 : i32
        %add3A_80 = arith.addi %mul3A_78, %add3A_79 : i32
        %get3A_81 = arith.index_cast %add3A_80 : i32 to index
        %get3A_82 = memref.load %arg4[%get3A_81] : memref<10000xi32, #tpu.memory_space<smem>>
        %mul3A_83 = arith.constant 8 : i32
        %mul3A_84 = arith.muli %mul3A_83, %scan3A_43 : i32
        %add3A_85 = arith.constant 1 : i32
        %add3A_86 = arith.addi %mul3A_84, %add3A_85 : i32
        %get3A_87 = arith.index_cast %add3A_86 : i32 to index
        %get3A_88 = arith.constant 0 : index
        %get3A_89 = vector.load %arg8[%get3A_87, %get3A_88] : memref<10000x128xf32, #tpu.memory_space<vmem>>, vector<1x128xf32>
        %get3A_90 = arith.index_cast %get3A_82 : i32 to index
        %get3A_91 = arith.constant 0 : index
        %get3A_92 = vector.load %arg10[%get3A_90, %get3A_91] : memref<64x128xf32, #tpu.memory_space<vmem>>, vector<1x128xf32>
        %max3A_93 = arith.maximumf %get3A_92, %get3A_89 : vector<1x128xf32>
        %swap3A_94 = arith.index_cast %get3A_82 : i32 to index
        %swap3A_95 = arith.constant 0 : index
        %swap3A_96 = vector.load %arg10[%swap3A_94, %swap3A_95] : memref<64x128xf32, #tpu.memory_space<vmem>>, vector<1x128xf32>
        tpu.vector_store %arg10[%swap3A_94, %swap3A_95], %max3A_93 {strides = array<i32>} : memref<64x128xf32, #tpu.memory_space<vmem>>, vector<1x128xf32>,
        %mul3A_97 = arith.constant 8 : i32
        %mul3A_98 = arith.muli %mul3A_97, %scan3A_43 : i32
        %add3A_99 = arith.constant 2 : i32
        %add3A_100 = arith.addi %mul3A_98, %add3A_99 : i32
        %get3A_101 = arith.index_cast %add3A_100 : i32 to index
        %get3A_102 = memref.load %arg4[%get3A_101] : memref<10000xi32, #tpu.memory_space<smem>>
        %mul3A_103 = arith.constant 8 : i32
        %mul3A_104 = arith.muli %mul3A_103, %scan3A_43 : i32
        %add3A_105 = arith.constant 2 : i32
        %add3A_106 = arith.addi %mul3A_104, %add3A_105 : i32
        %get3A_107 = arith.index_cast %add3A_106 : i32 to index
        %get3A_108 = arith.constant 0 : index
        %get3A_109 = vector.load %arg8[%get3A_107, %get3A_108] : memref<10000x128xf32, #tpu.memory_space<vmem>>, vector<1x128xf32>
        %get3A_110 = arith.index_cast %get3A_102 : i32 to index
        %get3A_111 = arith.constant 0 : index
        %get3A_112 = vector.load %arg10[%get3A_110, %get3A_111] : memref<64x128xf32, #tpu.memory_space<vmem>>, vector<1x128xf32>
        %max3A_113 = arith.maximumf %get3A_112, %get3A_109 : vector<1x128xf32>
        %swap3A_114 = arith.index_cast %get3A_102 : i32 to index
        %swap3A_115 = arith.constant 0 : index
        %swap3A_116 = vector.load %arg10[%swap3A_114, %swap3A_115] : memref<64x128xf32, #tpu.memory_space<vmem>>, vector<1x128xf32>
        tpu.vector_store %arg10[%swap3A_114, %swap3A_115], %max3A_113 {strides = array<i32>} : memref<64x128xf32, #tpu.memory_space<vmem>>, vector<1x128xf32>,
        %mul3A_117 = arith.constant 8 : i32
        %mul3A_118 = arith.muli %mul3A_117, %scan3A_43 : i32
        %add3A_119 = arith.constant 3 : i32
        %add3A_120 = arith.addi %mul3A_118, %add3A_119 : i32
        %get3A_121 = arith.index_cast %add3A_120 : i32 to index
        %get3A_122 = memref.load %arg4[%get3A_121] : memref<10000xi32, #tpu.memory_space<smem>>
        %mul3A_123 = arith.constant 8 : i32
        %mul3A_124 = arith.muli %mul3A_123, %scan3A_43 : i32
        %add3A_125 = arith.constant 3 : i32
        %add3A_126 = arith.addi %mul3A_124, %add3A_125 : i32
        %get3A_127 = arith.index_cast %add3A_126 : i32 to index
        %get3A_128 = arith.constant 0 : index
        %get3A_129 = vector.load %arg8[%get3A_127, %get3A_128] : memref<10000x128xf32, #tpu.memory_space<vmem>>, vector<1x128xf32>
        %get3A_130 = arith.index_cast %get3A_122 : i32 to index
        %get3A_131 = arith.constant 0 : index
        %get3A_132 = vector.load %arg10[%get3A_130, %get3A_131] : memref<64x128xf32, #tpu.memory_space<vmem>>, vector<1x128xf32>
        %max3A_133 = arith.maximumf %get3A_132, %get3A_129 : vector<1x128xf32>
        %swap3A_134 = arith.index_cast %get3A_122 : i32 to index
        %swap3A_135 = arith.constant 0 : index
        %swap3A_136 = vector.load %arg10[%swap3A_134, %swap3A_135] : memref<64x128xf32, #tpu.memory_space<vmem>>, vector<1x128xf32>
        tpu.vector_store %arg10[%swap3A_134, %swap3A_135], %max3A_133 {strides = array<i32>} : memref<64x128xf32, #tpu.memory_space<vmem>>, vector<1x128xf32>,
        %mul3A_137 = arith.constant 8 : i32
        %mul3A_138 = arith.muli %mul3A_137, %scan3A_43 : i32
        %add3A_139 = arith.constant 4 : i32
        %add3A_140 = arith.addi %mul3A_138, %add3A_139 : i32
        %get3A_141 = arith.index_cast %add3A_140 : i32 to index
        %get3A_142 = memref.load %arg4[%get3A_141] : memref<10000xi32, #tpu.memory_space<smem>>
        %mul3A_143 = arith.constant 8 : i32
        %mul3A_144 = arith.muli %mul3A_143, %scan3A_43 : i32
        %add3A_145 = arith.constant 4 : i32
        %add3A_146 = arith.addi %mul3A_144, %add3A_145 : i32
        %get3A_147 = arith.index_cast %add3A_146 : i32 to index
        %get3A_148 = arith.constant 0 : index
        %get3A_149 = vector.load %arg8[%get3A_147, %get3A_148] : memref<10000x128xf32, #tpu.memory_space<vmem>>, vector<1x128xf32>
        %get3A_150 = arith.index_cast %get3A_142 : i32 to index
        %get3A_151 = arith.constant 0 : index
        %get3A_152 = vector.load %arg10[%get3A_150, %get3A_151] : memref<64x128xf32, #tpu.memory_space<vmem>>, vector<1x128xf32>
        %max3A_153 = arith.maximumf %get3A_152, %get3A_149 : vector<1x128xf32>
        %swap3A_154 = arith.index_cast %get3A_142 : i32 to index
        %swap3A_155 = arith.constant 0 : index
        %swap3A_156 = vector.load %arg10[%swap3A_154, %swap3A_155] : memref<64x128xf32, #tpu.memory_space<vmem>>, vector<1x128xf32>
        tpu.vector_store %arg10[%swap3A_154, %swap3A_155], %max3A_153 {strides = array<i32>} : memref<64x128xf32, #tpu.memory_space<vmem>>, vector<1x128xf32>,
        %mul3A_157 = arith.constant 8 : i32
        %mul3A_158 = arith.muli %mul3A_157, %scan3A_43 : i32
        %add3A_159 = arith.constant 5 : i32
        %add3A_160 = arith.addi %mul3A_158, %add3A_159 : i32
        %get3A_161 = arith.index_cast %add3A_160 : i32 to index
        %get3A_162 = memref.load %arg4[%get3A_161] : memref<10000xi32, #tpu.memory_space<smem>>
        %mul3A_163 = arith.constant 8 : i32
        %mul3A_164 = arith.muli %mul3A_163, %scan3A_43 : i32
        %add3A_165 = arith.constant 5 : i32
        %add3A_166 = arith.addi %mul3A_164, %add3A_165 : i32
        %get3A_167 = arith.index_cast %add3A_166 : i32 to index
        %get3A_168 = arith.constant 0 : index
        %get3A_169 = vector.load %arg8[%get3A_167, %get3A_168] : memref<10000x128xf32, #tpu.memory_space<vmem>>, vector<1x128xf32>
        %get3A_170 = arith.index_cast %get3A_162 : i32 to index
        %get3A_171 = arith.constant 0 : index
        %get3A_172 = vector.load %arg10[%get3A_170, %get3A_171] : memref<64x128xf32, #tpu.memory_space<vmem>>, vector<1x128xf32>
        %max3A_173 = arith.maximumf %get3A_172, %get3A_169 : vector<1x128xf32>
        %swap3A_174 = arith.index_cast %get3A_162 : i32 to index
        %swap3A_175 = arith.constant 0 : index
        %swap3A_176 = vector.load %arg10[%swap3A_174, %swap3A_175] : memref<64x128xf32, #tpu.memory_space<vmem>>, vector<1x128xf32>
        tpu.vector_store %arg10[%swap3A_174, %swap3A_175], %max3A_173 {strides = array<i32>} : memref<64x128xf32, #tpu.memory_space<vmem>>, vector<1x128xf32>,
        %mul3A_177 = arith.constant 8 : i32
        %mul3A_178 = arith.muli %mul3A_177, %scan3A_43 : i32
        %add3A_179 = arith.constant 6 : i32
        %add3A_180 = arith.addi %mul3A_178, %add3A_179 : i32
        %get3A_181 = arith.index_cast %add3A_180 : i32 to index
        %get3A_182 = memref.load %arg4[%get3A_181] : memref<10000xi32, #tpu.memory_space<smem>>
        %mul3A_183 = arith.constant 8 : i32
        %mul3A_184 = arith.muli %mul3A_183, %scan3A_43 : i32
        %add3A_185 = arith.constant 6 : i32
        %add3A_186 = arith.addi %mul3A_184, %add3A_185 : i32
        %get3A_187 = arith.index_cast %add3A_186 : i32 to index
        %get3A_188 = arith.constant 0 : index
        %get3A_189 = vector.load %arg8[%get3A_187, %get3A_188] : memref<10000x128xf32, #tpu.memory_space<vmem>>, vector<1x128xf32>
        %get3A_190 = arith.index_cast %get3A_182 : i32 to index
        %get3A_191 = arith.constant 0 : index
        %get3A_192 = vector.load %arg10[%get3A_190, %get3A_191] : memref<64x128xf32, #tpu.memory_space<vmem>>, vector<1x128xf32>
        %max3A_193 = arith.maximumf %get3A_192, %get3A_189 : vector<1x128xf32>
        %swap3A_194 = arith.index_cast %get3A_182 : i32 to index
        %swap3A_195 = arith.constant 0 : index
        %swap3A_196 = vector.load %arg10[%swap3A_194, %swap3A_195] : memref<64x128xf32, #tpu.memory_space<vmem>>, vector<1x128xf32>
        tpu.vector_store %arg10[%swap3A_194, %swap3A_195], %max3A_193 {strides = array<i32>} : memref<64x128xf32, #tpu.memory_space<vmem>>, vector<1x128xf32>,
        %mul3A_197 = arith.constant 8 : i32
        %mul3A_198 = arith.muli %mul3A_197, %scan3A_43 : i32
        %add3A_199 = arith.constant 7 : i32
        %add3A_200 = arith.addi %mul3A_198, %add3A_199 : i32
        %get3A_201 = arith.index_cast %add3A_200 : i32 to index
        %get3A_202 = memref.load %arg4[%get3A_201] : memref<10000xi32, #tpu.memory_space<smem>>
        %mul3A_203 = arith.constant 8 : i32
        %mul3A_204 = arith.muli %mul3A_203, %scan3A_43 : i32
        %add3A_205 = arith.constant 7 : i32
        %add3A_206 = arith.addi %mul3A_204, %add3A_205 : i32
        %get3A_207 = arith.index_cast %add3A_206 : i32 to index
        %get3A_208 = arith.constant 0 : index
        %get3A_209 = vector.load %arg8[%get3A_207, %get3A_208] : memref<10000x128xf32, #tpu.memory_space<vmem>>, vector<1x128xf32>
        %get3A_210 = arith.index_cast %get3A_202 : i32 to index
        %get3A_211 = arith.constant 0 : index
        %get3A_212 = vector.load %arg10[%get3A_210, %get3A_211] : memref<64x128xf32, #tpu.memory_space<vmem>>, vector<1x128xf32>
        %max3A_213 = arith.maximumf %get3A_212, %get3A_209 : vector<1x128xf32>
        %swap3A_214 = arith.index_cast %get3A_202 : i32 to index
        %swap3A_215 = arith.constant 0 : index
        %swap3A_216 = vector.load %arg10[%swap3A_214, %swap3A_215] : memref<64x128xf32, #tpu.memory_space<vmem>>, vector<1x128xf32>
        tpu.vector_store %arg10[%swap3A_214, %swap3A_215], %max3A_213 {strides = array<i32>} : memref<64x128xf32, #tpu.memory_space<vmem>>, vector<1x128xf32>,
      } else {
      }
    }
    %scan3A_27 = arith.constant 1250 : i32
    %get3A_28 = arith.constant 0 : index
    %get3A_29 = arith.constant 0 : index
    %get3A_30 = vector.load %arg10[%get3A_28, %get3A_29] : memref<64x128xf32, #tpu.memory_space<vmem>>, vector<64x128xf32>
    %get3A_31 = arith.constant 0 : index
    %get3A_32 = arith.constant 0 : index
    %get3A_33 = vector.load %arg5[%get3A_31, %get3A_32] : memref<128x16xf32, #tpu.memory_space<vmem>>, vector<128x16xf32>
    %dot_general3A = arith.constant dense<0.000000e+00> : vector<64x16xf32>
    %dot_general3A_34 = tpu.matmul %get3A_30, %get3A_33, %dot_general3A {dimension_numbers = #tpu.dot_dimension_numbers<[1], [0], [0], [1], [0, 0, 1, 1], [], []>, precision = #tpu.contract_precision<fp32>, transpose_lhs_hint = false} : vector<64x128xf32>, vector<128x16xf32>, vector<64x16xf32> -> vector<64x16xf32>
    %get3A_35 = arith.constant 0 : index
    %get3A_36 = arith.constant 0 : index
    %get3A_37 = vector.load %arg6[%get3A_35, %get3A_36] : memref<1x16xf32, #tpu.memory_space<vmem>>, vector<1x16xf32>
    %add3A_38 = vector.broadcast %get3A_37 : vector<1x16xf32> to vector<64x16xf32>
    %add3A_39 = arith.addf %dot_general3A_34, %add3A_38 : vector<64x16xf32>
    %swap3A_40 = arith.constant 0 : index
    %swap3A_41 = arith.constant 0 : index
    %swap3A_42 = vector.load %arg7[%swap3A_40, %swap3A_41] : memref<64x16xf32, #tpu.memory_space<vmem>>, vector<64x16xf32>
    tpu.vector_store %arg7[%swap3A_40, %swap3A_41], %add3A_39 {strides = array<i32>} : memref<64x16xf32, #tpu.memory_space<vmem>>, vector<64x16xf32>,
    return
  }
}

</mosaic_0001>

<sc_bundles>
// kernel: kernel.13.cloned.1.call-start
scs
__scs_entry_jumppad:
0x0: {  	(pc) =	sbr.rel $0x88, $3  }
0x1: {  	(tag) =	ssettag $0x0;
	lr =	simm.s32 $0x1  }
0x2: {  	[smem:$0x3F90] =	sst lr;
	_ =	strace $0xD0000000  }
0x3: {  	_ = 	snop  }
0x4: {  	_ = 	snop  }
0x5: {  	_ = 	snop  }
0x6: {  	_ = 	snop  }
0x7: {  	_ = 	snop  }
__scs_overlays_trampoline_lowered:
0x8: {  	[smem:$0x3F9F] =	sst s0  }
0x9: {  	[smem:$0x3FA0] =	sst s1  }
0xa: {  	[smem:$0x3FA1] =	sst s2  }
0xb: {  	[smem:$0x3FA2] =	sst s3  }
0xc: {  	[smem:$0x3FA3] =	sst s4  }
0xd: {  	[smem:$0x3FA4] =	sst s5  }
0xe: {  	[smem:$0x3FA5] =	sst s6  }
0xf: {  	[smem:$0x3FA6] =	sst s7  }
0x10: {  	[smem:$0x3FA7] =	sst s8  }
0x11: {  	[smem:$0x3FA8] =	sst s9;
	s0 =	simm.s32 @!p0 $0x0  }
0x12: {  	s1 =	sld [smem:$0x3F8E];
	s0 =	simm.s32 @p0 $0x1  }
0x13: {  	[smem:$0x3FA9] =	sst s0;
	s0 =	simm.s32 @!p1 $0x0  }
0x14: {  	s2 =	sld [smem:$0x3F8D];
	s0 =	simm.s32 @p1 $0x1  }
0x15: {  	[smem:$0x3FAA] =	sst s0;
	s0 =	simm.s32 @!p2 $0x0  }
0x16: {  	s3 =	sld [smem:$0x3FDB];
	s0 =	simm.s32 @p2 $0x1  }
0x17: {  	s4 =	simm.s32 $0x1BF5;
	[smem:$0x3FAC] =	sst s0  }
0x18: {  	s0 =	sld [smem:$0x3F8F];
	_ =	swait.ge [sflag:s4], $0x0  }
0x19: {  	s7 =	sld [smem:$0x3F90]  }
0x1a: {  	s8 =	sadd.s32 $0xFFFFE003, lr  }
0x1b: {  	s9 =	sadd.s32 $0xFFFFFEF7, lr;
	s5 =	simm.s32 $0xFFFFFFFF;
	p2 =	slt.u32 s8, $0xFFFFF086  }
0x1c: {  	p1 =	slt.u32 s9, $0xF7A;
	s5 =	simm.s32 @!p2 $0x0  }
0x1d: {  	s5 =	simm.s32 @p1 $0x1;
	p0 =	seq.s32 s7, s2  }
0x1e: {  	s7 =	smul.u32 @!p0 $0xF7A, s2;
	p2 =	seq.s32 @!p0 s5, $0x0  }
0x1f: {  	s9 =	smul.u32 $0xF7A, s1;
	s8 =	simm.s32 @!p0 $0x1BF5;
	p2 =	por !p2, p0  }
0x20: {  	[sflag:s8] =	ssyncset.s32 @!p0 $0xFFFFF086;
	s6 =	sadd.s32 @!p0 s3, s7;
	s7 =	simm.s32 @!p0 $0x108  }
0x21: {  	s3 =	sadd.s32 s3, s9;
	s6 =	sadd.s32 @!p0 $0x88, s6;
	s7 =	simm.s32 @p2 $0x1082  }
0x22: {  	[simem:s7], [sflag:s8] =	dma.local @!p0 [hbm:s6], $0xF7A  }
0x23: {  	s9 =	sor.u32 $0xD0000000, s2;
	s6 =	simm.s32 $0x108;
	_ =	swait.ge @!p0 [sflag:s8], $0x0  }
0x24: {  	s3 =	sadd.s32 $0x88, s3;
	s6 =	simm.s32 @!p1 $0x1082;
	[sflag:s4] =	ssyncset.s32 $0xFFFFF086  }
0x25: {  	[simem:s6], [sflag:s4] =	dma.local [hbm:s3], $0xF7A  }
0x26: {  	[smem:$0x3F90] =	sst s1;
	(tag) =	ssettag s2;
	_ =	strace s9  }
0x27: {  	s1 =	sld [smem:$0x3FA0]  }
0x28: {  	s2 =	sld [smem:$0x3FA1]  }
0x29: {  	s4 =	sld [smem:$0x3FA3]  }
0x2a: {  	p0 =	seq.s32 s5, $0x0;
	s5 =	sld [smem:$0x3FA4]  }
0x2b: {  	s6 =	sld [smem:$0x3FA5]  }
0x2c: {  	s7 =	sld [smem:$0x3FA6]  }
0x2d: {  	s3 =	simm.s32 $0x108;
	s8 =	sld [smem:$0x3FA7]  }
0x2e: {  	s3 =	simm.s32 @!p0 $0x1082;
	s9 =	sld [smem:$0x3FA8]  }
0x2f: {  	lr =	sadd.s32 s0, s3;
	s0 =	sld [smem:$0x3F9F]  }
0x30: {  	s3 =	sld [smem:$0x3FA2]  }
0x31: {  	[smem:$0x3FAB] =	sst s10  }
0x32: {  	s10 =	sld [smem:$0x3FA9];
	_ =	sdelay $0x3  }
0x33: {  	p0 =	seq.s32 s10, $0x1;
	s10 =	sld [smem:$0x3FAB];
	_ =	sdelay $0x3  }
0x34: {  	[smem:$0x3FAB] =	sst s10  }
0x35: {  	s10 =	sld [smem:$0x3FAA];
	_ =	sdelay $0x3  }
0x36: {  	p1 =	seq.s32 s10, $0x1;
	s10 =	sld [smem:$0x3FAB];
	_ =	sdelay $0x3  }
0x37: {  	[smem:$0x3FAB] =	sst s10  }
0x38: {  	s10 =	sld [smem:$0x3FAC]  }
0x39: {  	_ = 	snop;
	(pc) =	sbr.ind lr, $3  }
0x3a: {  	_ = 	snop  }
0x3b: {  	_ = 	snop  }
0x3c: {  	p2 =	seq.s32 s10, $0x1;
	s10 =	sld [smem:$0x3FAB]  }
0x3d: {  	_ =	shalt  }
0x3e: {  	_ =	shalt  }
0x3f: {  	_ =	shalt  }
0x40: {  	_ =	shalt  }
0x41: {  	_ =	shalt  }
0x42: {  	_ =	shalt  }
0x43: {  	_ =	shalt  }
0x44: {  	_ =	shalt  }
0x45: {  	_ =	shalt  }
0x46: {  	_ =	shalt  }
0x47: {  	_ =	shalt  }
0x48: {  	_ =	shalt  }
0x49: {  	_ =	shalt  }
0x4a: {  	_ =	shalt  }
0x4b: {  	_ =	shalt  }
0x4c: {  	_ =	shalt  }
0x4d: {  	_ =	shalt  }
0x4e: {  	_ =	shalt  }
0x4f: {  	_ =	shalt  }
0x50: {  	_ =	shalt  }
0x51: {  	_ =	shalt  }
0x52: {  	_ =	shalt  }
0x53: {  	_ =	shalt  }
0x54: {  	_ =	shalt  }
0x55: {  	_ =	shalt  }
0x56: {  	_ =	shalt  }
0x57: {  	_ =	shalt  }
0x58: {  	_ =	shalt  }
0x59: {  	_ =	shalt  }
0x5a: {  	_ =	shalt  }
0x5b: {  	_ =	shalt  }
0x5c: {  	_ =	shalt  }
0x5d: {  	_ =	shalt  }
0x5e: {  	_ =	shalt  }
0x5f: {  	_ =	shalt  }
0x60: {  	_ =	shalt  }
0x61: {  	_ =	shalt  }
0x62: {  	_ =	shalt  }
0x63: {  	_ =	shalt  }
0x64: {  	_ =	shalt  }
0x65: {  	_ =	shalt  }
0x66: {  	_ =	shalt  }
0x67: {  	_ =	shalt  }
0x68: {  	_ =	shalt  }
0x69: {  	_ =	shalt  }
0x6a: {  	_ =	shalt  }
0x6b: {  	_ =	shalt  }
0x6c: {  	_ =	shalt  }
0x6d: {  	_ =	shalt  }
0x6e: {  	_ =	shalt  }
0x6f: {  	_ =	shalt  }
0x70: {  	_ =	shalt  }
0x71: {  	_ =	shalt  }
0x72: {  	_ =	shalt  }
0x73: {  	_ =	shalt  }
0x74: {  	_ =	shalt  }
0x75: {  	_ =	shalt  }
0x76: {  	_ =	shalt  }
0x77: {  	_ =	shalt  }
0x78: {  	_ =	shalt  }
0x79: {  	_ =	shalt  }
0x7a: {  	_ =	shalt  }
0x7b: {  	_ =	shalt  }
0x7c: {  	_ =	shalt  }
0x7d: {  	_ =	shalt  }
0x7e: {  	_ =	shalt  }
0x7f: {  	_ =	shalt  }
0x80: {  	_ =	shalt  }
0x81: {  	_ =	shalt  }
0x82: {  	_ =	shalt  }
0x83: {  	_ =	shalt  }
0x84: {  	_ =	shalt  }
0x85: {  	_ =	shalt  }
0x86: {  	_ =	shalt  }
0x87: {  	_ =	shalt  }
.Lfunc_end0:
.L_simem_size_0:
called_computation_lowered:
.L_overlay_start_0:
0x88: {  	s2 =	sld [smem:$0x3FD9]  }
0x89: {  	s3 =	sld [smem:$0x3FFE];
	_ =	sdelay $0x1  }
0x8a: {  	s1 =	srdreg.scid  }
0x8b: {  	s0 =	sand.u32 $0x1, s1  }
0x8c: {  	s16 =	sshll.u32 s0, $0xA;
	s2 =	sadd.s32 s3, s2  }
0x8d: {  	s2 =	sadd.s32 s2, s16  }
0x8e: {  	[smem:$0x3FB7] =	sst s2  }
0x8f: {  	_ = 	snop  }
0x90: {  	(tm) =	ssettm $0x1  }
0x91: {  	s17 =	sld [smem:$0x3FFB];
	_ =	sdelay $0x3  }
0x92: {  	_ =	strace s17  }
0x93: {  	s2 =	sld [smem:$0x3FFC];
	_ =	sdelay $0x3  }
0x94: {  	_ =	strace s2  }
0x95: {  	s2 =	sld [smem:$0x3FFD];
	_ =	sdelay $0x3  }
0x96: {  	_ =	strace s2  }
0x97: {  	_ =	strace $0x8FFFFFFF  }
0x98: {  	s18 =	sld [smem:$0x3FDB];
	_ =	sdelay $0x1  }
0x99: {  	s19 =	simm.s32 $_scs_section_size  }
0x9a: {  	s4 =	simm.s32 $_size__tile_overlayer_lowered;
	s5 =	simm.s32 $_tile_overlayer_lowered  }
0x9b: {  	s22 =	simm.s32 $0x1BFF;
	s21 =	sshll.u32 s5, $0x1;
	s2 =	sadd.s32 s19, s18  }
0x9c: {  	s6 =	simm.s32 $0x0;
	s20 =	sshll.u32 s4, $0x1;
	s4 =	sadd.s32 s21, s2  }
0x9d: {  	[timem:s6], [sflag:s22] =	dma.local [hbm:s4], s20  }
0x9e: {  	_ =	swait.ge [sflag:s22], s20  }
0x9f: {  	s3 =	ssub.s32 $0x0, s20;
	[sflag:s22] =	ssyncset.done $0x0  }
0xa0: {  	[sflag:s22] =	ssyncadd.s32 s3;
	_ =	sdelay $0x1  }
0xa1: {  	s23 =	simm.s32 $0x1B8B  }
0xa2: {  	_ =	swait.ge [sflag:s23], $0x1  }
0xa3: {  	[sflag:s23] =	ssyncset.done $0x0  }
0xa4: {  	s25 =	simm.s32 $0x1B8E;
	s24 =	sld [smem:$0x3FFE];
	[sflag:s23] =	ssyncadd.s32 $0xFFFFFFFF  }
0xa5: {  	s26 =	simm.s32 $execute0_lowered;
	[smem:$0x3FD2] =	sst s25  }
0xa6: {  	s4 =	sshll.u32 s26, $0x1;
	_ =	strace $0x80000046;
	[dreg:$0x1] =	wrdreg $0xFFFFFFFF  }
0xa7: {  	s28 =	simm.s32 $_size_execute0_lowered;
	s2 =	sadd.s32 s2, s4;
	[dreg:$0x0] =	wrdreg $0x0  }
0xa8: {  	s4 =	sshll.u32 s28, $0x1;
	[dreg:$0x2] =	wrdreg s2  }
0xa9: {  	[dreg:$0x3] =	wrdreg s4  }
0xaa: {  	[dreg:$0x4] =	wrdreg $0xC0  }
0xab: {  	_ =	task [dreg:s6], $0x5FFFF  }
0xac: {  	[dreg:$0x1] =	wrdreg $0xFFFFFFFF  }
0xad: {  	[dreg:$0x0] =	wrdreg $0x60  }
0xae: {  	[dreg:$0x2] =	wrdreg s24  }
0xaf: {  	[dreg:$0x3] =	wrdreg $0x128000  }
0xb0: {  	[dreg:$0x4] =	wrdreg $0x9  }
0xb1: {  	_ =	task.clear_ibuf [dreg:s6], $0x5FFFF;
	_ =	strace $0x90000046  }
0xb2: {  	s29 =	simm.s32 $0x9;
	_ =	strace $0x80000048  }
0xb3: {  	_ =	swait.ge [sflag:s29], $0x1  }
0xb4: {  	[sflag:s29] =	ssyncadd.s32 $0xFFFFFFFF  }
0xb5: {  	_ =	strace $0x90000048  }
0xb6: {  	_ =	sfence  }
0xb7: {  	s30 =	sld [smem:$0x0];
	_ =	sdelay $0x2  }
0xb8: {  	s31 =	sshll.u32 s1, $0xD;
	s1 =	sshrl.u32 s1, $0x2  }
0xb9: {  	s3 =	sand.u32 $0x4000, s31;
	s1 =	sadd.s32 s1, s30  }
0xba: {  	s0 =	sor.u32 s3, s0;
	s1 =	sshll.u32 s1, $0x11  }
0xbb: {  	s0 =	sor.u32 s1, s0  }
0xbc: {  	s0 =	sadd.s32 $0x8F2B, s0  }
0xbd: {  	[sflag:s0] =	ssyncadd.remote.s32 $0x1  }
0xbe: {  	_ =	sfence.sel $0xFFFF  }
0xbf: {  	[dreg:$0x0] =	wrdreg $0xFFFFFFFF;
	(pc) =	sbr.abs _section_cstart, $3  }
0xc0: {  	[dreg:$0x1] =	wrdreg $0xFFFFFFFF  }
0xc1: {  	_ =	task.clear_ibuf [dreg:s6], $0x2FFFF;
	_ =	strace $0x9FFFFFFF  }
0xc2: {  	(tm) =	ssettm $0x7FFFFFFF  }
0xc3: {  	_ =	shalt  }
tec
execute0_lowered:
.L_overlay_start_1:
0x0: {  	(tag) =	ssettag $0x1  }
0x1: {  	s7 =	rddreg [dreg:$0x0]  }
0x2: {  	s2 =	rddreg [dreg:$0x1]  }
0x3: {  	s0 =	rddreg [dreg:$0x2];
	s1 =	stileid.u32  }
0x4: {  	s3 =	simm.s32 $0x0;
	s6 =	srdreg.scid;
	s4 =	smul.u32 $0x1380, s1  }
0x5: {  	[smem:$0x7FF] =	sst s3;
	s5 =	sshll.u32 s1, $0xC;
	s12 =	smul.u32 $0x27000, s1  }
0x6: {  	s6 =	sand.u32 $0x1, s6;
	s10 =	sadd.s32 $0x29800, s7;
	s29 =	smul.u32 $0x138, s1  }
0x7: {  	s16 =	sadd.s32 $0x1388, s1;
	s14 =	sadd.s32 $0x92400, s2;
	p0 =	seq.s32 s1, $0xF  }
0x8: {  	_ =	strace $0x80000047;
	s5 =	sadd.s32 s5, s7;
	s15 =	smul.u32 $0x1388, s6  }
0x9: {  	s9 =	ssub.s32 $0x2, s6;
	s13 =	smul.u32 $0x9C400, s6;
	s19 =	sshll.u32 @!p0 s1, $0x6  }
0xa: {  	v2 =	vmov s16;
	s16 =	simm.s32 $0x50;
	s8 =	sadd.s32 s4, s7;
	s4 =	sadd.s32 $0x29200, s7  }
0xb: {  	s11 =	sshrl.u32 s9, $0x1;
	s5 =	sadd.s32 $0x5800, s5;
	s12 =	sshrl.u32 s12, $0x2  }
0xc: {  	s7 =	sadd.s32 $0x27C80, s7;
	s11 =	ssub.s32 s9, s11;
	s17 =	sadd.s32 $0x1388, s15  }
0xd: {  	s18 =	sadd.s32 s12, s2;
	s6 =	sadd.s32 $0x15800, s8;
	s30 =	sadd.s32 s29, s15  }
0xe: {  	s31 =	sshrl.u32 s13, $0x3;
	s12 =	simm.s32 $0x10000;
	s13 =	sshrl.u32 @p0 s14, $0x3  }
0xf: {  	s14 =	sor.u32 @!p0 $0x1C01, s19;
	s8 =	sshll.u32 s30, $0x4;
	s9 =	sadd.s32 s10, s31  }
0x10: {  	v0 =	vmov s15;
	v1 =	vmov s17;
	s15 =	sshrl.u32 @!p0 s18, $0x3;
	s17 =	simm.s32 $0x0;
	s8 =	sadd.s32 s10, s8  }
0x11: {  	s9 =	sadd.s32 $0x12480, s9;
	s10 =	smax.u32 s11, $0x1;
	s11 =	simm.s32 $0x1  }
.LBB2_1:
0x12: {  	[tilespmem:s3], [sflag:$0x1] =	stream.linear.gather [hbm4b:s5+s3], $0x7D00, $0x38;
	[tilespmem:$0x14F30] =	vst v63  }
0x13: {  	_ =	swait.ge [sflag:s11], $0x7D00  }
0x14: {  	[sflag:s11] =	ssyncset.done $0x0  }
0x15: {  	[sflag:s11] =	ssyncadd.s32 $0xFFFF8300  }
0x16: {  	[tilespmem:s12], [sflag:$0x1] =	stream.linear.gather [hbm4b:s4+s3], $0x2800, $0x38;
	[tilespmem:$0x14F30] =	vst v63  }
0x17: {  	_ =	swait.ge [sflag:s11], $0x2800  }
0x18: {  	[sflag:s11] =	ssyncset.done $0x0  }
0x19: {  	s19 =	simm.s32 $0x0;
	[sflag:s11] =	ssyncadd.s32 $0xFFFFD800  }
0x1a: {  	v5 =	vld [tilespmem:s19+$0x40];
	_ =	sdelay $0x1  }
0x1b: {  	v6 =	vld [tilespmem:s19+$0x0]  }
0x1c: {  	v4 =	vld [tilespmem:s19+$0x20]  }
0x1d: {  	v3 =	vld [tilespmem:s19+$0x10]  }
0x1e: {  	vm1 =	vge.s32 v5, v0;
	vm2 =	vlt.s32 v5, v1;
	v7 =	vsub.s32 v5, v0;
	v5 =	vld [tilespmem:s19+$0x30];
	_ =	sdelay $0x1  }
0x1f: {  	vm0 =	vge.s32 v6, v0;
	vm3 =	vmand vm1, vm2  }
0x20: {  	vm4 =	vge.s32 v4, v0;
	vm5 =	vlt.s32 v4, v1;
	v7 =	vsel vm3, v7, v2  }
0x21: {  	s18 =	simm.s32 $0x80;
	s20 =	simm.s32 $0x400;
	vm2 =	vlt.s32 v6, v1;
	vm1 =	vge.s32 v3, v0;
	vm3 =	vlt.s32 v3, v1;
	[tilespmem:s19+$0x8040] =	vst v7  }
.LBB2_2:
0x22: {  	p1 =	sne.s32 s20, $0x1F200;
	v7 =	vld [tilespmem:s18+$0x40];
	vm0 =	vmand vm0, vm2;
	vm2 =	vge.s32 v5, v0;
	vm6 =	vlt.s32 v5, v1  }
0x23: {  	vm1 =	vmand vm1, vm3;
	vm3 =	vmand vm4, vm5;
	v8 =	vld [tilespmem:s18+$0x0];
	vm2 =	vmand vm2, vm6  }
0x24: {  	v6 =	vsub.s32 v6, v0;
	v9 =	vsub.s32 v3, v0;
	v10 =	vsub.s32 v4, v0;
	v3 =	vld [tilespmem:s18+$0x10]  }
0x25: {  	v11 =	vsub.s32 v5, v0;
	v6 =	vsel vm0, v6, v2;
	v9 =	vsel vm1, v9, v2;
	v4 =	vld [tilespmem:s18+$0x20]  }
.Ltmp0:
0x26: {  	v12 =	vsel vm3, v10, v2;
	v10 =	vsel vm2, v11, v2;
	v5 =	vld [tilespmem:s18+$0x30];
	[tilespmem:s19+$0x8000] =	vst v6;
	(pc) =	sbr.rel @p1 .LBB2_2-.Ltmp0, $4  }
0x27: {  	vm1 =	vge.s32 v7, v0;
	vm2 =	vlt.s32 v7, v1;
	[tilespmem:s19+$0x8010] =	vst v9  }
0x28: {  	v7 =	vsub.s32 v7, v0;
	vm0 =	vge.s32 v8, v0;
	vm3 =	vmand vm1, vm2;
	[tilespmem:s19+$0x8020] =	vst v12;
	v6 =	vmovc v8  }
0x29: {  	vm2 =	vlt.s32 v6, v1;
	vm1 =	vge.s32 v3, v0;
	v7 =	vsel vm3, v7, v2;
	[tilespmem:s19+$0x8030] =	vst v10;
	s19 =	smov.u32 s18  }
0x2a: {  	s18 =	sshra.s32 s20, $0x2;
	s20 =	sadd.s32 $0x200, s20;
	vm3 =	vlt.s32 v3, v1;
	vm4 =	vge.s32 v4, v0;
	vm5 =	vlt.s32 v4, v1;
	[tilespmem:s19+$0x8040] =	vst v7  }
0x2b: {  	v7 =	vld [tilespmem:s18+$0x40]  }
0x2c: {  	vm0 =	vmand vm0, vm2;
	vm9 =	vge.s32 v5, v0;
	v8 =	vld [tilespmem:s18+$0x0]  }
0x2d: {  	vm6 =	vlt.s32 v5, v1;
	vm1 =	vmand vm1, vm3;
	vm10 =	vmand vm4, vm5;
	v9 =	vld [tilespmem:s18+$0x10]  }
0x2e: {  	v6 =	vsub.s32 v6, v0;
	v3 =	vsub.s32 v3, v0;
	v4 =	vsub.s32 v4, v0;
	v10 =	vld [tilespmem:s18+$0x20]  }
0x2f: {  	v59 =	vsub.s32 v5, v0;
	vm2 =	vmand vm9, vm6;
	v6 =	vsel vm0, v6, v2  }
0x30: {  	v11 =	vld [tilespmem:s18+$0x30];
	v3 =	vsel vm1, v3, v2;
	v4 =	vsel vm10, v4, v2;
	v5 =	vsel vm2, v59, v2  }
0x31: {  	vm11 =	vge.s32 v7, v0;
	vm12 =	vlt.s32 v7, v1;
	vm13 =	vge.s32 v8, v0  }
0x32: {  	[tilespmem:s19+$0x8000] =	vst v6;
	v60 =	vsub.s32 v7, v0;
	vm14 =	vlt.s32 v8, v1;
	vm15 =	vge.s32 v9, v0  }
0x33: {  	[tilespmem:s19+$0x8010] =	vst v3;
	vm9 =	vlt.s32 v9, v1;
	vm10 =	vge.s32 v10, v0;
	v61 =	vsub.s32 v8, v0  }
0x34: {  	[tilespmem:s19+$0x8020] =	vst v4;
	v62 =	vsub.s32 v10, v0;
	vm0 =	vmand vm11, vm12;
	vm11 =	vlt.s32 v10, v1  }
0x35: {  	[tilespmem:s19+$0x8030] =	vst v5;
	vm1 =	vmand vm13, vm14;
	vm12 =	vge.s32 v11, v0;
	v3 =	vsel vm0, v60, v2  }
0x36: {  	vm13 =	vlt.s32 v11, v1;
	v4 =	vsel vm1, v61, v2;
	vm14 =	vmand vm10, vm11;
	[tilespmem:s18+$0x8040] =	vst v3  }
0x37: {  	vm0 =	vmand vm15, vm9;
	v3 =	vsub.s32 v9, v0;
	[tilespmem:s18+$0x8000] =	vst v4;
	v5 =	vsel vm14, v62, v2  }
0x38: {  	v63 =	vsub.s32 v11, v0;
	vm15 =	vmand vm12, vm13;
	v3 =	vsel vm0, v3, v2;
	[tilespmem:s18+$0x8020] =	vst v5  }
0x39: {  	[tilespmem:s18+$0x8010] =	vst v3;
	v3 =	vsel vm15, v63, v2  }
0x3a: {  	[tilespmem:s18+$0x8030] =	vst v3;
	s18 =	simm.s32 @p0 $0x1FC1  }
0x3b: {  	[spmem:s13], [sflag:s18] =	dma.local @p0 [hbm:s7], $0x1500  }
0x3c: {  	s18 =	simm.s32 @p0 $0x1  }
0x3d: {  	_ =	swait.ge @p0 [sflag:s18], $0x1500  }
0x3e: {  	[sflag:s18] =	ssyncset.done @p0 $0x0  }
0x3f: {  	[sflag:s18] =	ssyncadd.s32 @p0 $0xFFFFEB00;
	s18 =	simm.s32 @!p0 $0x1  }
0x40: {  	[spmem:s15], [sflag:s14] =	dma.local @!p0 [hbm:s6], $0x1380  }
0x41: {  	_ =	swait.ge @!p0 [sflag:s18], $0x1380  }
0x42: {  	[sflag:s18] =	ssyncset.done @!p0 $0x0  }
0x43: {  	[sflag:s18] =	ssyncadd.s32 @!p0 $0xFFFFEC80  }
0x44: {  	s31 =	simm.s32 $0x8000;
	[bflag:$0x0] =	sbarrier.arrive $0xFFFF  }
0x45: {  	[spmem:s2] =	stream.indirect.scatter.add.f32 [tilespmem:s12], [sflag:$0x1], $0x20, s31, s16, $0xb8;
	[tilespmem:$0x14F30] =	vst v63  }
0x46: {  	s18 =	simm.s32 $0x200;
	_ =	swait.ge [sflag:s11], $0xA00  }
.LBB2_4:
0x47: {  	s19 =	sshra.s32 s18, $0x2;
	[sflag:s11] =	ssyncset.done $0x0;
	p1 =	sne.s32 s18, $0x1F200  }
.Ltmp1:
0x48: {  	s19 =	sadd.s32 $0x8000, s19;
	[sflag:s11] =	ssyncadd.s32 $0xFFFFF600;
	(pc) =	sbr.rel @p1 .LBB2_4-.Ltmp1, $3  }
0x49: {  	[spmem:s2] =	stream.indirect.scatter.add.f32 [tilespmem:s12], [sflag:$0x1], $0x20, s19, s16, $0xb8;
	[tilespmem:$0x14F30] =	vst v63  }
0x4a: {  	s18 =	sadd.s32 $0x200, s18;
	_ =	sdelay $0x1  }
0x4b: {  	_ =	swait.ge [sflag:s11], $0xA00  }
0x4c: {  	[sflag:s11] =	ssyncset.done $0x0  }
0x4d: {  	[sflag:s11] =	ssyncadd.s32 $0xFFFFF600  }
0x4e: {  	s18 =	simm.s32 @p0 $0x1FC1;
	[bflag:$0x0] =	sbarrier.arrive $0xFFFF  }
0x4f: {  	[hbm:s9], [sflag:s18] =	dma.local @p0 [spmem:s13], $0x1400  }
0x50: {  	s18 =	simm.s32 @p0 $0x1  }
0x51: {  	s17 =	sadd.s32 $0x1, s17;
	_ =	swait.ge @p0 [sflag:s18], $0x1400  }
0x52: {  	p1 =	sne.s32 s17, s10;
	[sflag:s18] =	ssyncset.done @p0 $0x0  }
.Ltmp2:
0x53: {  	[sflag:s18] =	ssyncadd.s32 @p0 $0xFFFFEC00;
	s18 =	simm.s32 @!p0 $0x1;
	(pc) =	sbr.rel @p1 .LBB2_1-.Ltmp2, $4  }
0x54: {  	[hbm:s8], [sflag:s14] =	dma.local @!p0 [spmem:s15], $0x1380  }
0x55: {  	_ =	swait.ge @!p0 [sflag:s18], $0x1380  }
0x56: {  	[sflag:s18] =	ssyncset.done @!p0 $0x0  }
0x57: {  	[sflag:s18] =	ssyncadd.s32 @!p0 $0xFFFFEC80  }
0x58: {  	_ =	sfence.sel $0x180000  }
0x59: {  	[bflag:$0x0] =	sbarrier.arrive $0xFFFF  }
0x5a: {  	p0 =	sne.s32 s1, $0x0;
	_ =	strace $0x90000047  }
0x5b: {  	s0 =	sadd.s32 @!p0 $0x100000, s0;
	[bflag:$0x2] =	sbarrier.arrive $0xFFFF  }
0x5c: {  	[sflag:s0] =	ssyncadd.tile.s32 @!p0 $0x1;
	_ =	shalt  }
.Lfunc_end2:
_tile_overlayer_lowered:
.L_overlay_start_2:
0x5d: {  	(tag) =	ssettag $0x2  }
0x5e: {  	s0 =	rddreg [dreg:$0x0];
	s2 =	stileid.u32  }
0x5f: {  	s1 =	rddreg [dreg:$0x1];
	p0 =	sne.s32 s2, $0x0  }
0x60: {  	s3 =	rddreg [dreg:$0x2];
	[bflag:$0x3] =	sbarrier.arrive $0xFFFF;
	s2 =	simm.s32 @!p0 $0x1C01  }
0x61: {  	[timem:s3], [sflag:s2] =	dma.local @!p0 [hbm:s0], s1  }
0x62: {  	s0 =	simm.s32 @!p0 $0x1  }
0x63: {  	_ =	swait.ge @!p0 [sflag:s0], s1  }
0x64: {  	s1 =	ssub.s32 @!p0 $0x0, s1;
	[sflag:s0] =	ssyncset.done @!p0 $0x0  }
0x65: {  	[sflag:s0] =	ssyncadd.s32 @!p0 s1  }
0x66: {  	[bflag:$0x3] =	sbarrier.arrive $0xFFFF  }
0x67: {  	_ =	shalt  }

// kernel: kernel.16.cloned.1.call-start
scs
__scs_entry_jumppad:
0x0: {  	(pc) =	sbr.rel $0x88, $3  }
0x1: {  	(tag) =	ssettag $0x0;
	lr =	simm.s32 $0x1  }
0x2: {  	[smem:$0x3F90] =	sst lr;
	_ =	strace $0xD0000000  }
0x3: {  	_ = 	snop  }
0x4: {  	_ = 	snop  }
0x5: {  	_ = 	snop  }
0x6: {  	_ = 	snop  }
0x7: {  	_ = 	snop  }
__scs_overlays_trampoline_lowered:
0x8: {  	[smem:$0x3F9F] =	sst s0  }
0x9: {  	[smem:$0x3FA0] =	sst s1  }
0xa: {  	[smem:$0x3FA1] =	sst s2  }
0xb: {  	[smem:$0x3FA2] =	sst s3  }
0xc: {  	[smem:$0x3FA3] =	sst s4  }
0xd: {  	[smem:$0x3FA4] =	sst s5  }
0xe: {  	[smem:$0x3FA5] =	sst s6  }
0xf: {  	[smem:$0x3FA6] =	sst s7  }
0x10: {  	[smem:$0x3FA7] =	sst s8  }
0x11: {  	[smem:$0x3FA8] =	sst s9;
	s0 =	simm.s32 @!p0 $0x0  }
0x12: {  	s1 =	sld [smem:$0x3F8E];
	s0 =	simm.s32 @p0 $0x1  }
0x13: {  	[smem:$0x3FA9] =	sst s0;
	s0 =	simm.s32 @!p1 $0x0  }
0x14: {  	s2 =	sld [smem:$0x3F8D];
	s0 =	simm.s32 @p1 $0x1  }
0x15: {  	[smem:$0x3FAA] =	sst s0;
	s0 =	simm.s32 @!p2 $0x0  }
0x16: {  	s3 =	sld [smem:$0x3FDB];
	s0 =	simm.s32 @p2 $0x1  }
0x17: {  	s4 =	simm.s32 $0x1BF5;
	[smem:$0x3FAC] =	sst s0  }
0x18: {  	s0 =	sld [smem:$0x3F8F];
	_ =	swait.ge [sflag:s4], $0x0  }
0x19: {  	s7 =	sld [smem:$0x3F90]  }
0x1a: {  	s8 =	sadd.s32 $0xFFFFE003, lr  }
0x1b: {  	s9 =	sadd.s32 $0xFFFFFEF7, lr;
	s5 =	simm.s32 $0xFFFFFFFF;
	p2 =	slt.u32 s8, $0xFFFFF086  }
0x1c: {  	p1 =	slt.u32 s9, $0xF7A;
	s5 =	simm.s32 @!p2 $0x0  }
0x1d: {  	s5 =	simm.s32 @p1 $0x1;
	p0 =	seq.s32 s7, s2  }
0x1e: {  	s7 =	smul.u32 @!p0 $0xF7A, s2;
	p2 =	seq.s32 @!p0 s5, $0x0  }
0x1f: {  	s9 =	smul.u32 $0xF7A, s1;
	s8 =	simm.s32 @!p0 $0x1BF5;
	p2 =	por !p2, p0  }
0x20: {  	[sflag:s8] =	ssyncset.s32 @!p0 $0xFFFFF086;
	s6 =	sadd.s32 @!p0 s3, s7;
	s7 =	simm.s32 @!p0 $0x108  }
0x21: {  	s3 =	sadd.s32 s3, s9;
	s6 =	sadd.s32 @!p0 $0x88, s6;
	s7 =	simm.s32 @p2 $0x1082  }
0x22: {  	[simem:s7], [sflag:s8] =	dma.local @!p0 [hbm:s6], $0xF7A  }
0x23: {  	s9 =	sor.u32 $0xD0000000, s2;
	s6 =	simm.s32 $0x108;
	_ =	swait.ge @!p0 [sflag:s8], $0x0  }
0x24: {  	s3 =	sadd.s32 $0x88, s3;
	s6 =	simm.s32 @!p1 $0x1082;
	[sflag:s4] =	ssyncset.s32 $0xFFFFF086  }
0x25: {  	[simem:s6], [sflag:s4] =	dma.local [hbm:s3], $0xF7A  }
0x26: {  	[smem:$0x3F90] =	sst s1;
	(tag) =	ssettag s2;
	_ =	strace s9  }
0x27: {  	s1 =	sld [smem:$0x3FA0]  }
0x28: {  	s2 =	sld [smem:$0x3FA1]  }
0x29: {  	s4 =	sld [smem:$0x3FA3]  }
0x2a: {  	p0 =	seq.s32 s5, $0x0;
	s5 =	sld [smem:$0x3FA4]  }
0x2b: {  	s6 =	sld [smem:$0x3FA5]  }
0x2c: {  	s7 =	sld [smem:$0x3FA6]  }
0x2d: {  	s3 =	simm.s32 $0x108;
	s8 =	sld [smem:$0x3FA7]  }
0x2e: {  	s3 =	simm.s32 @!p0 $0x1082;
	s9 =	sld [smem:$0x3FA8]  }
0x2f: {  	lr =	sadd.s32 s0, s3;
	s0 =	sld [smem:$0x3F9F]  }
0x30: {  	s3 =	sld [smem:$0x3FA2]  }
0x31: {  	[smem:$0x3FAB] =	sst s10  }
0x32: {  	s10 =	sld [smem:$0x3FA9];
	_ =	sdelay $0x3  }
0x33: {  	p0 =	seq.s32 s10, $0x1;
	s10 =	sld [smem:$0x3FAB];
	_ =	sdelay $0x3  }
0x34: {  	[smem:$0x3FAB] =	sst s10  }
0x35: {  	s10 =	sld [smem:$0x3FAA];
	_ =	sdelay $0x3  }
0x36: {  	p1 =	seq.s32 s10, $0x1;
	s10 =	sld [smem:$0x3FAB];
	_ =	sdelay $0x3  }
0x37: {  	[smem:$0x3FAB] =	sst s10  }
0x38: {  	s10 =	sld [smem:$0x3FAC]  }
0x39: {  	_ = 	snop;
	(pc) =	sbr.ind lr, $3  }
0x3a: {  	_ = 	snop  }
0x3b: {  	_ = 	snop  }
0x3c: {  	p2 =	seq.s32 s10, $0x1;
	s10 =	sld [smem:$0x3FAB]  }
0x3d: {  	_ =	shalt  }
0x3e: {  	_ =	shalt  }
0x3f: {  	_ =	shalt  }
0x40: {  	_ =	shalt  }
0x41: {  	_ =	shalt  }
0x42: {  	_ =	shalt  }
0x43: {  	_ =	shalt  }
0x44: {  	_ =	shalt  }
0x45: {  	_ =	shalt  }
0x46: {  	_ =	shalt  }
0x47: {  	_ =	shalt  }
0x48: {  	_ =	shalt  }
0x49: {  	_ =	shalt  }
0x4a: {  	_ =	shalt  }
0x4b: {  	_ =	shalt  }
0x4c: {  	_ =	shalt  }
0x4d: {  	_ =	shalt  }
0x4e: {  	_ =	shalt  }
0x4f: {  	_ =	shalt  }
0x50: {  	_ =	shalt  }
0x51: {  	_ =	shalt  }
0x52: {  	_ =	shalt  }
0x53: {  	_ =	shalt  }
0x54: {  	_ =	shalt  }
0x55: {  	_ =	shalt  }
0x56: {  	_ =	shalt  }
0x57: {  	_ =	shalt  }
0x58: {  	_ =	shalt  }
0x59: {  	_ =	shalt  }
0x5a: {  	_ =	shalt  }
0x5b: {  	_ =	shalt  }
0x5c: {  	_ =	shalt  }
0x5d: {  	_ =	shalt  }
0x5e: {  	_ =	shalt  }
0x5f: {  	_ =	shalt  }
0x60: {  	_ =	shalt  }
0x61: {  	_ =	shalt  }
0x62: {  	_ =	shalt  }
0x63: {  	_ =	shalt  }
0x64: {  	_ =	shalt  }
0x65: {  	_ =	shalt  }
0x66: {  	_ =	shalt  }
0x67: {  	_ =	shalt  }
0x68: {  	_ =	shalt  }
0x69: {  	_ =	shalt  }
0x6a: {  	_ =	shalt  }
0x6b: {  	_ =	shalt  }
0x6c: {  	_ =	shalt  }
0x6d: {  	_ =	shalt  }
0x6e: {  	_ =	shalt  }
0x6f: {  	_ =	shalt  }
0x70: {  	_ =	shalt  }
0x71: {  	_ =	shalt  }
0x72: {  	_ =	shalt  }
0x73: {  	_ =	shalt  }
0x74: {  	_ =	shalt  }
0x75: {  	_ =	shalt  }
0x76: {  	_ =	shalt  }
0x77: {  	_ =	shalt  }
0x78: {  	_ =	shalt  }
0x79: {  	_ =	shalt  }
0x7a: {  	_ =	shalt  }
0x7b: {  	_ =	shalt  }
0x7c: {  	_ =	shalt  }
0x7d: {  	_ =	shalt  }
0x7e: {  	_ =	shalt  }
0x7f: {  	_ =	shalt  }
0x80: {  	_ =	shalt  }
0x81: {  	_ =	shalt  }
0x82: {  	_ =	shalt  }
0x83: {  	_ =	shalt  }
0x84: {  	_ =	shalt  }
0x85: {  	_ =	shalt  }
0x86: {  	_ =	shalt  }
0x87: {  	_ =	shalt  }
.Lfunc_end0:
.L_simem_size_0:
called_computation.1_lowered:
.L_overlay_start_0:
0x88: {  	s2 =	sld [smem:$0x3FD9]  }
0x89: {  	s3 =	sld [smem:$0x3FFE];
	_ =	sdelay $0x1  }
0x8a: {  	s1 =	srdreg.scid  }
0x8b: {  	s0 =	sand.u32 $0x1, s1  }
0x8c: {  	s16 =	sshll.u32 s0, $0xA;
	s2 =	sadd.s32 s3, s2  }
0x8d: {  	s2 =	sadd.s32 s2, s16  }
0x8e: {  	[smem:$0x3FB7] =	sst s2  }
0x8f: {  	_ = 	snop  }
0x90: {  	(tm) =	ssettm $0x1  }
0x91: {  	s17 =	sld [smem:$0x3FFB];
	_ =	sdelay $0x3  }
0x92: {  	_ =	strace s17  }
0x93: {  	s2 =	sld [smem:$0x3FFC];
	_ =	sdelay $0x3  }
0x94: {  	_ =	strace s2  }
0x95: {  	s2 =	sld [smem:$0x3FFD];
	_ =	sdelay $0x3  }
0x96: {  	_ =	strace s2  }
0x97: {  	_ =	strace $0x8FFFFFFF  }
0x98: {  	s18 =	sld [smem:$0x3FDB];
	_ =	sdelay $0x1  }
0x99: {  	s19 =	simm.s32 $_scs_section_size  }
0x9a: {  	s4 =	simm.s32 $_size__tile_overlayer_lowered;
	s5 =	simm.s32 $_tile_overlayer_lowered  }
0x9b: {  	s22 =	simm.s32 $0x1BFF;
	s21 =	sshll.u32 s5, $0x1;
	s2 =	sadd.s32 s19, s18  }
0x9c: {  	s6 =	simm.s32 $0x0;
	s20 =	sshll.u32 s4, $0x1;
	s4 =	sadd.s32 s21, s2  }
0x9d: {  	[timem:s6], [sflag:s22] =	dma.local [hbm:s4], s20  }
0x9e: {  	_ =	swait.ge [sflag:s22], s20  }
0x9f: {  	s3 =	ssub.s32 $0x0, s20;
	[sflag:s22] =	ssyncset.done $0x0  }
0xa0: {  	[sflag:s22] =	ssyncadd.s32 s3;
	_ =	sdelay $0x1  }
0xa1: {  	s23 =	simm.s32 $0x1B8B  }
0xa2: {  	_ =	swait.ge [sflag:s23], $0x1  }
0xa3: {  	[sflag:s23] =	ssyncset.done $0x0  }
0xa4: {  	s25 =	simm.s32 $0x1B8E;
	s24 =	sld [smem:$0x3FFE];
	[sflag:s23] =	ssyncadd.s32 $0xFFFFFFFF  }
0xa5: {  	s26 =	simm.s32 $execute0_lowered;
	[smem:$0x3FD2] =	sst s25  }
0xa6: {  	s4 =	sshll.u32 s26, $0x1;
	_ =	strace $0x80000049;
	[dreg:$0x1] =	wrdreg $0xFFFFFFFF  }
0xa7: {  	s28 =	simm.s32 $_size_execute0_lowered;
	s2 =	sadd.s32 s2, s4;
	[dreg:$0x0] =	wrdreg $0x0  }
0xa8: {  	s4 =	sshll.u32 s28, $0x1;
	[dreg:$0x2] =	wrdreg s2  }
0xa9: {  	[dreg:$0x3] =	wrdreg s4  }
0xaa: {  	[dreg:$0x4] =	wrdreg $0xC0  }
0xab: {  	_ =	task [dreg:s6], $0x5FFFF  }
0xac: {  	[dreg:$0x1] =	wrdreg $0xFFFFFFFF  }
0xad: {  	[dreg:$0x0] =	wrdreg $0x60  }
0xae: {  	[dreg:$0x2] =	wrdreg s24  }
0xaf: {  	[dreg:$0x3] =	wrdreg $0x150000  }
0xb0: {  	[dreg:$0x4] =	wrdreg $0x9  }
0xb1: {  	_ =	task.clear_ibuf [dreg:s6], $0x5FFFF;
	_ =	strace $0x90000049  }
0xb2: {  	s29 =	simm.s32 $0x9;
	_ =	strace $0x8000004B  }
0xb3: {  	_ =	swait.ge [sflag:s29], $0x1  }
0xb4: {  	[sflag:s29] =	ssyncadd.s32 $0xFFFFFFFF  }
0xb5: {  	_ =	strace $0x9000004B  }
0xb6: {  	_ =	sfence  }
0xb7: {  	s30 =	sld [smem:$0x0];
	_ =	sdelay $0x2  }
0xb8: {  	s31 =	sshll.u32 s1, $0xD;
	s1 =	sshrl.u32 s1, $0x2  }
0xb9: {  	s3 =	sand.u32 $0x4000, s31;
	s1 =	sadd.s32 s1, s30  }
0xba: {  	s0 =	sor.u32 s3, s0;
	s1 =	sshll.u32 s1, $0x11  }
0xbb: {  	s0 =	sor.u32 s1, s0  }
0xbc: {  	s0 =	sadd.s32 $0x8F2B, s0  }
0xbd: {  	[sflag:s0] =	ssyncadd.remote.s32 $0x1  }
0xbe: {  	_ =	sfence.sel $0xFFFF  }
0xbf: {  	[dreg:$0x0] =	wrdreg $0xFFFFFFFF;
	(pc) =	sbr.abs _section_cstart, $3  }
0xc0: {  	[dreg:$0x1] =	wrdreg $0xFFFFFFFF  }
0xc1: {  	_ =	task.clear_ibuf [dreg:s6], $0x2FFFF;
	_ =	strace $0x9FFFFFFF  }
0xc2: {  	(tm) =	ssettm $0x7FFFFFFF  }
0xc3: {  	_ =	shalt  }
tec
execute0_lowered:
.L_overlay_start_1:
0x0: {  	(tag) =	ssettag $0x1  }
0x1: {  	s0 =	rddreg [dreg:$0x0]  }
0x2: {  	s1 =	rddreg [dreg:$0x1];
	s3 =	simm.s32 $0x0  }
0x3: {  	s15 =	stileid.u32;
	s6 =	srdreg.scid;
	s13 =	simm.s32 $0x5  }
0x4: {  	s17 =	simm.s32 $0x50;
	s18 =	simm.s32 $0x10000;
	s20 =	simm.s32 $0x12800  }
0x5: {  	s21 =	simm.s32 $0x1;
	s22 =	simm.s32 $0x3;
	s23 =	simm.s32 $0x2  }
0x6: {  	[smem:$0x7FF] =	sst s3;
	s2 =	sshll.u32 s15, $0xC;
	s5 =	smul.u32 $0x1380, s15  }
0x7: {  	s4 =	sadd.s32 $0x15800, s0;
	s6 =	sand.u32 $0x1, s6;
	s10 =	smul.u32 $0x27000, s15  }
0x8: {  	s9 =	sadd.s32 $0x60A00, s0;
	s29 =	smul.u32 $0x138, s15;
	s25 =	sadd.s32 $0x1388, s15  }
0x9: {  	s14 =	sadd.s32 $0x92400, s1;
	p0 =	seq.s32 s15, $0xF;
	_ =	strace $0x8000004A  }
0xa: {  	s2 =	sadd.s32 s2, s0;
	s26 =	ssub.s32 $0x2, s6;
	s24 =	smul.u32 $0x1388, s6  }
0xb: {  	s12 =	smul.u32 $0x9C400, s6;
	s14 =	sshrl.u32 @p0 s14, $0x3;
	v2 =	vmov s25;
	s25 =	simm.s32 $0x4  }
0xc: {  	s7 =	sadd.s32 s5, s0;
	s8 =	sshrl.u32 s26, $0x1;
	s28 =	sadd.s32 $0x5800, s2  }
0xd: {  	s10 =	sshrl.u32 s10, $0x2;
	s2 =	sadd.s32 $0x50A00, s2;
	[dreg:$0x3] =	wrdreg s28  }
0xe: {  	s11 =	ssub.s32 s26, s8;
	s26 =	sadd.s32 $0x1388, s24;
	[dreg:$0x4] =	wrdreg s2  }
0xf: {  	s2 =	sadd.s32 s10, s1;
	s7 =	sadd.s32 $0x3CA00, s7;
	s8 =	sadd.s32 s29, s24  }
0x10: {  	s30 =	sshrl.u32 s12, $0x3;
	s12 =	simm.s32 $0x8000;
	s31 =	sshll.u32 s8, $0x4  }
0x11: {  	s10 =	sadd.s32 s9, s30;
	s8 =	sadd.s32 $0x4EE80, s0;
	s11 =	smax.u32 s11, $0x1  }
0x12: {  	s0 =	sshll.u32 @!p0 s15, $0x6;
	s16 =	sshrl.u32 @!p0 s2, $0x3;
	v1 =	vmov s26;
	s26 =	simm.s32 $0x0  }
0x13: {  	v0 =	vmov s24;
	s9 =	sadd.s32 s9, s31;
	s10 =	sadd.s32 $0x12480, s10;
	s15 =	sor.u32 @!p0 $0x1C05, s0  }
.LBB2_1:
0x14: {  	s0 =	rddreg [dreg:$0x3]  }
0x15: {  	[tilespmem:s12], [sflag:$0x5] =	stream.linear.gather [hbm4b:s0+s3], $0x7D00, $0x38;
	[tilespmem:$0x1ECC0] =	vst v63  }
0x16: {  	_ =	swait.ge [sflag:s13], $0x7D00  }
0x17: {  	[sflag:s13] =	ssyncset.done $0x0  }
0x18: {  	s28 =	simm.s32 $0x0;
	[sflag:s13] =	ssyncadd.s32 $0xFFFF8300  }
0x19: {  	v4 =	vld [tilespmem:s28+$0x8040];
	_ =	sdelay $0x2  }
0x1a: {  	v5 =	vld [tilespmem:s28+$0x8020]  }
0x1b: {  	v6 =	vld [tilespmem:s28+$0x8000]  }
0x1c: {  	vm0 =	vge.s32 v4, v0;
	vm1 =	vlt.s32 v4, v1  }
0x1d: {  	v3 =	vld [tilespmem:s28+$0x8030];
	v7 =	vsub.s32 v4, v0;
	vm0 =	vmand vm0, vm1  }
0x1e: {  	v4 =	vld [tilespmem:s28+$0x8010];
	v7 =	vsel vm0, v7, v2  }
0x1f: {  	s29 =	simm.s32 $0x200;
	vm1 =	vlt.s32 v5, v1;
	vm0 =	vge.s32 v5, v0;
	[tilespmem:s28+$0x8040] =	vst v7  }
.LBB2_2:
0x20: {  	s0 =	sshra.s32 s29, $0x2;
	p1 =	sne.s32 s29, $0x1F200;
	s29 =	sadd.s32 $0x200, s29;
	vm2 =	vlt.s32 v6, v1;
	v7 =	vsub.s32 v6, v0  }
0x21: {  	vm3 =	vge.s32 v6, v0;
	vm0 =	vmand vm0, vm1;
	v5 =	vsub.s32 v5, v0;
	v8 =	vld [tilespmem:s0+$0x8040]  }
0x22: {  	vm1 =	vmand vm3, vm2;
	v5 =	vsel vm0, v5, v2;
	vm0 =	vge.s32 v3, v0  }
0x23: {  	v6 =	vsel vm1, v7, v2;
	vm2 =	vlt.s32 v3, v1;
	vm1 =	vlt.s32 v4, v1;
	[tilespmem:s28+$0x8020] =	vst v5  }
0x24: {  	v3 =	vsub.s32 v3, v0;
	vm3 =	vge.s32 v4, v0;
	vm0 =	vmand vm0, vm2;
	v5 =	vld [tilespmem:s0+$0x8020];
	[tilespmem:s28+$0x8000] =	vst v6  }
.Ltmp0:
0x25: {  	v4 =	vsub.s32 v4, v0;
	vm1 =	vmand vm3, vm1;
	v3 =	vsel vm0, v3, v2;
	v6 =	vld [tilespmem:s0+$0x8000];
	(pc) =	sbr.rel @p1 .LBB2_2-.Ltmp0, $4  }
0x26: {  	v4 =	vsel vm1, v4, v2;
	vm0 =	vge.s32 v8, v0;
	vm2 =	vlt.s32 v8, v1;
	[tilespmem:s28+$0x8030] =	vst v3  }
0x27: {  	v7 =	vsub.s32 v8, v0;
	v3 =	vld [tilespmem:s0+$0x8030];
	vm0 =	vmand vm0, vm2;
	[tilespmem:s28+$0x8010] =	vst v4;
	s28 =	smov.u32 s0  }
0x28: {  	v4 =	vld [tilespmem:s28+$0x8010];
	v7 =	vsel vm0, v7, v2  }
0x29: {  	vm0 =	vge.s32 v5, v0;
	vm1 =	vlt.s32 v5, v1;
	[tilespmem:s28+$0x8040] =	vst v7  }
0x2a: {  	vm2 =	vlt.s32 v6, v1;
	v7 =	vsub.s32 v6, v0  }
0x2b: {  	vm3 =	vge.s32 v6, v0;
	vm0 =	vmand vm0, vm1;
	v5 =	vsub.s32 v5, v0  }
0x2c: {  	vm11 =	vmand vm3, vm2;
	v5 =	vsel vm0, v5, v2;
	vm12 =	vge.s32 v3, v0  }
0x2d: {  	v62 =	vsel vm11, v7, v2;
	vm14 =	vlt.s32 v3, v1;
	v3 =	vsub.s32 v3, v0  }
0x2e: {  	[tilespmem:s28+$0x8020] =	vst v5;
	vm13 =	vlt.s32 v4, v1;
	vm15 =	vge.s32 v4, v0;
	vm0 =	vmand vm12, vm14  }
0x2f: {  	[tilespmem:s28+$0x8000] =	vst v62;
	v63 =	vsub.s32 v4, v0;
	vm1 =	vmand vm15, vm13;
	v3 =	vsel vm0, v3, v2  }
0x30: {  	v4 =	vsel vm1, v63, v2;
	[tilespmem:s28+$0x8030] =	vst v3  }
0x31: {  	s0 =	rddreg [dreg:$0x4];
	[tilespmem:s28+$0x8010] =	vst v4  }
0x32: {  	[tilespmem:s3], [sflag:$0x5] =	stream.linear.gather [hbm4b:s0+s3], $0x7D00, $0x38;
	[tilespmem:$0x1ECC0] =	vst v63  }
0x33: {  	_ =	swait.ge [sflag:s13], $0x7D00  }
0x34: {  	[sflag:s13] =	ssyncset.done $0x0  }
0x35: {  	s0 =	simm.s32 @p0 $0x1FC5;
	[sflag:s13] =	ssyncadd.s32 $0xFFFF8300  }
0x36: {  	[spmem:s14], [sflag:s0] =	dma.local @p0 [hbm:s8], $0x1500  }
0x37: {  	s0 =	simm.s32 @p0 $0x5  }
0x38: {  	_ =	swait.ge @p0 [sflag:s0], $0x1500  }
0x39: {  	[sflag:s0] =	ssyncset.done @p0 $0x0  }
0x3a: {  	[sflag:s0] =	ssyncadd.s32 @p0 $0xFFFFEB00;
	s0 =	simm.s32 @!p0 $0x5  }
0x3b: {  	[spmem:s16], [sflag:s15] =	dma.local @!p0 [hbm:s7], $0x1380  }
0x3c: {  	_ =	swait.ge @!p0 [sflag:s0], $0x1380  }
0x3d: {  	[sflag:s0] =	ssyncset.done @!p0 $0x0  }
0x3e: {  	s19 =	simm.s32 $0x80;
	[sflag:s0] =	ssyncadd.s32 @!p0 $0xFFFFEC80  }
0x3f: {  	[tilespmem:s18], [sflag:$0x1] =	stream.indirect.gather [hbm4b:s4+s17], $0x80, s3, s17, $0xb8;
	[tilespmem:$0x1ECC0] =	vst v63  }
0x40: {  	s24 =	simm.s32 $0x1;
	s2 =	simm.s32 $0x2;
	[bflag:$0x0] =	sbarrier.arrive $0xFFFF  }
0x41: {  	[tilespmem:s20], [sflag:$0x2] =	stream.indirect.gather [hbm4b:s4+s17], $0x80, s19, s17, $0xb8;
	[tilespmem:$0x1ECC0] =	vst v63  }
0x42: {  	s30 =	simm.s32 $0x100;
	s19 =	sand.u32 $0x1, s24;
	_ =	swait.ge [sflag:s21], $0x2800  }
0x43: {  	s2 =	sand.u32 $0x1, s2;
	s0 =	sxor.u32 $0x1, s19;
	[sflag:s21] =	ssyncset.done $0x0  }
0x44: {  	s29 =	smul.u32 $0xA000, s2;
	s0 =	sadd.s32 $0x3, s0;
	[sflag:s21] =	ssyncadd.s32 $0xFFFFD800  }
0x45: {  	[spmem:s1] =	stream.indirect.scatter.add.f32 [tilespmem:s18], [sflag:$0x3], $0x80, s12, s17, $0xb8;
	[tilespmem:$0x1ECC0] =	vst v63  }
0x46: {  	s2 =	sadd.s32 $0x1, s2;
	s29 =	sshrl.u32 s29, $0x2;
	_ =	swait.ge [sflag:s0], $0x2800  }
0x47: {  	s5 =	sor.u32 $0x10000, s29;
	s29 =	simm.s32 $0x3;
	[sflag:s0] =	ssyncset.done $0x0  }
0x48: {  	s31 =	smul.u32 $0xA000, s19;
	s24 =	sadd.s32 $0x1, s19;
	[sflag:s0] =	ssyncadd.s32 $0xFFFFD800  }
0x49: {  	[tilespmem:s5], [sflag:s2] =	stream.indirect.gather [hbm4b:s4+s17], $0x80, s30, s17, $0xb8;
	[tilespmem:$0x1ECC0] =	vst v63  }
0x4a: {  	s28 =	simm.s32 $0x8080;
	s6 =	sshrl.u32 s31, $0x2;
	_ =	swait.ge [sflag:s24], $0x2800  }
0x4b: {  	s31 =	simm.s32 $0x180;
	s0 =	sor.u32 $0x10000, s6;
	[sflag:s24] =	ssyncset.done $0x0  }
0x4c: {  	s30 =	simm.s32 $0x8100;
	s2 =	sadd.s32 $0x3, s19;
	[sflag:s24] =	ssyncadd.s32 $0xFFFFD800  }
.LBB2_4:
0x4d: {  	[spmem:s1] =	stream.indirect.scatter.add.f32 [tilespmem:s0], [sflag:s2], $0x80, s28, s17, $0xb8;
	[tilespmem:$0x1ECC0] =	vst v63  }
0x4e: {  	s0 =	smov.u32 s29;
	s28 =	smov.u32 s30  }
0x4f: {  	p1 =	sne.s32 s29, $0xF9;
	s29 =	sadd.s32 $0x1, s29;
	s2 =	sadd.s32 $0xFFFFFFFF, s0  }
0x50: {  	s2 =	sand.u32 $0x1, s2  }
0x51: {  	s0 =	sand.u32 $0x1, s0;
	s19 =	sxor.u32 $0x1, s2;
	s24 =	smul.u32 $0xA000, s2  }
0x52: {  	s5 =	smul.u32 $0xA000, s0;
	s19 =	sadd.s32 $0x3, s19  }
0x53: {  	s0 =	sadd.s32 $0x1, s0;
	_ =	swait.ge [sflag:s19], $0x2800;
	s24 =	sshrl.u32 s24, $0x2  }
0x54: {  	s6 =	sadd.s32 $0x1, s2;
	s5 =	sshrl.u32 s5, $0x2;
	[sflag:s19] =	ssyncset.done $0x0  }
.Ltmp1:
0x55: {  	s5 =	sor.u32 $0x10000, s5;
	[sflag:s19] =	ssyncadd.s32 $0xFFFFD800;
	(pc) =	sbr.rel @p1 .LBB2_4-.Ltmp1, $4  }
0x56: {  	[tilespmem:s5], [sflag:s0] =	stream.indirect.gather [hbm4b:s4+s17], $0x80, s31, s17, $0xb8;
	[tilespmem:$0x1ECC0] =	vst v63  }
0x57: {  	_ =	swait.ge [sflag:s6], $0x2800  }
0x58: {  	s30 =	sadd.s32 $0x80, s30;
	s31 =	sadd.s32 $0x80, s31;
	[sflag:s6] =	ssyncset.done $0x0  }
0x59: {  	s2 =	sadd.s32 $0x3, s2;
	s0 =	sor.u32 $0x10000, s24;
	[sflag:s6] =	ssyncadd.s32 $0xFFFFD800  }
0x5a: {  	[spmem:s1] =	stream.indirect.scatter.add.f32 [tilespmem:s0], [sflag:s2], $0x80, s28, s17, $0xb8;
	[tilespmem:$0x1ECC0] =	vst v63  }
0x5b: {  	_ =	swait.ge [sflag:s22], $0x2800  }
0x5c: {  	[sflag:s22] =	ssyncset.done $0x0  }
0x5d: {  	[sflag:s22] =	ssyncadd.s32 $0xFFFFD800  }
0x5e: {  	_ =	swait.ge [sflag:s23], $0x2800  }
0x5f: {  	[sflag:s23] =	ssyncset.done $0x0  }
0x60: {  	s31 =	simm.s32 $0xFC80;
	[sflag:s23] =	ssyncadd.s32 $0xFFFFD800  }
0x61: {  	[spmem:s1] =	stream.indirect.scatter.add.f32 [tilespmem:s20], [sflag:$0x4], $0x80, s31, s17, $0xb8;
	[tilespmem:$0x1ECC0] =	vst v63  }
0x62: {  	_ =	swait.ge [sflag:s25], $0x2800  }
0x63: {  	[sflag:s25] =	ssyncset.done $0x0  }
0x64: {  	[sflag:s25] =	ssyncadd.s32 $0xFFFFD800  }
0x65: {  	s0 =	simm.s32 @p0 $0x1FC5;
	[bflag:$0x0] =	sbarrier.arrive $0xFFFF  }
0x66: {  	[hbm:s10], [sflag:s0] =	dma.local @p0 [spmem:s14], $0x1400  }
0x67: {  	s0 =	simm.s32 @p0 $0x5  }
0x68: {  	s26 =	sadd.s32 $0x1, s26;
	_ =	swait.ge @p0 [sflag:s0], $0x1400  }
0x69: {  	p1 =	sne.s32 s26, s11;
	[sflag:s0] =	ssyncset.done @p0 $0x0  }
.Ltmp2:
0x6a: {  	[sflag:s0] =	ssyncadd.s32 @p0 $0xFFFFEC00;
	s0 =	simm.s32 @!p0 $0x5;
	(pc) =	sbr.rel @p1 .LBB2_1-.Ltmp2, $4  }
0x6b: {  	[hbm:s9], [sflag:s15] =	dma.local @!p0 [spmem:s16], $0x1380  }
0x6c: {  	_ =	swait.ge @!p0 [sflag:s0], $0x1380  }
0x6d: {  	[sflag:s0] =	ssyncset.done @!p0 $0x0  }
0x6e: {  	[sflag:s0] =	ssyncadd.s32 @!p0 $0xFFFFEC80  }
0x6f: {  	_ =	sfence.sel $0x180000  }
0x70: {  	[bflag:$0x0] =	sbarrier.arrive $0xFFFF  }
0x71: {  	_ =	strace $0x9000004A  }
0x72: {  	s0 =	stileid.u32;
	[bflag:$0x2] =	sbarrier.arrive $0xFFFF  }
0x73: {  	p0 =	sne.s32 s0, $0x0;
	s0 =	rddreg [dreg:$0x2]  }
0x74: {  	s0 =	sadd.s32 @!p0 $0x100000, s0  }
0x75: {  	[sflag:s0] =	ssyncadd.tile.s32 @!p0 $0x1;
	_ =	shalt  }
.Lfunc_end2:
_tile_overlayer_lowered:
.L_overlay_start_2:
0x76: {  	(tag) =	ssettag $0x2  }
0x77: {  	s0 =	rddreg [dreg:$0x0];
	s2 =	stileid.u32  }
0x78: {  	s1 =	rddreg [dreg:$0x1];
	p0 =	sne.s32 s2, $0x0  }
0x79: {  	s3 =	rddreg [dreg:$0x2];
	[bflag:$0x3] =	sbarrier.arrive $0xFFFF;
	s2 =	simm.s32 @!p0 $0x1C05  }
0x7a: {  	[timem:s3], [sflag:s2] =	dma.local @!p0 [hbm:s0], s1  }
0x7b: {  	s0 =	simm.s32 @!p0 $0x5  }
0x7c: {  	_ =	swait.ge @!p0 [sflag:s0], s1  }
0x7d: {  	s1 =	ssub.s32 @!p0 $0x0, s1;
	[sflag:s0] =	ssyncset.done @!p0 $0x0  }
0x7e: {  	[sflag:s0] =	ssyncadd.s32 @!p0 s1  }
0x7f: {  	[bflag:$0x3] =	sbarrier.arrive $0xFFFF  }
0x80: {  	_ =	shalt  }

// kernel: kernel.19.cloned.1.call-start
scs
__scs_entry_jumppad:
0x0: {  	(pc) =	sbr.rel $0x88, $3  }
0x1: {  	(tag) =	ssettag $0x0;
	lr =	simm.s32 $0x1  }
0x2: {  	[smem:$0x3F90] =	sst lr;
	_ =	strace $0xD0000000  }
0x3: {  	_ = 	snop  }
0x4: {  	_ = 	snop  }
0x5: {  	_ = 	snop  }
0x6: {  	_ = 	snop  }
0x7: {  	_ = 	snop  }
__scs_overlays_trampoline_lowered:
0x8: {  	[smem:$0x3F9F] =	sst s0  }
0x9: {  	[smem:$0x3FA0] =	sst s1  }
0xa: {  	[smem:$0x3FA1] =	sst s2  }
0xb: {  	[smem:$0x3FA2] =	sst s3  }
0xc: {  	[smem:$0x3FA3] =	sst s4  }
0xd: {  	[smem:$0x3FA4] =	sst s5  }
0xe: {  	[smem:$0x3FA5] =	sst s6  }
0xf: {  	[smem:$0x3FA6] =	sst s7  }
0x10: {  	[smem:$0x3FA7] =	sst s8  }
0x11: {  	[smem:$0x3FA8] =	sst s9;
	s0 =	simm.s32 @!p0 $0x0  }
0x12: {  	s1 =	sld [smem:$0x3F8E];
	s0 =	simm.s32 @p0 $0x1  }
0x13: {  	[smem:$0x3FA9] =	sst s0;
	s0 =	simm.s32 @!p1 $0x0  }
0x14: {  	s2 =	sld [smem:$0x3F8D];
	s0 =	simm.s32 @p1 $0x1  }
0x15: {  	[smem:$0x3FAA] =	sst s0;
	s0 =	simm.s32 @!p2 $0x0  }
0x16: {  	s3 =	sld [smem:$0x3FDB];
	s0 =	simm.s32 @p2 $0x1  }
0x17: {  	s4 =	simm.s32 $0x1BF5;
	[smem:$0x3FAC] =	sst s0  }
0x18: {  	s0 =	sld [smem:$0x3F8F];
	_ =	swait.ge [sflag:s4], $0x0  }
0x19: {  	s7 =	sld [smem:$0x3F90]  }
0x1a: {  	s8 =	sadd.s32 $0xFFFFE003, lr  }
0x1b: {  	s9 =	sadd.s32 $0xFFFFFEF7, lr;
	s5 =	simm.s32 $0xFFFFFFFF;
	p2 =	slt.u32 s8, $0xFFFFF086  }
0x1c: {  	p1 =	slt.u32 s9, $0xF7A;
	s5 =	simm.s32 @!p2 $0x0  }
0x1d: {  	s5 =	simm.s32 @p1 $0x1;
	p0 =	seq.s32 s7, s2  }
0x1e: {  	s7 =	smul.u32 @!p0 $0xF7A, s2;
	p2 =	seq.s32 @!p0 s5, $0x0  }
0x1f: {  	s9 =	smul.u32 $0xF7A, s1;
	s8 =	simm.s32 @!p0 $0x1BF5;
	p2 =	por !p2, p0  }
0x20: {  	[sflag:s8] =	ssyncset.s32 @!p0 $0xFFFFF086;
	s6 =	sadd.s32 @!p0 s3, s7;
	s7 =	simm.s32 @!p0 $0x108  }
0x21: {  	s3 =	sadd.s32 s3, s9;
	s6 =	sadd.s32 @!p0 $0x88, s6;
	s7 =	simm.s32 @p2 $0x1082  }
0x22: {  	[simem:s7], [sflag:s8] =	dma.local @!p0 [hbm:s6], $0xF7A  }
0x23: {  	s9 =	sor.u32 $0xD0000000, s2;
	s6 =	simm.s32 $0x108;
	_ =	swait.ge @!p0 [sflag:s8], $0x0  }
0x24: {  	s3 =	sadd.s32 $0x88, s3;
	s6 =	simm.s32 @!p1 $0x1082;
	[sflag:s4] =	ssyncset.s32 $0xFFFFF086  }
0x25: {  	[simem:s6], [sflag:s4] =	dma.local [hbm:s3], $0xF7A  }
0x26: {  	[smem:$0x3F90] =	sst s1;
	(tag) =	ssettag s2;
	_ =	strace s9  }
0x27: {  	s1 =	sld [smem:$0x3FA0]  }
0x28: {  	s2 =	sld [smem:$0x3FA1]  }
0x29: {  	s4 =	sld [smem:$0x3FA3]  }
0x2a: {  	p0 =	seq.s32 s5, $0x0;
	s5 =	sld [smem:$0x3FA4]  }
0x2b: {  	s6 =	sld [smem:$0x3FA5]  }
0x2c: {  	s7 =	sld [smem:$0x3FA6]  }
0x2d: {  	s3 =	simm.s32 $0x108;
	s8 =	sld [smem:$0x3FA7]  }
0x2e: {  	s3 =	simm.s32 @!p0 $0x1082;
	s9 =	sld [smem:$0x3FA8]  }
0x2f: {  	lr =	sadd.s32 s0, s3;
	s0 =	sld [smem:$0x3F9F]  }
0x30: {  	s3 =	sld [smem:$0x3FA2]  }
0x31: {  	[smem:$0x3FAB] =	sst s10  }
0x32: {  	s10 =	sld [smem:$0x3FA9];
	_ =	sdelay $0x3  }
0x33: {  	p0 =	seq.s32 s10, $0x1;
	s10 =	sld [smem:$0x3FAB];
	_ =	sdelay $0x3  }
0x34: {  	[smem:$0x3FAB] =	sst s10  }
0x35: {  	s10 =	sld [smem:$0x3FAA];
	_ =	sdelay $0x3  }
0x36: {  	p1 =	seq.s32 s10, $0x1;
	s10 =	sld [smem:$0x3FAB];
	_ =	sdelay $0x3  }
0x37: {  	[smem:$0x3FAB] =	sst s10  }
0x38: {  	s10 =	sld [smem:$0x3FAC]  }
0x39: {  	_ = 	snop;
	(pc) =	sbr.ind lr, $3  }
0x3a: {  	_ = 	snop  }
0x3b: {  	_ = 	snop  }
0x3c: {  	p2 =	seq.s32 s10, $0x1;
	s10 =	sld [smem:$0x3FAB]  }
0x3d: {  	_ =	shalt  }
0x3e: {  	_ =	shalt  }
0x3f: {  	_ =	shalt  }
0x40: {  	_ =	shalt  }
0x41: {  	_ =	shalt  }
0x42: {  	_ =	shalt  }
0x43: {  	_ =	shalt  }
0x44: {  	_ =	shalt  }
0x45: {  	_ =	shalt  }
0x46: {  	_ =	shalt  }
0x47: {  	_ =	shalt  }
0x48: {  	_ =	shalt  }
0x49: {  	_ =	shalt  }
0x4a: {  	_ =	shalt  }
0x4b: {  	_ =	shalt  }
0x4c: {  	_ =	shalt  }
0x4d: {  	_ =	shalt  }
0x4e: {  	_ =	shalt  }
0x4f: {  	_ =	shalt  }
0x50: {  	_ =	shalt  }
0x51: {  	_ =	shalt  }
0x52: {  	_ =	shalt  }
0x53: {  	_ =	shalt  }
0x54: {  	_ =	shalt  }
0x55: {  	_ =	shalt  }
0x56: {  	_ =	shalt  }
0x57: {  	_ =	shalt  }
0x58: {  	_ =	shalt  }
0x59: {  	_ =	shalt  }
0x5a: {  	_ =	shalt  }
0x5b: {  	_ =	shalt  }
0x5c: {  	_ =	shalt  }
0x5d: {  	_ =	shalt  }
0x5e: {  	_ =	shalt  }
0x5f: {  	_ =	shalt  }
0x60: {  	_ =	shalt  }
0x61: {  	_ =	shalt  }
0x62: {  	_ =	shalt  }
0x63: {  	_ =	shalt  }
0x64: {  	_ =	shalt  }
0x65: {  	_ =	shalt  }
0x66: {  	_ =	shalt  }
0x67: {  	_ =	shalt  }
0x68: {  	_ =	shalt  }
0x69: {  	_ =	shalt  }
0x6a: {  	_ =	shalt  }
0x6b: {  	_ =	shalt  }
0x6c: {  	_ =	shalt  }
0x6d: {  	_ =	shalt  }
0x6e: {  	_ =	shalt  }
0x6f: {  	_ =	shalt  }
0x70: {  	_ =	shalt  }
0x71: {  	_ =	shalt  }
0x72: {  	_ =	shalt  }
0x73: {  	_ =	shalt  }
0x74: {  	_ =	shalt  }
0x75: {  	_ =	shalt  }
0x76: {  	_ =	shalt  }
0x77: {  	_ =	shalt  }
0x78: {  	_ =	shalt  }
0x79: {  	_ =	shalt  }
0x7a: {  	_ =	shalt  }
0x7b: {  	_ =	shalt  }
0x7c: {  	_ =	shalt  }
0x7d: {  	_ =	shalt  }
0x7e: {  	_ =	shalt  }
0x7f: {  	_ =	shalt  }
0x80: {  	_ =	shalt  }
0x81: {  	_ =	shalt  }
0x82: {  	_ =	shalt  }
0x83: {  	_ =	shalt  }
0x84: {  	_ =	shalt  }
0x85: {  	_ =	shalt  }
0x86: {  	_ =	shalt  }
0x87: {  	_ =	shalt  }
.Lfunc_end0:
.L_simem_size_0:
called_computation.2_lowered:
.L_overlay_start_0:
0x88: {  	s2 =	sld [smem:$0x3FD9]  }
0x89: {  	s3 =	sld [smem:$0x3FFE];
	_ =	sdelay $0x1  }
0x8a: {  	s1 =	srdreg.scid  }
0x8b: {  	s0 =	sand.u32 $0x1, s1  }
0x8c: {  	s16 =	sshll.u32 s0, $0xA;
	s2 =	sadd.s32 s3, s2  }
0x8d: {  	s2 =	sadd.s32 s2, s16  }
0x8e: {  	[smem:$0x3FB7] =	sst s2  }
0x8f: {  	_ = 	snop  }
0x90: {  	(tm) =	ssettm $0x1  }
0x91: {  	s17 =	sld [smem:$0x3FFB];
	_ =	sdelay $0x3  }
0x92: {  	_ =	strace s17  }
0x93: {  	s2 =	sld [smem:$0x3FFC];
	_ =	sdelay $0x3  }
0x94: {  	_ =	strace s2  }
0x95: {  	s2 =	sld [smem:$0x3FFD];
	_ =	sdelay $0x3  }
0x96: {  	_ =	strace s2  }
0x97: {  	_ =	strace $0x8FFFFFFF  }
0x98: {  	s18 =	sld [smem:$0x3FDB];
	_ =	sdelay $0x1  }
0x99: {  	s19 =	simm.s32 $_scs_section_size  }
0x9a: {  	s4 =	simm.s32 $_size__tile_overlayer_lowered;
	s5 =	simm.s32 $_tile_overlayer_lowered  }
0x9b: {  	s22 =	simm.s32 $0x1BFF;
	s21 =	sshll.u32 s5, $0x1;
	s2 =	sadd.s32 s19, s18  }
0x9c: {  	s6 =	simm.s32 $0x0;
	s20 =	sshll.u32 s4, $0x1;
	s4 =	sadd.s32 s21, s2  }
0x9d: {  	[timem:s6], [sflag:s22] =	dma.local [hbm:s4], s20  }
0x9e: {  	_ =	swait.ge [sflag:s22], s20  }
0x9f: {  	s3 =	ssub.s32 $0x0, s20;
	[sflag:s22] =	ssyncset.done $0x0  }
0xa0: {  	[sflag:s22] =	ssyncadd.s32 s3;
	_ =	sdelay $0x1  }
0xa1: {  	s23 =	simm.s32 $0x1B8B  }
0xa2: {  	_ =	swait.ge [sflag:s23], $0x1  }
0xa3: {  	[sflag:s23] =	ssyncset.done $0x0  }
0xa4: {  	s25 =	simm.s32 $0x1B8E;
	s24 =	sld [smem:$0x3FFE];
	[sflag:s23] =	ssyncadd.s32 $0xFFFFFFFF  }
0xa5: {  	s26 =	simm.s32 $execute0_lowered;
	[smem:$0x3FD2] =	sst s25  }
0xa6: {  	s4 =	sshll.u32 s26, $0x1;
	_ =	strace $0x8000004C;
	[dreg:$0x1] =	wrdreg $0xFFFFFFFF  }
0xa7: {  	s28 =	simm.s32 $_size_execute0_lowered;
	s2 =	sadd.s32 s2, s4;
	[dreg:$0x0] =	wrdreg $0x0  }
0xa8: {  	s4 =	sshll.u32 s28, $0x1;
	[dreg:$0x2] =	wrdreg s2  }
0xa9: {  	[dreg:$0x3] =	wrdreg s4  }
0xaa: {  	[dreg:$0x4] =	wrdreg $0xC0  }
0xab: {  	_ =	task [dreg:s6], $0x5FFFF  }
0xac: {  	[dreg:$0x1] =	wrdreg $0xFFFFFFFF  }
0xad: {  	[dreg:$0x0] =	wrdreg $0x60  }
0xae: {  	[dreg:$0x2] =	wrdreg s24  }
0xaf: {  	[dreg:$0x3] =	wrdreg $0x150000  }
0xb0: {  	[dreg:$0x4] =	wrdreg $0x9  }
0xb1: {  	_ =	task.clear_ibuf [dreg:s6], $0x5FFFF;
	_ =	strace $0x9000004C  }
0xb2: {  	s29 =	simm.s32 $0x9;
	_ =	strace $0x8000004E  }
0xb3: {  	_ =	swait.ge [sflag:s29], $0x1  }
0xb4: {  	[sflag:s29] =	ssyncadd.s32 $0xFFFFFFFF  }
0xb5: {  	_ =	strace $0x9000004E  }
0xb6: {  	_ =	sfence  }
0xb7: {  	s30 =	sld [smem:$0x0];
	_ =	sdelay $0x2  }
0xb8: {  	s31 =	sshll.u32 s1, $0xD;
	s1 =	sshrl.u32 s1, $0x2  }
0xb9: {  	s3 =	sand.u32 $0x4000, s31;
	s1 =	sadd.s32 s1, s30  }
0xba: {  	s0 =	sor.u32 s3, s0;
	s1 =	sshll.u32 s1, $0x11  }
0xbb: {  	s0 =	sor.u32 s1, s0  }
0xbc: {  	s0 =	sadd.s32 $0x8F2B, s0  }
0xbd: {  	[sflag:s0] =	ssyncadd.remote.s32 $0x1  }
0xbe: {  	_ =	sfence.sel $0xFFFF  }
0xbf: {  	[dreg:$0x0] =	wrdreg $0xFFFFFFFF;
	(pc) =	sbr.abs _section_cstart, $3  }
0xc0: {  	[dreg:$0x1] =	wrdreg $0xFFFFFFFF  }
0xc1: {  	_ =	task.clear_ibuf [dreg:s6], $0x2FFFF;
	_ =	strace $0x9FFFFFFF  }
0xc2: {  	(tm) =	ssettm $0x7FFFFFFF  }
0xc3: {  	_ =	shalt  }
tec
execute0_lowered:
.L_overlay_start_1:
0x0: {  	(tag) =	ssettag $0x1  }
0x1: {  	s0 =	rddreg [dreg:$0x0]  }
0x2: {  	s1 =	rddreg [dreg:$0x1];
	s3 =	simm.s32 $0x0  }
0x3: {  	s15 =	stileid.u32;
	s6 =	srdreg.scid;
	s13 =	simm.s32 $0x5  }
0x4: {  	s17 =	simm.s32 $0x50;
	s18 =	simm.s32 $0x10000;
	s20 =	simm.s32 $0x12800  }
0x5: {  	s21 =	simm.s32 $0x1;
	s22 =	simm.s32 $0x3;
	s23 =	simm.s32 $0x2  }
0x6: {  	[smem:$0x7FF] =	sst s3;
	s2 =	sshll.u32 s15, $0xC;
	s5 =	smul.u32 $0x1380, s15  }
0x7: {  	s4 =	sadd.s32 $0x15800, s0;
	s6 =	sand.u32 $0x1, s6;
	s10 =	smul.u32 $0x27000, s15  }
0x8: {  	s9 =	sadd.s32 $0x60A00, s0;
	s29 =	smul.u32 $0x138, s15;
	s25 =	sadd.s32 $0x1388, s15  }
0x9: {  	s14 =	sadd.s32 $0x92400, s1;
	p0 =	seq.s32 s15, $0xF;
	_ =	strace $0x8000004D  }
0xa: {  	s2 =	sadd.s32 s2, s0;
	s26 =	ssub.s32 $0x2, s6;
	s24 =	smul.u32 $0x1388, s6  }
0xb: {  	s12 =	smul.u32 $0x9C400, s6;
	s14 =	sshrl.u32 @p0 s14, $0x3;
	v2 =	vmov s25;
	s25 =	simm.s32 $0x4  }
0xc: {  	s7 =	sadd.s32 s5, s0;
	s8 =	sshrl.u32 s26, $0x1;
	s28 =	sadd.s32 $0x5800, s2  }
0xd: {  	s10 =	sshrl.u32 s10, $0x2;
	s2 =	sadd.s32 $0x50A00, s2;
	[dreg:$0x3] =	wrdreg s28  }
0xe: {  	s11 =	ssub.s32 s26, s8;
	s26 =	sadd.s32 $0x1388, s24;
	[dreg:$0x4] =	wrdreg s2  }
0xf: {  	s2 =	sadd.s32 s10, s1;
	s7 =	sadd.s32 $0x3CA00, s7;
	s8 =	sadd.s32 s29, s24  }
0x10: {  	s30 =	sshrl.u32 s12, $0x3;
	s12 =	simm.s32 $0x8000;
	s31 =	sshll.u32 s8, $0x4  }
0x11: {  	s10 =	sadd.s32 s9, s30;
	s8 =	sadd.s32 $0x4EE80, s0;
	s11 =	smax.u32 s11, $0x1  }
0x12: {  	s0 =	sshll.u32 @!p0 s15, $0x6;
	s16 =	sshrl.u32 @!p0 s2, $0x3;
	v1 =	vmov s26;
	s26 =	simm.s32 $0x0  }
0x13: {  	v0 =	vmov s24;
	s9 =	sadd.s32 s9, s31;
	s10 =	sadd.s32 $0x12480, s10;
	s15 =	sor.u32 @!p0 $0x1C05, s0  }
.LBB2_1:
0x14: {  	s0 =	rddreg [dreg:$0x3]  }
0x15: {  	[tilespmem:s12], [sflag:$0x5] =	stream.linear.gather [hbm4b:s0+s3], $0x7D00, $0x38;
	[tilespmem:$0x1ECC0] =	vst v63  }
0x16: {  	_ =	swait.ge [sflag:s13], $0x7D00  }
0x17: {  	[sflag:s13] =	ssyncset.done $0x0  }
0x18: {  	s28 =	simm.s32 $0x0;
	[sflag:s13] =	ssyncadd.s32 $0xFFFF8300  }
0x19: {  	v4 =	vld [tilespmem:s28+$0x8040];
	_ =	sdelay $0x2  }
0x1a: {  	v5 =	vld [tilespmem:s28+$0x8020]  }
0x1b: {  	v6 =	vld [tilespmem:s28+$0x8000]  }
0x1c: {  	vm0 =	vge.s32 v4, v0;
	vm1 =	vlt.s32 v4, v1  }
0x1d: {  	v3 =	vld [tilespmem:s28+$0x8030];
	v7 =	vsub.s32 v4, v0;
	vm0 =	vmand vm0, vm1  }
0x1e: {  	v4 =	vld [tilespmem:s28+$0x8010];
	v7 =	vsel vm0, v7, v2  }
0x1f: {  	s29 =	simm.s32 $0x200;
	vm1 =	vlt.s32 v5, v1;
	vm0 =	vge.s32 v5, v0;
	[tilespmem:s28+$0x8040] =	vst v7  }
.LBB2_2:
0x20: {  	s0 =	sshra.s32 s29, $0x2;
	p1 =	sne.s32 s29, $0x1F200;
	s29 =	sadd.s32 $0x200, s29;
	vm2 =	vlt.s32 v6, v1;
	v7 =	vsub.s32 v6, v0  }
0x21: {  	vm3 =	vge.s32 v6, v0;
	vm0 =	vmand vm0, vm1;
	v5 =	vsub.s32 v5, v0;
	v8 =	vld [tilespmem:s0+$0x8040]  }
0x22: {  	vm1 =	vmand vm3, vm2;
	v5 =	vsel vm0, v5, v2;
	vm0 =	vge.s32 v3, v0  }
0x23: {  	v6 =	vsel vm1, v7, v2;
	vm2 =	vlt.s32 v3, v1;
	vm1 =	vlt.s32 v4, v1;
	[tilespmem:s28+$0x8020] =	vst v5  }
0x24: {  	v3 =	vsub.s32 v3, v0;
	vm3 =	vge.s32 v4, v0;
	vm0 =	vmand vm0, vm2;
	v5 =	vld [tilespmem:s0+$0x8020];
	[tilespmem:s28+$0x8000] =	vst v6  }
.Ltmp0:
0x25: {  	v4 =	vsub.s32 v4, v0;
	vm1 =	vmand vm3, vm1;
	v3 =	vsel vm0, v3, v2;
	v6 =	vld [tilespmem:s0+$0x8000];
	(pc) =	sbr.rel @p1 .LBB2_2-.Ltmp0, $4  }
0x26: {  	v4 =	vsel vm1, v4, v2;
	vm0 =	vge.s32 v8, v0;
	vm2 =	vlt.s32 v8, v1;
	[tilespmem:s28+$0x8030] =	vst v3  }
0x27: {  	v7 =	vsub.s32 v8, v0;
	v3 =	vld [tilespmem:s0+$0x8030];
	vm0 =	vmand vm0, vm2;
	[tilespmem:s28+$0x8010] =	vst v4;
	s28 =	smov.u32 s0  }
0x28: {  	v4 =	vld [tilespmem:s28+$0x8010];
	v7 =	vsel vm0, v7, v2  }
0x29: {  	vm0 =	vge.s32 v5, v0;
	vm1 =	vlt.s32 v5, v1;
	[tilespmem:s28+$0x8040] =	vst v7  }
0x2a: {  	vm2 =	vlt.s32 v6, v1;
	v7 =	vsub.s32 v6, v0  }
0x2b: {  	vm3 =	vge.s32 v6, v0;
	vm0 =	vmand vm0, vm1;
	v5 =	vsub.s32 v5, v0  }
0x2c: {  	vm11 =	vmand vm3, vm2;
	v5 =	vsel vm0, v5, v2;
	vm12 =	vge.s32 v3, v0  }
0x2d: {  	v62 =	vsel vm11, v7, v2;
	vm14 =	vlt.s32 v3, v1;
	v3 =	vsub.s32 v3, v0  }
0x2e: {  	[tilespmem:s28+$0x8020] =	vst v5;
	vm13 =	vlt.s32 v4, v1;
	vm15 =	vge.s32 v4, v0;
	vm0 =	vmand vm12, vm14  }
0x2f: {  	[tilespmem:s28+$0x8000] =	vst v62;
	v63 =	vsub.s32 v4, v0;
	vm1 =	vmand vm15, vm13;
	v3 =	vsel vm0, v3, v2  }
0x30: {  	v4 =	vsel vm1, v63, v2;
	[tilespmem:s28+$0x8030] =	vst v3  }
0x31: {  	s0 =	rddreg [dreg:$0x4];
	[tilespmem:s28+$0x8010] =	vst v4  }
0x32: {  	[tilespmem:s3], [sflag:$0x5] =	stream.linear.gather [hbm4b:s0+s3], $0x7D00, $0x38;
	[tilespmem:$0x1ECC0] =	vst v63  }
0x33: {  	_ =	swait.ge [sflag:s13], $0x7D00  }
0x34: {  	[sflag:s13] =	ssyncset.done $0x0  }
0x35: {  	s0 =	simm.s32 @p0 $0x1FC5;
	[sflag:s13] =	ssyncadd.s32 $0xFFFF8300  }
0x36: {  	[spmem:s14], [sflag:s0] =	dma.local @p0 [hbm:s8], $0x1500  }
0x37: {  	s0 =	simm.s32 @p0 $0x5  }
0x38: {  	_ =	swait.ge @p0 [sflag:s0], $0x1500  }
0x39: {  	[sflag:s0] =	ssyncset.done @p0 $0x0  }
0x3a: {  	[sflag:s0] =	ssyncadd.s32 @p0 $0xFFFFEB00;
	s0 =	simm.s32 @!p0 $0x5  }
0x3b: {  	[spmem:s16], [sflag:s15] =	dma.local @!p0 [hbm:s7], $0x1380  }
0x3c: {  	_ =	swait.ge @!p0 [sflag:s0], $0x1380  }
0x3d: {  	[sflag:s0] =	ssyncset.done @!p0 $0x0  }
0x3e: {  	s19 =	simm.s32 $0x80;
	[sflag:s0] =	ssyncadd.s32 @!p0 $0xFFFFEC80  }
0x3f: {  	[tilespmem:s18], [sflag:$0x1] =	stream.indirect.gather [hbm4b:s4+s17], $0x80, s3, s17, $0xb8;
	[tilespmem:$0x1ECC0] =	vst v63  }
0x40: {  	s24 =	simm.s32 $0x1;
	s2 =	simm.s32 $0x2;
	[bflag:$0x0] =	sbarrier.arrive $0xFFFF  }
0x41: {  	[tilespmem:s20], [sflag:$0x2] =	stream.indirect.gather [hbm4b:s4+s17], $0x80, s19, s17, $0xb8;
	[tilespmem:$0x1ECC0] =	vst v63  }
0x42: {  	s30 =	simm.s32 $0x100;
	s19 =	sand.u32 $0x1, s24;
	_ =	swait.ge [sflag:s21], $0x2800  }
0x43: {  	s2 =	sand.u32 $0x1, s2;
	s0 =	sxor.u32 $0x1, s19;
	[sflag:s21] =	ssyncset.done $0x0  }
0x44: {  	s29 =	smul.u32 $0xA000, s2;
	s0 =	sadd.s32 $0x3, s0;
	[sflag:s21] =	ssyncadd.s32 $0xFFFFD800  }
0x45: {  	[spmem:s1] =	stream.indirect.scatter.add.f32 [tilespmem:s18], [sflag:$0x3], $0x80, s12, s17, $0xb8;
	[tilespmem:$0x1ECC0] =	vst v63  }
0x46: {  	s2 =	sadd.s32 $0x1, s2;
	s29 =	sshrl.u32 s29, $0x2;
	_ =	swait.ge [sflag:s0], $0x2800  }
0x47: {  	s5 =	sor.u32 $0x10000, s29;
	s29 =	simm.s32 $0x3;
	[sflag:s0] =	ssyncset.done $0x0  }
0x48: {  	s31 =	smul.u32 $0xA000, s19;
	s24 =	sadd.s32 $0x1, s19;
	[sflag:s0] =	ssyncadd.s32 $0xFFFFD800  }
0x49: {  	[tilespmem:s5], [sflag:s2] =	stream.indirect.gather [hbm4b:s4+s17], $0x80, s30, s17, $0xb8;
	[tilespmem:$0x1ECC0] =	vst v63  }
0x4a: {  	s28 =	simm.s32 $0x8080;
	s6 =	sshrl.u32 s31, $0x2;
	_ =	swait.ge [sflag:s24], $0x2800  }
0x4b: {  	s31 =	simm.s32 $0x180;
	s0 =	sor.u32 $0x10000, s6;
	[sflag:s24] =	ssyncset.done $0x0  }
0x4c: {  	s30 =	simm.s32 $0x8100;
	s2 =	sadd.s32 $0x3, s19;
	[sflag:s24] =	ssyncadd.s32 $0xFFFFD800  }
.LBB2_4:
0x4d: {  	[spmem:s1] =	stream.indirect.scatter.add.f32 [tilespmem:s0], [sflag:s2], $0x80, s28, s17, $0xb8;
	[tilespmem:$0x1ECC0] =	vst v63  }
0x4e: {  	s0 =	smov.u32 s29;
	s28 =	smov.u32 s30  }
0x4f: {  	p1 =	sne.s32 s29, $0xF9;
	s29 =	sadd.s32 $0x1, s29;
	s2 =	sadd.s32 $0xFFFFFFFF, s0  }
0x50: {  	s2 =	sand.u32 $0x1, s2  }
0x51: {  	s0 =	sand.u32 $0x1, s0;
	s19 =	sxor.u32 $0x1, s2;
	s24 =	smul.u32 $0xA000, s2  }
0x52: {  	s5 =	smul.u32 $0xA000, s0;
	s19 =	sadd.s32 $0x3, s19  }
0x53: {  	s0 =	sadd.s32 $0x1, s0;
	_ =	swait.ge [sflag:s19], $0x2800;
	s24 =	sshrl.u32 s24, $0x2  }
0x54: {  	s6 =	sadd.s32 $0x1, s2;
	s5 =	sshrl.u32 s5, $0x2;
	[sflag:s19] =	ssyncset.done $0x0  }
.Ltmp1:
0x55: {  	s5 =	sor.u32 $0x10000, s5;
	[sflag:s19] =	ssyncadd.s32 $0xFFFFD800;
	(pc) =	sbr.rel @p1 .LBB2_4-.Ltmp1, $4  }
0x56: {  	[tilespmem:s5], [sflag:s0] =	stream.indirect.gather [hbm4b:s4+s17], $0x80, s31, s17, $0xb8;
	[tilespmem:$0x1ECC0] =	vst v63  }
0x57: {  	_ =	swait.ge [sflag:s6], $0x2800  }
0x58: {  	s30 =	sadd.s32 $0x80, s30;
	s31 =	sadd.s32 $0x80, s31;
	[sflag:s6] =	ssyncset.done $0x0  }
0x59: {  	s2 =	sadd.s32 $0x3, s2;
	s0 =	sor.u32 $0x10000, s24;
	[sflag:s6] =	ssyncadd.s32 $0xFFFFD800  }
0x5a: {  	[spmem:s1] =	stream.indirect.scatter.add.f32 [tilespmem:s0], [sflag:s2], $0x80, s28, s17, $0xb8;
	[tilespmem:$0x1ECC0] =	vst v63  }
0x5b: {  	_ =	swait.ge [sflag:s22], $0x2800  }
0x5c: {  	[sflag:s22] =	ssyncset.done $0x0  }
0x5d: {  	[sflag:s22] =	ssyncadd.s32 $0xFFFFD800  }
0x5e: {  	_ =	swait.ge [sflag:s23], $0x2800  }
0x5f: {  	[sflag:s23] =	ssyncset.done $0x0  }
0x60: {  	s31 =	simm.s32 $0xFC80;
	[sflag:s23] =	ssyncadd.s32 $0xFFFFD800  }
0x61: {  	[spmem:s1] =	stream.indirect.scatter.add.f32 [tilespmem:s20], [sflag:$0x4], $0x80, s31, s17, $0xb8;
	[tilespmem:$0x1ECC0] =	vst v63  }
0x62: {  	_ =	swait.ge [sflag:s25], $0x2800  }
0x63: {  	[sflag:s25] =	ssyncset.done $0x0  }
0x64: {  	[sflag:s25] =	ssyncadd.s32 $0xFFFFD800  }
0x65: {  	s0 =	simm.s32 @p0 $0x1FC5;
	[bflag:$0x0] =	sbarrier.arrive $0xFFFF  }
0x66: {  	[hbm:s10], [sflag:s0] =	dma.local @p0 [spmem:s14], $0x1400  }
0x67: {  	s0 =	simm.s32 @p0 $0x5  }
0x68: {  	s26 =	sadd.s32 $0x1, s26;
	_ =	swait.ge @p0 [sflag:s0], $0x1400  }
0x69: {  	p1 =	sne.s32 s26, s11;
	[sflag:s0] =	ssyncset.done @p0 $0x0  }
.Ltmp2:
0x6a: {  	[sflag:s0] =	ssyncadd.s32 @p0 $0xFFFFEC00;
	s0 =	simm.s32 @!p0 $0x5;
	(pc) =	sbr.rel @p1 .LBB2_1-.Ltmp2, $4  }
0x6b: {  	[hbm:s9], [sflag:s15] =	dma.local @!p0 [spmem:s16], $0x1380  }
0x6c: {  	_ =	swait.ge @!p0 [sflag:s0], $0x1380  }
0x6d: {  	[sflag:s0] =	ssyncset.done @!p0 $0x0  }
0x6e: {  	[sflag:s0] =	ssyncadd.s32 @!p0 $0xFFFFEC80  }
0x6f: {  	_ =	sfence.sel $0x180000  }
0x70: {  	[bflag:$0x0] =	sbarrier.arrive $0xFFFF  }
0x71: {  	_ =	strace $0x9000004D  }
0x72: {  	s0 =	stileid.u32;
	[bflag:$0x2] =	sbarrier.arrive $0xFFFF  }
0x73: {  	p0 =	sne.s32 s0, $0x0;
	s0 =	rddreg [dreg:$0x2]  }
0x74: {  	s0 =	sadd.s32 @!p0 $0x100000, s0  }
0x75: {  	[sflag:s0] =	ssyncadd.tile.s32 @!p0 $0x1;
	_ =	shalt  }
.Lfunc_end2:
_tile_overlayer_lowered:
.L_overlay_start_2:
0x76: {  	(tag) =	ssettag $0x2  }
0x77: {  	s0 =	rddreg [dreg:$0x0];
	s2 =	stileid.u32  }
0x78: {  	s1 =	rddreg [dreg:$0x1];
	p0 =	sne.s32 s2, $0x0  }
0x79: {  	s3 =	rddreg [dreg:$0x2];
	[bflag:$0x3] =	sbarrier.arrive $0xFFFF;
	s2 =	simm.s32 @!p0 $0x1C05  }
0x7a: {  	[timem:s3], [sflag:s2] =	dma.local @!p0 [hbm:s0], s1  }
0x7b: {  	s0 =	simm.s32 @!p0 $0x5  }
0x7c: {  	_ =	swait.ge @!p0 [sflag:s0], s1  }
0x7d: {  	s1 =	ssub.s32 @!p0 $0x0, s1;
	[sflag:s0] =	ssyncset.done @!p0 $0x0  }
0x7e: {  	[sflag:s0] =	ssyncadd.s32 @!p0 s1  }
0x7f: {  	[bflag:$0x3] =	sbarrier.arrive $0xFFFF  }
0x80: {  	_ =	shalt  }

// kernel: kernel.22.cloned.1.call-start
scs
__scs_entry_jumppad:
0x0: {  	(pc) =	sbr.rel $0x88, $3  }
0x1: {  	(tag) =	ssettag $0x0;
	lr =	simm.s32 $0x1  }
0x2: {  	[smem:$0x3F90] =	sst lr;
	_ =	strace $0xD0000000  }
0x3: {  	_ = 	snop  }
0x4: {  	_ = 	snop  }
0x5: {  	_ = 	snop  }
0x6: {  	_ = 	snop  }
0x7: {  	_ = 	snop  }
__scs_overlays_trampoline_lowered:
0x8: {  	[smem:$0x3F9F] =	sst s0  }
0x9: {  	[smem:$0x3FA0] =	sst s1  }
0xa: {  	[smem:$0x3FA1] =	sst s2  }
0xb: {  	[smem:$0x3FA2] =	sst s3  }
0xc: {  	[smem:$0x3FA3] =	sst s4  }
0xd: {  	[smem:$0x3FA4] =	sst s5  }
0xe: {  	[smem:$0x3FA5] =	sst s6  }
0xf: {  	[smem:$0x3FA6] =	sst s7  }
0x10: {  	[smem:$0x3FA7] =	sst s8  }
0x11: {  	[smem:$0x3FA8] =	sst s9;
	s0 =	simm.s32 @!p0 $0x0  }
0x12: {  	s1 =	sld [smem:$0x3F8E];
	s0 =	simm.s32 @p0 $0x1  }
0x13: {  	[smem:$0x3FA9] =	sst s0;
	s0 =	simm.s32 @!p1 $0x0  }
0x14: {  	s2 =	sld [smem:$0x3F8D];
	s0 =	simm.s32 @p1 $0x1  }
0x15: {  	[smem:$0x3FAA] =	sst s0;
	s0 =	simm.s32 @!p2 $0x0  }
0x16: {  	s3 =	sld [smem:$0x3FDB];
	s0 =	simm.s32 @p2 $0x1  }
0x17: {  	s4 =	simm.s32 $0x1BF5;
	[smem:$0x3FAC] =	sst s0  }
0x18: {  	s0 =	sld [smem:$0x3F8F];
	_ =	swait.ge [sflag:s4], $0x0  }
0x19: {  	s7 =	sld [smem:$0x3F90]  }
0x1a: {  	s8 =	sadd.s32 $0xFFFFE003, lr  }
0x1b: {  	s9 =	sadd.s32 $0xFFFFFEF7, lr;
	s5 =	simm.s32 $0xFFFFFFFF;
	p2 =	slt.u32 s8, $0xFFFFF086  }
0x1c: {  	p1 =	slt.u32 s9, $0xF7A;
	s5 =	simm.s32 @!p2 $0x0  }
0x1d: {  	s5 =	simm.s32 @p1 $0x1;
	p0 =	seq.s32 s7, s2  }
0x1e: {  	s7 =	smul.u32 @!p0 $0xF7A, s2;
	p2 =	seq.s32 @!p0 s5, $0x0  }
0x1f: {  	s9 =	smul.u32 $0xF7A, s1;
	s8 =	simm.s32 @!p0 $0x1BF5;
	p2 =	por !p2, p0  }
0x20: {  	[sflag:s8] =	ssyncset.s32 @!p0 $0xFFFFF086;
	s6 =	sadd.s32 @!p0 s3, s7;
	s7 =	simm.s32 @!p0 $0x108  }
0x21: {  	s3 =	sadd.s32 s3, s9;
	s6 =	sadd.s32 @!p0 $0x88, s6;
	s7 =	simm.s32 @p2 $0x1082  }
0x22: {  	[simem:s7], [sflag:s8] =	dma.local @!p0 [hbm:s6], $0xF7A  }
0x23: {  	s9 =	sor.u32 $0xD0000000, s2;
	s6 =	simm.s32 $0x108;
	_ =	swait.ge @!p0 [sflag:s8], $0x0  }
0x24: {  	s3 =	sadd.s32 $0x88, s3;
	s6 =	simm.s32 @!p1 $0x1082;
	[sflag:s4] =	ssyncset.s32 $0xFFFFF086  }
0x25: {  	[simem:s6], [sflag:s4] =	dma.local [hbm:s3], $0xF7A  }
0x26: {  	[smem:$0x3F90] =	sst s1;
	(tag) =	ssettag s2;
	_ =	strace s9  }
0x27: {  	s1 =	sld [smem:$0x3FA0]  }
0x28: {  	s2 =	sld [smem:$0x3FA1]  }
0x29: {  	s4 =	sld [smem:$0x3FA3]  }
0x2a: {  	p0 =	seq.s32 s5, $0x0;
	s5 =	sld [smem:$0x3FA4]  }
0x2b: {  	s6 =	sld [smem:$0x3FA5]  }
0x2c: {  	s7 =	sld [smem:$0x3FA6]  }
0x2d: {  	s3 =	simm.s32 $0x108;
	s8 =	sld [smem:$0x3FA7]  }
0x2e: {  	s3 =	simm.s32 @!p0 $0x1082;
	s9 =	sld [smem:$0x3FA8]  }
0x2f: {  	lr =	sadd.s32 s0, s3;
	s0 =	sld [smem:$0x3F9F]  }
0x30: {  	s3 =	sld [smem:$0x3FA2]  }
0x31: {  	[smem:$0x3FAB] =	sst s10  }
0x32: {  	s10 =	sld [smem:$0x3FA9];
	_ =	sdelay $0x3  }
0x33: {  	p0 =	seq.s32 s10, $0x1;
	s10 =	sld [smem:$0x3FAB];
	_ =	sdelay $0x3  }
0x34: {  	[smem:$0x3FAB] =	sst s10  }
0x35: {  	s10 =	sld [smem:$0x3FAA];
	_ =	sdelay $0x3  }
0x36: {  	p1 =	seq.s32 s10, $0x1;
	s10 =	sld [smem:$0x3FAB];
	_ =	sdelay $0x3  }
0x37: {  	[smem:$0x3FAB] =	sst s10  }
0x38: {  	s10 =	sld [smem:$0x3FAC]  }
0x39: {  	_ = 	snop;
	(pc) =	sbr.ind lr, $3  }
0x3a: {  	_ = 	snop  }
0x3b: {  	_ = 	snop  }
0x3c: {  	p2 =	seq.s32 s10, $0x1;
	s10 =	sld [smem:$0x3FAB]  }
0x3d: {  	_ =	shalt  }
0x3e: {  	_ =	shalt  }
0x3f: {  	_ =	shalt  }
0x40: {  	_ =	shalt  }
0x41: {  	_ =	shalt  }
0x42: {  	_ =	shalt  }
0x43: {  	_ =	shalt  }
0x44: {  	_ =	shalt  }
0x45: {  	_ =	shalt  }
0x46: {  	_ =	shalt  }
0x47: {  	_ =	shalt  }
0x48: {  	_ =	shalt  }
0x49: {  	_ =	shalt  }
0x4a: {  	_ =	shalt  }
0x4b: {  	_ =	shalt  }
0x4c: {  	_ =	shalt  }
0x4d: {  	_ =	shalt  }
0x4e: {  	_ =	shalt  }
0x4f: {  	_ =	shalt  }
0x50: {  	_ =	shalt  }
0x51: {  	_ =	shalt  }
0x52: {  	_ =	shalt  }
0x53: {  	_ =	shalt  }
0x54: {  	_ =	shalt  }
0x55: {  	_ =	shalt  }
0x56: {  	_ =	shalt  }
0x57: {  	_ =	shalt  }
0x58: {  	_ =	shalt  }
0x59: {  	_ =	shalt  }
0x5a: {  	_ =	shalt  }
0x5b: {  	_ =	shalt  }
0x5c: {  	_ =	shalt  }
0x5d: {  	_ =	shalt  }
0x5e: {  	_ =	shalt  }
0x5f: {  	_ =	shalt  }
0x60: {  	_ =	shalt  }
0x61: {  	_ =	shalt  }
0x62: {  	_ =	shalt  }
0x63: {  	_ =	shalt  }
0x64: {  	_ =	shalt  }
0x65: {  	_ =	shalt  }
0x66: {  	_ =	shalt  }
0x67: {  	_ =	shalt  }
0x68: {  	_ =	shalt  }
0x69: {  	_ =	shalt  }
0x6a: {  	_ =	shalt  }
0x6b: {  	_ =	shalt  }
0x6c: {  	_ =	shalt  }
0x6d: {  	_ =	shalt  }
0x6e: {  	_ =	shalt  }
0x6f: {  	_ =	shalt  }
0x70: {  	_ =	shalt  }
0x71: {  	_ =	shalt  }
0x72: {  	_ =	shalt  }
0x73: {  	_ =	shalt  }
0x74: {  	_ =	shalt  }
0x75: {  	_ =	shalt  }
0x76: {  	_ =	shalt  }
0x77: {  	_ =	shalt  }
0x78: {  	_ =	shalt  }
0x79: {  	_ =	shalt  }
0x7a: {  	_ =	shalt  }
0x7b: {  	_ =	shalt  }
0x7c: {  	_ =	shalt  }
0x7d: {  	_ =	shalt  }
0x7e: {  	_ =	shalt  }
0x7f: {  	_ =	shalt  }
0x80: {  	_ =	shalt  }
0x81: {  	_ =	shalt  }
0x82: {  	_ =	shalt  }
0x83: {  	_ =	shalt  }
0x84: {  	_ =	shalt  }
0x85: {  	_ =	shalt  }
0x86: {  	_ =	shalt  }
0x87: {  	_ =	shalt  }
.Lfunc_end0:
.L_simem_size_0:
called_computation.3_lowered:
.L_overlay_start_0:
0x88: {  	s2 =	sld [smem:$0x3FD9]  }
0x89: {  	s3 =	sld [smem:$0x3FFE];
	_ =	sdelay $0x1  }
0x8a: {  	s1 =	srdreg.scid  }
0x8b: {  	s0 =	sand.u32 $0x1, s1  }
0x8c: {  	s16 =	sshll.u32 s0, $0xA;
	s2 =	sadd.s32 s3, s2  }
0x8d: {  	s2 =	sadd.s32 s2, s16  }
0x8e: {  	[smem:$0x3FB7] =	sst s2  }
0x8f: {  	_ = 	snop  }
0x90: {  	(tm) =	ssettm $0x1  }
0x91: {  	s17 =	sld [smem:$0x3FFB];
	_ =	sdelay $0x3  }
0x92: {  	_ =	strace s17  }
0x93: {  	s2 =	sld [smem:$0x3FFC];
	_ =	sdelay $0x3  }
0x94: {  	_ =	strace s2  }
0x95: {  	s2 =	sld [smem:$0x3FFD];
	_ =	sdelay $0x3  }
0x96: {  	_ =	strace s2  }
0x97: {  	_ =	strace $0x8FFFFFFF  }
0x98: {  	s18 =	sld [smem:$0x3FDB];
	_ =	sdelay $0x1  }
0x99: {  	s19 =	simm.s32 $_scs_section_size  }
0x9a: {  	s4 =	simm.s32 $_size__tile_overlayer_lowered;
	s5 =	simm.s32 $_tile_overlayer_lowered  }
0x9b: {  	s22 =	simm.s32 $0x1BFF;
	s21 =	sshll.u32 s5, $0x1;
	s2 =	sadd.s32 s19, s18  }
0x9c: {  	s6 =	simm.s32 $0x0;
	s20 =	sshll.u32 s4, $0x1;
	s4 =	sadd.s32 s21, s2  }
0x9d: {  	[timem:s6], [sflag:s22] =	dma.local [hbm:s4], s20  }
0x9e: {  	_ =	swait.ge [sflag:s22], s20  }
0x9f: {  	s3 =	ssub.s32 $0x0, s20;
	[sflag:s22] =	ssyncset.done $0x0  }
0xa0: {  	[sflag:s22] =	ssyncadd.s32 s3;
	_ =	sdelay $0x1  }
0xa1: {  	s23 =	simm.s32 $0x1B8B  }
0xa2: {  	_ =	swait.ge [sflag:s23], $0x1  }
0xa3: {  	[sflag:s23] =	ssyncset.done $0x0  }
0xa4: {  	s25 =	simm.s32 $0x1B8E;
	s24 =	sld [smem:$0x3FFE];
	[sflag:s23] =	ssyncadd.s32 $0xFFFFFFFF  }
0xa5: {  	s26 =	simm.s32 $execute0_lowered;
	[smem:$0x3FD2] =	sst s25  }
0xa6: {  	s4 =	sshll.u32 s26, $0x1;
	_ =	strace $0x8000004F;
	[dreg:$0x1] =	wrdreg $0xFFFFFFFF  }
0xa7: {  	s28 =	simm.s32 $_size_execute0_lowered;
	s2 =	sadd.s32 s2, s4;
	[dreg:$0x0] =	wrdreg $0x0  }
0xa8: {  	s4 =	sshll.u32 s28, $0x1;
	[dreg:$0x2] =	wrdreg s2  }
0xa9: {  	[dreg:$0x3] =	wrdreg s4  }
0xaa: {  	[dreg:$0x4] =	wrdreg $0xC0  }
0xab: {  	_ =	task [dreg:s6], $0x5FFFF  }
0xac: {  	[dreg:$0x1] =	wrdreg $0xFFFFFFFF  }
0xad: {  	[dreg:$0x0] =	wrdreg $0x60  }
0xae: {  	[dreg:$0x2] =	wrdreg s24  }
0xaf: {  	[dreg:$0x3] =	wrdreg $0x150000  }
0xb0: {  	[dreg:$0x4] =	wrdreg $0x9  }
0xb1: {  	_ =	task.clear_ibuf [dreg:s6], $0x5FFFF;
	_ =	strace $0x9000004F  }
0xb2: {  	s29 =	simm.s32 $0x9;
	_ =	strace $0x80000051  }
0xb3: {  	_ =	swait.ge [sflag:s29], $0x1  }
0xb4: {  	[sflag:s29] =	ssyncadd.s32 $0xFFFFFFFF  }
0xb5: {  	_ =	strace $0x90000051  }
0xb6: {  	_ =	sfence  }
0xb7: {  	s30 =	sld [smem:$0x0];
	_ =	sdelay $0x2  }
0xb8: {  	s31 =	sshll.u32 s1, $0xD;
	s1 =	sshrl.u32 s1, $0x2  }
0xb9: {  	s3 =	sand.u32 $0x4000, s31;
	s1 =	sadd.s32 s1, s30  }
0xba: {  	s0 =	sor.u32 s3, s0;
	s1 =	sshll.u32 s1, $0x11  }
0xbb: {  	s0 =	sor.u32 s1, s0  }
0xbc: {  	s0 =	sadd.s32 $0x8F2B, s0  }
0xbd: {  	[sflag:s0] =	ssyncadd.remote.s32 $0x1  }
0xbe: {  	_ =	sfence.sel $0xFFFF  }
0xbf: {  	[dreg:$0x0] =	wrdreg $0xFFFFFFFF;
	(pc) =	sbr.abs _section_cstart, $3  }
0xc0: {  	[dreg:$0x1] =	wrdreg $0xFFFFFFFF  }
0xc1: {  	_ =	task.clear_ibuf [dreg:s6], $0x2FFFF;
	_ =	strace $0x9FFFFFFF  }
0xc2: {  	(tm) =	ssettm $0x7FFFFFFF  }
0xc3: {  	_ =	shalt  }
tec
execute0_lowered:
.L_overlay_start_1:
0x0: {  	(tag) =	ssettag $0x1  }
0x1: {  	s0 =	rddreg [dreg:$0x0]  }
0x2: {  	s1 =	rddreg [dreg:$0x1];
	s3 =	simm.s32 $0x0  }
0x3: {  	s15 =	stileid.u32;
	s6 =	srdreg.scid;
	s13 =	simm.s32 $0x5  }
0x4: {  	s17 =	simm.s32 $0x50;
	s18 =	simm.s32 $0x10000;
	s20 =	simm.s32 $0x12800  }
0x5: {  	s21 =	simm.s32 $0x1;
	s22 =	simm.s32 $0x3;
	s23 =	simm.s32 $0x2  }
0x6: {  	[smem:$0x7FF] =	sst s3;
	s2 =	sshll.u32 s15, $0xC;
	s5 =	smul.u32 $0x1380, s15  }
0x7: {  	s4 =	sadd.s32 $0x15800, s0;
	s6 =	sand.u32 $0x1, s6;
	s10 =	smul.u32 $0x27000, s15  }
0x8: {  	s9 =	sadd.s32 $0x60A00, s0;
	s29 =	smul.u32 $0x138, s15;
	s25 =	sadd.s32 $0x1388, s15  }
0x9: {  	s14 =	sadd.s32 $0x92400, s1;
	p0 =	seq.s32 s15, $0xF;
	_ =	strace $0x80000050  }
0xa: {  	s2 =	sadd.s32 s2, s0;
	s26 =	ssub.s32 $0x2, s6;
	s24 =	smul.u32 $0x1388, s6  }
0xb: {  	s12 =	smul.u32 $0x9C400, s6;
	s14 =	sshrl.u32 @p0 s14, $0x3;
	v2 =	vmov s25;
	s25 =	simm.s32 $0x4  }
0xc: {  	s7 =	sadd.s32 s5, s0;
	s8 =	sshrl.u32 s26, $0x1;
	s28 =	sadd.s32 $0x5800, s2  }
0xd: {  	s10 =	sshrl.u32 s10, $0x2;
	s2 =	sadd.s32 $0x50A00, s2;
	[dreg:$0x3] =	wrdreg s28  }
0xe: {  	s11 =	ssub.s32 s26, s8;
	s26 =	sadd.s32 $0x1388, s24;
	[dreg:$0x4] =	wrdreg s2  }
0xf: {  	s2 =	sadd.s32 s10, s1;
	s7 =	sadd.s32 $0x3CA00, s7;
	s8 =	sadd.s32 s29, s24  }
0x10: {  	s30 =	sshrl.u32 s12, $0x3;
	s12 =	simm.s32 $0x8000;
	s31 =	sshll.u32 s8, $0x4  }
0x11: {  	s10 =	sadd.s32 s9, s30;
	s8 =	sadd.s32 $0x4EE80, s0;
	s11 =	smax.u32 s11, $0x1  }
0x12: {  	s0 =	sshll.u32 @!p0 s15, $0x6;
	s16 =	sshrl.u32 @!p0 s2, $0x3;
	v1 =	vmov s26;
	s26 =	simm.s32 $0x0  }
0x13: {  	v0 =	vmov s24;
	s9 =	sadd.s32 s9, s31;
	s10 =	sadd.s32 $0x12480, s10;
	s15 =	sor.u32 @!p0 $0x1C05, s0  }
.LBB2_1:
0x14: {  	s0 =	rddreg [dreg:$0x3]  }
0x15: {  	[tilespmem:s12], [sflag:$0x5] =	stream.linear.gather [hbm4b:s0+s3], $0x7D00, $0x38;
	[tilespmem:$0x1ECC0] =	vst v63  }
0x16: {  	_ =	swait.ge [sflag:s13], $0x7D00  }
0x17: {  	[sflag:s13] =	ssyncset.done $0x0  }
0x18: {  	s28 =	simm.s32 $0x0;
	[sflag:s13] =	ssyncadd.s32 $0xFFFF8300  }
0x19: {  	v4 =	vld [tilespmem:s28+$0x8040];
	_ =	sdelay $0x2  }
0x1a: {  	v5 =	vld [tilespmem:s28+$0x8020]  }
0x1b: {  	v6 =	vld [tilespmem:s28+$0x8000]  }
0x1c: {  	vm0 =	vge.s32 v4, v0;
	vm1 =	vlt.s32 v4, v1  }
0x1d: {  	v3 =	vld [tilespmem:s28+$0x8030];
	v7 =	vsub.s32 v4, v0;
	vm0 =	vmand vm0, vm1  }
0x1e: {  	v4 =	vld [tilespmem:s28+$0x8010];
	v7 =	vsel vm0, v7, v2  }
0x1f: {  	s29 =	simm.s32 $0x200;
	vm1 =	vlt.s32 v5, v1;
	vm0 =	vge.s32 v5, v0;
	[tilespmem:s28+$0x8040] =	vst v7  }
.LBB2_2:
0x20: {  	s0 =	sshra.s32 s29, $0x2;
	p1 =	sne.s32 s29, $0x1F200;
	s29 =	sadd.s32 $0x200, s29;
	vm2 =	vlt.s32 v6, v1;
	v7 =	vsub.s32 v6, v0  }
0x21: {  	vm3 =	vge.s32 v6, v0;
	vm0 =	vmand vm0, vm1;
	v5 =	vsub.s32 v5, v0;
	v8 =	vld [tilespmem:s0+$0x8040]  }
0x22: {  	vm1 =	vmand vm3, vm2;
	v5 =	vsel vm0, v5, v2;
	vm0 =	vge.s32 v3, v0  }
0x23: {  	v6 =	vsel vm1, v7, v2;
	vm2 =	vlt.s32 v3, v1;
	vm1 =	vlt.s32 v4, v1;
	[tilespmem:s28+$0x8020] =	vst v5  }
0x24: {  	v3 =	vsub.s32 v3, v0;
	vm3 =	vge.s32 v4, v0;
	vm0 =	vmand vm0, vm2;
	v5 =	vld [tilespmem:s0+$0x8020];
	[tilespmem:s28+$0x8000] =	vst v6  }
.Ltmp0:
0x25: {  	v4 =	vsub.s32 v4, v0;
	vm1 =	vmand vm3, vm1;
	v3 =	vsel vm0, v3, v2;
	v6 =	vld [tilespmem:s0+$0x8000];
	(pc) =	sbr.rel @p1 .LBB2_2-.Ltmp0, $4  }
0x26: {  	v4 =	vsel vm1, v4, v2;
	vm0 =	vge.s32 v8, v0;
	vm2 =	vlt.s32 v8, v1;
	[tilespmem:s28+$0x8030] =	vst v3  }
0x27: {  	v7 =	vsub.s32 v8, v0;
	v3 =	vld [tilespmem:s0+$0x8030];
	vm0 =	vmand vm0, vm2;
	[tilespmem:s28+$0x8010] =	vst v4;
	s28 =	smov.u32 s0  }
0x28: {  	v4 =	vld [tilespmem:s28+$0x8010];
	v7 =	vsel vm0, v7, v2  }
0x29: {  	vm0 =	vge.s32 v5, v0;
	vm1 =	vlt.s32 v5, v1;
	[tilespmem:s28+$0x8040] =	vst v7  }
0x2a: {  	vm2 =	vlt.s32 v6, v1;
	v7 =	vsub.s32 v6, v0  }
0x2b: {  	vm3 =	vge.s32 v6, v0;
	vm0 =	vmand vm0, vm1;
	v5 =	vsub.s32 v5, v0  }
0x2c: {  	vm11 =	vmand vm3, vm2;
	v5 =	vsel vm0, v5, v2;
	vm12 =	vge.s32 v3, v0  }
0x2d: {  	v62 =	vsel vm11, v7, v2;
	vm14 =	vlt.s32 v3, v1;
	v3 =	vsub.s32 v3, v0  }
0x2e: {  	[tilespmem:s28+$0x8020] =	vst v5;
	vm13 =	vlt.s32 v4, v1;
	vm15 =	vge.s32 v4, v0;
	vm0 =	vmand vm12, vm14  }
0x2f: {  	[tilespmem:s28+$0x8000] =	vst v62;
	v63 =	vsub.s32 v4, v0;
	vm1 =	vmand vm15, vm13;
	v3 =	vsel vm0, v3, v2  }
0x30: {  	v4 =	vsel vm1, v63, v2;
	[tilespmem:s28+$0x8030] =	vst v3  }
0x31: {  	s0 =	rddreg [dreg:$0x4];
	[tilespmem:s28+$0x8010] =	vst v4  }
0x32: {  	[tilespmem:s3], [sflag:$0x5] =	stream.linear.gather [hbm4b:s0+s3], $0x7D00, $0x38;
	[tilespmem:$0x1ECC0] =	vst v63  }
0x33: {  	_ =	swait.ge [sflag:s13], $0x7D00  }
0x34: {  	[sflag:s13] =	ssyncset.done $0x0  }
0x35: {  	s0 =	simm.s32 @p0 $0x1FC5;
	[sflag:s13] =	ssyncadd.s32 $0xFFFF8300  }
0x36: {  	[spmem:s14], [sflag:s0] =	dma.local @p0 [hbm:s8], $0x1500  }
0x37: {  	s0 =	simm.s32 @p0 $0x5  }
0x38: {  	_ =	swait.ge @p0 [sflag:s0], $0x1500  }
0x39: {  	[sflag:s0] =	ssyncset.done @p0 $0x0  }
0x3a: {  	[sflag:s0] =	ssyncadd.s32 @p0 $0xFFFFEB00;
	s0 =	simm.s32 @!p0 $0x5  }
0x3b: {  	[spmem:s16], [sflag:s15] =	dma.local @!p0 [hbm:s7], $0x1380  }
0x3c: {  	_ =	swait.ge @!p0 [sflag:s0], $0x1380  }
0x3d: {  	[sflag:s0] =	ssyncset.done @!p0 $0x0  }
0x3e: {  	s19 =	simm.s32 $0x80;
	[sflag:s0] =	ssyncadd.s32 @!p0 $0xFFFFEC80  }
0x3f: {  	[tilespmem:s18], [sflag:$0x1] =	stream.indirect.gather [hbm4b:s4+s17], $0x80, s3, s17, $0xb8;
	[tilespmem:$0x1ECC0] =	vst v63  }
0x40: {  	s24 =	simm.s32 $0x1;
	s2 =	simm.s32 $0x2;
	[bflag:$0x0] =	sbarrier.arrive $0xFFFF  }
0x41: {  	[tilespmem:s20], [sflag:$0x2] =	stream.indirect.gather [hbm4b:s4+s17], $0x80, s19, s17, $0xb8;
	[tilespmem:$0x1ECC0] =	vst v63  }
0x42: {  	s30 =	simm.s32 $0x100;
	s19 =	sand.u32 $0x1, s24;
	_ =	swait.ge [sflag:s21], $0x2800  }
0x43: {  	s2 =	sand.u32 $0x1, s2;
	s0 =	sxor.u32 $0x1, s19;
	[sflag:s21] =	ssyncset.done $0x0  }
0x44: {  	s29 =	smul.u32 $0xA000, s2;
	s0 =	sadd.s32 $0x3, s0;
	[sflag:s21] =	ssyncadd.s32 $0xFFFFD800  }
0x45: {  	[spmem:s1] =	stream.indirect.scatter.add.f32 [tilespmem:s18], [sflag:$0x3], $0x80, s12, s17, $0xb8;
	[tilespmem:$0x1ECC0] =	vst v63  }
0x46: {  	s2 =	sadd.s32 $0x1, s2;
	s29 =	sshrl.u32 s29, $0x2;
	_ =	swait.ge [sflag:s0], $0x2800  }
0x47: {  	s5 =	sor.u32 $0x10000, s29;
	s29 =	simm.s32 $0x3;
	[sflag:s0] =	ssyncset.done $0x0  }
0x48: {  	s31 =	smul.u32 $0xA000, s19;
	s24 =	sadd.s32 $0x1, s19;
	[sflag:s0] =	ssyncadd.s32 $0xFFFFD800  }
0x49: {  	[tilespmem:s5], [sflag:s2] =	stream.indirect.gather [hbm4b:s4+s17], $0x80, s30, s17, $0xb8;
	[tilespmem:$0x1ECC0] =	vst v63  }
0x4a: {  	s28 =	simm.s32 $0x8080;
	s6 =	sshrl.u32 s31, $0x2;
	_ =	swait.ge [sflag:s24], $0x2800  }
0x4b: {  	s31 =	simm.s32 $0x180;
	s0 =	sor.u32 $0x10000, s6;
	[sflag:s24] =	ssyncset.done $0x0  }
0x4c: {  	s30 =	simm.s32 $0x8100;
	s2 =	sadd.s32 $0x3, s19;
	[sflag:s24] =	ssyncadd.s32 $0xFFFFD800  }
.LBB2_4:
0x4d: {  	[spmem:s1] =	stream.indirect.scatter.add.f32 [tilespmem:s0], [sflag:s2], $0x80, s28, s17, $0xb8;
	[tilespmem:$0x1ECC0] =	vst v63  }
0x4e: {  	s0 =	smov.u32 s29;
	s28 =	smov.u32 s30  }
0x4f: {  	p1 =	sne.s32 s29, $0xF9;
	s29 =	sadd.s32 $0x1, s29;
	s2 =	sadd.s32 $0xFFFFFFFF, s0  }
0x50: {  	s2 =	sand.u32 $0x1, s2  }
0x51: {  	s0 =	sand.u32 $0x1, s0;
	s19 =	sxor.u32 $0x1, s2;
	s24 =	smul.u32 $0xA000, s2  }
0x52: {  	s5 =	smul.u32 $0xA000, s0;
	s19 =	sadd.s32 $0x3, s19  }
0x53: {  	s0 =	sadd.s32 $0x1, s0;
	_ =	swait.ge [sflag:s19], $0x2800;
	s24 =	sshrl.u32 s24, $0x2  }
0x54: {  	s6 =	sadd.s32 $0x1, s2;
	s5 =	sshrl.u32 s5, $0x2;
	[sflag:s19] =	ssyncset.done $0x0  }
.Ltmp1:
0x55: {  	s5 =	sor.u32 $0x10000, s5;
	[sflag:s19] =	ssyncadd.s32 $0xFFFFD800;
	(pc) =	sbr.rel @p1 .LBB2_4-.Ltmp1, $4  }
0x56: {  	[tilespmem:s5], [sflag:s0] =	stream.indirect.gather [hbm4b:s4+s17], $0x80, s31, s17, $0xb8;
	[tilespmem:$0x1ECC0] =	vst v63  }
0x57: {  	_ =	swait.ge [sflag:s6], $0x2800  }
0x58: {  	s30 =	sadd.s32 $0x80, s30;
	s31 =	sadd.s32 $0x80, s31;
	[sflag:s6] =	ssyncset.done $0x0  }
0x59: {  	s2 =	sadd.s32 $0x3, s2;
	s0 =	sor.u32 $0x10000, s24;
	[sflag:s6] =	ssyncadd.s32 $0xFFFFD800  }
0x5a: {  	[spmem:s1] =	stream.indirect.scatter.add.f32 [tilespmem:s0], [sflag:s2], $0x80, s28, s17, $0xb8;
	[tilespmem:$0x1ECC0] =	vst v63  }
0x5b: {  	_ =	swait.ge [sflag:s22], $0x2800  }
0x5c: {  	[sflag:s22] =	ssyncset.done $0x0  }
0x5d: {  	[sflag:s22] =	ssyncadd.s32 $0xFFFFD800  }
0x5e: {  	_ =	swait.ge [sflag:s23], $0x2800  }
0x5f: {  	[sflag:s23] =	ssyncset.done $0x0  }
0x60: {  	s31 =	simm.s32 $0xFC80;
	[sflag:s23] =	ssyncadd.s32 $0xFFFFD800  }
0x61: {  	[spmem:s1] =	stream.indirect.scatter.add.f32 [tilespmem:s20], [sflag:$0x4], $0x80, s31, s17, $0xb8;
	[tilespmem:$0x1ECC0] =	vst v63  }
0x62: {  	_ =	swait.ge [sflag:s25], $0x2800  }
0x63: {  	[sflag:s25] =	ssyncset.done $0x0  }
0x64: {  	[sflag:s25] =	ssyncadd.s32 $0xFFFFD800  }
0x65: {  	s0 =	simm.s32 @p0 $0x1FC5;
	[bflag:$0x0] =	sbarrier.arrive $0xFFFF  }
0x66: {  	[hbm:s10], [sflag:s0] =	dma.local @p0 [spmem:s14], $0x1400  }
0x67: {  	s0 =	simm.s32 @p0 $0x5  }
0x68: {  	s26 =	sadd.s32 $0x1, s26;
	_ =	swait.ge @p0 [sflag:s0], $0x1400  }
0x69: {  	p1 =	sne.s32 s26, s11;
	[sflag:s0] =	ssyncset.done @p0 $0x0  }
.Ltmp2:
0x6a: {  	[sflag:s0] =	ssyncadd.s32 @p0 $0xFFFFEC00;
	s0 =	simm.s32 @!p0 $0x5;
	(pc) =	sbr.rel @p1 .LBB2_1-.Ltmp2, $4  }
0x6b: {  	[hbm:s9], [sflag:s15] =	dma.local @!p0 [spmem:s16], $0x1380  }
0x6c: {  	_ =	swait.ge @!p0 [sflag:s0], $0x1380  }
0x6d: {  	[sflag:s0] =	ssyncset.done @!p0 $0x0  }
0x6e: {  	[sflag:s0] =	ssyncadd.s32 @!p0 $0xFFFFEC80  }
0x6f: {  	_ =	sfence.sel $0x180000  }
0x70: {  	[bflag:$0x0] =	sbarrier.arrive $0xFFFF  }
0x71: {  	_ =	strace $0x90000050  }
0x72: {  	s0 =	stileid.u32;
	[bflag:$0x2] =	sbarrier.arrive $0xFFFF  }
0x73: {  	p0 =	sne.s32 s0, $0x0;
	s0 =	rddreg [dreg:$0x2]  }
0x74: {  	s0 =	sadd.s32 @!p0 $0x100000, s0  }
0x75: {  	[sflag:s0] =	ssyncadd.tile.s32 @!p0 $0x1;
	_ =	shalt  }
.Lfunc_end2:
_tile_overlayer_lowered:
.L_overlay_start_2:
0x76: {  	(tag) =	ssettag $0x2  }
0x77: {  	s0 =	rddreg [dreg:$0x0];
	s2 =	stileid.u32  }
0x78: {  	s1 =	rddreg [dreg:$0x1];
	p0 =	sne.s32 s2, $0x0  }
0x79: {  	s3 =	rddreg [dreg:$0x2];
	[bflag:$0x3] =	sbarrier.arrive $0xFFFF;
	s2 =	simm.s32 @!p0 $0x1C05  }
0x7a: {  	[timem:s3], [sflag:s2] =	dma.local @!p0 [hbm:s0], s1  }
0x7b: {  	s0 =	simm.s32 @!p0 $0x5  }
0x7c: {  	_ =	swait.ge @!p0 [sflag:s0], s1  }
0x7d: {  	s1 =	ssub.s32 @!p0 $0x0, s1;
	[sflag:s0] =	ssyncset.done @!p0 $0x0  }
0x7e: {  	[sflag:s0] =	ssyncadd.s32 @!p0 s1  }
0x7f: {  	[bflag:$0x3] =	sbarrier.arrive $0xFFFF  }
0x80: {  	_ =	shalt  }

</sc_bundles>
